<compile_context>
chip_gen: v7x
topology: tpu7x:2x2x1
jax: 0.10.2.dev20260603
libtpu: 0.0.44.dev20260713+nightly
codegen_flags: <defaults>
</compile_context>

<pallas_src>
import functools
import numpy as np
import jax
import jax.numpy as jnp
from jax import lax
from jax.experimental import pallas as pl
from jax.experimental.pallas import tpu as pltpu
from jax.experimental.pallas import tpu_sc as plsc

_H = 4
_ACC_W = 144
_B = 40
_NW = 32
_NSUB = 16



def _pre_body(x_ref, wcat_ref, bcat_ref, g1_ref, b1_ref,
              kv_ref, qs_ref, skip_ref):
    x = x_ref[...]
    mu = jnp.mean(x, axis=-1, keepdims=True)
    var = jnp.mean((x - mu) ** 2, axis=-1, keepdims=True)
    h = (x - mu) * lax.rsqrt(var + 1e-5) * g1_ref[...] + b1_ref[...]
    hw = jnp.dot(h, wcat_ref[...], preferred_element_type=jnp.float32)
    hw = hw + bcat_ref[...]
    d = x.shape[1]
    qs_ref[...] = hw[:, :d]
    kv_ref[...] = hw[:, d:3 * d]
    skip_ref[...] = hw[:, 3 * d:]


def _eemb_body(ea_ref, we_ref, em_ref):
    em_ref[...] = jnp.dot(ea_ref[...], we_ref[...],
                          preferred_element_type=jnp.float32)



def _sc_edge_body(n, e, kv_hbm, qs_hbm, ei_hbm, em_hbm, z_hbm, out_hbm,
                  acc, idx_s, idx_d, em_v, kv_v, q_v, out_v, sem1, sem2):
    c = lax.axis_index("c")
    s = lax.axis_index("s")
    wid = s * 2 + c
    epw = e // _NW
    nchunk = epw // _B
    rps = n // _NSUB

    pltpu.sync_copy(z_hbm, acc.at[pl.ds(s * rps, rps)])
    plsc.subcore_barrier()

    lane = lax.iota(jnp.int32, 16)
    _dn = lax.GatherDimensionNumbers(offset_dims=(), collapsed_slice_dims=(0,),
                                     start_index_map=(0,))

    def _rot(vec, r):
        idx = (lane + r) % 16
        return lax.gather(vec, idx[:, None], dimension_numbers=_dn,
                          slice_sizes=(1,),
                          mode=lax.GatherScatterMode.PROMISE_IN_BOUNDS)

    def _hsum(vec):
        for r in (8, 4, 2, 1):
            vec = vec + _rot(vec, r)
        return vec

    def chunk(j, _):
        base = wid * epw + j * _B
        pltpu.sync_copy(ei_hbm.at[0, pl.ds(base, _B)], idx_s)
        pltpu.sync_copy(ei_hbm.at[1, pl.ds(base, _B)], idx_d)
        cp0 = pltpu.async_copy(em_hbm.at[pl.ds(base, _B)], em_v, sem1)
        cp1 = pltpu.async_copy(kv_hbm.at[idx_s], kv_v, sem2)
        cp0.wait()
        cp1.wait()
        cp2 = pltpu.async_copy(qs_hbm.at[idx_d], q_v, sem1)
        cp2.wait()

        def edge(ei, _2):
            wc = jnp.zeros((16,), jnp.float32)
            for h in range(_H):
                ea_ = em_v[ei, pl.ds(32 * h, 16)]
                eb_ = em_v[ei, pl.ds(32 * h + 16, 16)]
                qa = q_v[ei, pl.ds(32 * h, 16)]
                qb = q_v[ei, pl.ds(32 * h + 16, 16)]
                ka = kv_v[ei, pl.ds(32 * h, 16)]
                kb = kv_v[ei, pl.ds(32 * h + 16, 16)]
                t = qa * (ka + ea_) + qb * (kb + eb_)
                av = _hsum(t)
                wv = jnp.exp(jnp.minimum(av, 60.0))
                va = kv_v[ei, pl.ds(128 + 32 * h, 16)]
                vb = kv_v[ei, pl.ds(128 + 32 * h + 16, 16)]
                out_v[ei, pl.ds(32 * h, 16)] = wv * (va + ea_)
                out_v[ei, pl.ds(32 * h + 16, 16)] = wv * (vb + eb_)
                wc = jnp.where(lane == h, wv, wc)
            out_v[ei, pl.ds(128, 16)] = jnp.where(lane < _H, wc, 0.0)
            return 0

        lax.fori_loop(0, _B, edge, 0, unroll=4)
        pltpu.sync_copy(out_v, acc.at[idx_d], add=True)
        return 0

    lax.fori_loop(0, nchunk, chunk, 0)
    plsc.subcore_barrier()

    pltpu.sync_copy(acc.at[pl.ds(s * rps, rps)],
                    out_hbm.at[pl.ds(c * n + s * rps, rps)])



def _post_body(acc_ref, x_ref, skip_ref, wf1_ref, bf1_ref,
               wf2_ref, bf2_ref, g2_ref, b2_ref, o_ref):
    a = acc_ref[0] + acc_ref[1]
    d = x_ref.shape[1]
    u1 = a[:, :d]
    ws = a[:, d:d + _H]
    rr = (lax.broadcasted_iota(jnp.int32, (_H, d), 1) // (d // _H)
          == lax.broadcasted_iota(jnp.int32, (_H, d), 0)).astype(jnp.float32)
    denom = jnp.dot(ws, rr, preferred_element_type=jnp.float32) + 1e-16
    x1 = x_ref[...] + u1 / denom + skip_ref[...]
    mu = jnp.mean(x1, axis=-1, keepdims=True)
    var = jnp.mean((x1 - mu) ** 2, axis=-1, keepdims=True)
    h2 = (x1 - mu) * lax.rsqrt(var + 1e-5) * g2_ref[...] + b2_ref[...]
    f1 = jnp.dot(h2, wf1_ref[...], preferred_element_type=jnp.float32)
    f1 = f1 + bf1_ref[...]
    f1 = 0.5 * f1 * (1.0 + lax.erf(f1 * np.float32(1.0 / np.sqrt(2.0))))
    ffn = jnp.dot(f1, wf2_ref[...], preferred_element_type=jnp.float32)
    o_ref[...] = x1 + ffn + bf2_ref[...]



def kernel(x, edge_index, edge_attr, Wq, bq, Wk, bk, Wv, bv, We, Wskip, bskip,
           ln1_g, ln1_b, ln2_g, ln2_b, Wf1, bf1, Wf2, bf2):
    n, d = x.shape
    e = edge_index.shape[1]
    ed = We.shape[0]
    h_, c_ = _H, d // _H
    dff = Wf1.shape[1]
    bn = 1000
    grid = (n // bn,)

    scale = np.float32(1.0 / np.sqrt(c_))
    wcat = jnp.concatenate([Wq * scale, Wk, Wv, Wskip], axis=1)
    bcat = jnp.concatenate([bq * scale, bk, bv, bskip])[None, :]
    zrows = jnp.zeros((n // _NSUB, _ACC_W), jnp.float32)

    kv, qs, skip = pl.pallas_call(
        _pre_body,
        grid=grid,
        in_specs=[
            pl.BlockSpec((bn, d), lambda i: (i, 0)),
            pl.BlockSpec((d, 4 * d), lambda i: (0, 0)),
            pl.BlockSpec((1, 4 * d), lambda i: (0, 0)),
            pl.BlockSpec((1, d), lambda i: (0, 0)),
            pl.BlockSpec((1, d), lambda i: (0, 0)),
        ],
        out_specs=[
            pl.BlockSpec((bn, 2 * d), lambda i: (i, 0)),
            pl.BlockSpec((bn, d), lambda i: (i, 0)),
            pl.BlockSpec((bn, d), lambda i: (i, 0)),
        ],
        out_shape=[
            jax.ShapeDtypeStruct((n, 2 * d), jnp.float32),
            jax.ShapeDtypeStruct((n, d), jnp.float32),
            jax.ShapeDtypeStruct((n, d), jnp.float32),
        ],
    )(x, wcat, bcat, ln1_g[None, :], ln1_b[None, :])

    be = 4000
    eemb = pl.pallas_call(
        _eemb_body,
        grid=(e // be,),
        in_specs=[
            pl.BlockSpec((be, ed), lambda i: (i, 0)),
            pl.BlockSpec((ed, d), lambda i: (0, 0)),
        ],
        out_specs=pl.BlockSpec((be, d), lambda i: (i, 0)),
        out_shape=jax.ShapeDtypeStruct((e, d), jnp.float32),
    )(edge_attr, We)

    mesh = plsc.VectorSubcoreMesh(core_axis_name="c", subcore_axis_name="s")
    acc2 = pl.kernel(
        functools.partial(_sc_edge_body, n, e),
        out_type=jax.ShapeDtypeStruct((2 * n, _ACC_W), jnp.float32),
        mesh=mesh,
        compiler_params=pltpu.CompilerParams(use_tc_tiling_on_sc=False),
        scratch_types=[
            pltpu.VMEM_SHARED((n, _ACC_W), jnp.float32),
            pltpu.VMEM((_B,), jnp.int32),
            pltpu.VMEM((_B,), jnp.int32),
            pltpu.VMEM((_B, d), jnp.float32),
            pltpu.VMEM((_B, 2 * d), jnp.float32),
            pltpu.VMEM((_B, d), jnp.float32),
            pltpu.VMEM((_B, _ACC_W), jnp.float32),
            pltpu.SemaphoreType.DMA,
            pltpu.SemaphoreType.DMA,
        ],
    )(kv, qs, edge_index, eemb, zrows)
    acc2 = acc2.reshape(2, n, _ACC_W)

    out = pl.pallas_call(
        _post_body,
        grid=grid,
        in_specs=[
            pl.BlockSpec((2, bn, _ACC_W), lambda i: (0, i, 0)),
            pl.BlockSpec((bn, d), lambda i: (i, 0)),
            pl.BlockSpec((bn, d), lambda i: (i, 0)),
            pl.BlockSpec((d, dff), lambda i: (0, 0)),
            pl.BlockSpec((1, dff), lambda i: (0, 0)),
            pl.BlockSpec((dff, d), lambda i: (0, 0)),
            pl.BlockSpec((1, d), lambda i: (0, 0)),
            pl.BlockSpec((1, d), lambda i: (0, 0)),
            pl.BlockSpec((1, d), lambda i: (0, 0)),
        ],
        out_specs=pl.BlockSpec((bn, d), lambda i: (i, 0)),
        out_shape=jax.ShapeDtypeStruct((n, d), jnp.float32),
    )(acc2, x, skip, Wf1, bf1[None, :], Wf2, bf2[None, :],
      ln2_g[None, :], ln2_b[None, :])
    return out

# --- scband reference (transcript-rebuilt; emitter-appended) ---
"""Pipeline reference for scband-local-transformer-block-9809705304973 (READ-ONLY COPY).

The authoritative reference and input builder live on the scoring server;
editing this copy changes nothing except your own understanding.
"""

import jax, jax.numpy as jnp
import numpy as np

N = 10000
E = 320000
D = 128
H = 4
C = D // H  # 32
ED = 16
DFF = 4 * D


def _layer_norm(x, g, b, eps=1e-5):
    mu = jnp.mean(x, axis=-1, keepdims=True)
    var = jnp.mean((x - mu) ** 2, axis=-1, keepdims=True)
    return (x - mu) / jnp.sqrt(var + eps) * g + b


def setup_inputs(seed: int = 0) -> dict:
    key = jax.random.key(seed)
    ks = jax.random.split(key, 24)
    s = lambda fan: 1.0 / np.sqrt(fan)
    inp = {}
    inp["x"] = jax.random.normal(ks[0], (N, D), dtype=jnp.float32)
    inp["edge_index"] = jax.random.randint(ks[1], (2, E), 0, N, dtype=jnp.int32)
    inp["edge_attr"] = jax.random.normal(ks[2], (E, ED), dtype=jnp.float32)
    # TransformerConv params
    inp["Wq"] = jax.random.normal(ks[3], (D, H * C), dtype=jnp.float32) * s(D)
    inp["bq"] = jnp.zeros((H * C,), dtype=jnp.float32)
    inp["Wk"] = jax.random.normal(ks[4], (D, H * C), dtype=jnp.float32) * s(D)
    inp["bk"] = jnp.zeros((H * C,), dtype=jnp.float32)
    inp["Wv"] = jax.random.normal(ks[5], (D, H * C), dtype=jnp.float32) * s(D)
    inp["bv"] = jnp.zeros((H * C,), dtype=jnp.float32)
    inp["We"] = jax.random.normal(ks[6], (ED, H * C), dtype=jnp.float32) * s(ED)
    inp["Wskip"] = jax.random.normal(ks[7], (D, H * C), dtype=jnp.float32) * s(D)
    inp["bskip"] = jnp.zeros((H * C,), dtype=jnp.float32)
    # norms
    inp["ln1_g"] = jnp.ones((D,), dtype=jnp.float32)
    inp["ln1_b"] = jnp.zeros((D,), dtype=jnp.float32)
    inp["ln2_g"] = jnp.ones((D,), dtype=jnp.float32)
    inp["ln2_b"] = jnp.zeros((D,), dtype=jnp.float32)
    # FFN
    inp["Wf1"] = jax.random.normal(ks[8], (D, DFF), dtype=jnp.float32) * s(D)
    inp["bf1"] = jnp.zeros((DFF,), dtype=jnp.float32)
    inp["Wf2"] = jax.random.normal(ks[9], (DFF, D), dtype=jnp.float32) * s(DFF)
    inp["bf2"] = jnp.zeros((D,), dtype=jnp.float32)
    return inp


def reference(x, edge_index, edge_attr, Wq, bq, Wk, bk, Wv, bv, We, Wskip, bskip,
              ln1_g, ln1_b, ln2_g, ln2_b, Wf1, bf1, Wf2, bf2):
    n = x.shape[0]
    e = edge_index.shape[1]
    src = edge_index[0]
    dst = edge_index[1]

    # --- TransformerConv on norm1(x) ---
    h = _layer_norm(x, ln1_g, ln1_b)
    q = (h @ Wq + bq).reshape(n, H, C)
    k = (h @ Wk + bk).reshape(n, H, C)
    v = (h @ Wv + bv).reshape(n, H, C)
    eemb = (edge_attr @ We).reshape(e, H, C)  # lin_edge (no bias)

    k_j = k[src] + eemb
    v_j = v[src] + eemb
    q_i = q[dst]

    alpha = jnp.sum(q_i * k_j, axis=-1) / jnp.sqrt(float(C))  # [E, H]
    m = jax.ops.segment_max(alpha, dst, num_segments=n)
    alpha = jnp.exp(alpha - m[dst])
    denom = jax.ops.segment_sum(alpha, dst, num_segments=n)
    p = alpha / (denom[dst] + 1e-16)  # softmax over incoming edges

    agg = jax.ops.segment_sum(p[:, :, None] * v_j, dst, num_segments=n)  # [N, H, C]
    conv_out = agg.reshape(n, H * C) + (h @ Wskip + bskip)  # root/skip weight

    x1 = x + conv_out

    # --- FFN on norm2(x1) ---
    h2 = _layer_norm(x1, ln2_g, ln2_b)
    ffn = jax.nn.gelu(h2 @ Wf1 + bf1, approximate=False) @ Wf2 + bf2
    return x1 + ffn

if __name__ == "__main__":
    import jax
    _d = setup_inputs()
    print(jax.jit(kernel)(*tuple(_d.values())))

</pallas_src>

<mosaic_0001>
#map = affine_map<(d0, d1) -> (0, 0)>
module attributes {stable_mosaic.version = 14 : i64} {
  func.func @_sc_edge_body(%arg0: i32, %arg1: i32, %arg2: memref<10000x256xf32, #tpu.memory_space<hbm>>, %arg3: memref<10000x128xf32, #tpu.memory_space<hbm>>, %arg4: memref<2x320000xi32, #tpu.memory_space<hbm>>, %arg5: memref<320000x128xf32, #tpu.memory_space<hbm>>, %arg6: memref<625x144xf32, #tpu.memory_space<hbm>>, %arg7: memref<20000x144xf32, #tpu.memory_space<hbm>>, %arg8: memref<10000x144xf32, #tpu.memory_space<vmem_shared>>, %arg9: memref<40xi32, #tpu.memory_space<vmem>>, %arg10: memref<40xi32, #tpu.memory_space<vmem>>, %arg11: memref<40x128xf32, #tpu.memory_space<vmem>>, %arg12: memref<40x256xf32, #tpu.memory_space<vmem>>, %arg13: memref<40x128xf32, #tpu.memory_space<vmem>>, %arg14: memref<40x144xf32, #tpu.memory_space<vmem>>, %arg15: memref<!tpu.dma_semaphore, #tpu.memory_space<semaphore_mem>>, %arg16: memref<!tpu.dma_semaphore, #tpu.memory_space<semaphore_mem>>) attributes {dimension_semantics = [#tpu.dimension_semantics<core_parallel>, #tpu.dimension_semantics<subcore_parallel>], iteration_bounds = array<i64: 2, 16>, scalar_prefetch = 0 : i64, scratch_operands = 9 : i64, tpu.core_type = #tpu.core_type<sc_vector_subcore>, window_params = [{transform_indices = #map}, {transform_indices = #map}, {transform_indices = #map}, {transform_indices = #map}, {transform_indices = #map}, {transform_indices = #map}]} {
    %mul3A = arith.constant 2 : i32
    %mul3A_0 = arith.muli %arg1, %mul3A : i32
    %add3A = arith.addi %mul3A_0, %arg0 : i32
    %mul3A_1 = arith.constant 625 : i32
    %mul3A_2 = arith.muli %arg1, %mul3A_1 : i32
    "tpu.region"() ({
      %run_scoped3A = tpu.sem_alloc : memref<!tpu.dma_semaphore, #tpu.memory_space<semaphore_mem>>
      %dma_start3A = arith.constant 0 : i32
      %dma_start3A_17 = tpu.memref_slice %arg8[%mul3A_2, %dma_start3A] : memref<10000x144xf32, #tpu.memory_space<vmem_shared>> -> memref<625x144xf32, #tpu.memory_space<vmem_shared>>
      tpu.enqueue_dma source(%arg6 : memref<625x144xf32, #tpu.memory_space<hbm>>) target(%dma_start3A_17 : memref<625x144xf32, #tpu.memory_space<vmem_shared>>) target_semaphore(%run_scoped3A : memref<!tpu.dma_semaphore, #tpu.memory_space<semaphore_mem>>)
      %dma_wait3A = arith.constant 0 : i32
      %dma_wait3A_18 = tpu.memref_slice %arg8[%mul3A_2, %dma_wait3A] : memref<10000x144xf32, #tpu.memory_space<vmem_shared>> -> memref<625x144xf32, #tpu.memory_space<vmem_shared>>
      tpu.wait_dma2 semaphore(%run_scoped3A : memref<!tpu.dma_semaphore, #tpu.memory_space<semaphore_mem>>) src(%arg6 : memref<625x144xf32, #tpu.memory_space<hbm>>) dst(%dma_wait3A_18 : memref<625x144xf32, #tpu.memory_space<vmem_shared>>)
      tpu.yield
    }) : () -> ()
    %barrier3A = arith.constant 0 : index
    tpu.barrier barrier_id(%barrier3A)
    %iota3A = tpu.iota {dimensions = array<i32: 0>} : vector<16xi32>
    %scan3A = arith.constant 0 : i32
    %scan3A_3 = arith.constant 0 : i32
    %scan3A_4 = arith.constant 250 : i32
    %scan3A_5 = arith.addi %scan3A_3, %scan3A_4 : i32
    %scan3A_6 = arith.constant 1 : i32
    %scan3A_7 = scf.for %scan3A_17 = %scan3A_3 to %scan3A_5 step %scan3A_6 iter_args(%scan3A_18 = %scan3A) -> (i32)  : i32 {
      %mul3A_19 = arith.constant 10000 : i32
      %mul3A_20 = arith.muli %add3A, %mul3A_19 : i32
      %mul3A_21 = arith.constant 40 : i32
      %mul3A_22 = arith.muli %scan3A_17, %mul3A_21 : i32
      %add3A_23 = arith.addi %mul3A_20, %mul3A_22 : i32
      %run_scoped3A = arith.constant 0 : i32
      "tpu.region"() ({
        %run_scoped3A_51 = tpu.sem_alloc : memref<!tpu.dma_semaphore, #tpu.memory_space<semaphore_mem>>
        %dma_start3A_52 = tpu.memref_slice %arg4[%run_scoped3A, %add3A_23] : memref<2x320000xi32, #tpu.memory_space<hbm>> -> memref<1x40xi32, #tpu.memory_space<hbm>>
        %dma_start3A_53 = tpu.memref_squeeze %dma_start3A_52 : memref<1x40xi32, #tpu.memory_space<hbm>> -> memref<40xi32, #tpu.memory_space<hbm>>
        %dma_start3A_54 = tpu.memref_slice %arg4[%run_scoped3A, %add3A_23] : memref<2x320000xi32, #tpu.memory_space<hbm>> -> memref<1x40xi32, #tpu.memory_space<hbm>>
        %dma_start3A_55 = tpu.memref_squeeze %dma_start3A_54 : memref<1x40xi32, #tpu.memory_space<hbm>> -> memref<40xi32, #tpu.memory_space<hbm>>
        tpu.enqueue_dma source(%dma_start3A_55 : memref<40xi32, #tpu.memory_space<hbm>>) target(%arg9 : memref<40xi32, #tpu.memory_space<vmem>>) target_semaphore(%run_scoped3A_51 : memref<!tpu.dma_semaphore, #tpu.memory_space<semaphore_mem>>)
        %dma_wait3A_56 = tpu.memref_slice %arg4[%run_scoped3A, %add3A_23] : memref<2x320000xi32, #tpu.memory_space<hbm>> -> memref<1x40xi32, #tpu.memory_space<hbm>>
        %dma_wait3A_57 = tpu.memref_squeeze %dma_wait3A_56 : memref<1x40xi32, #tpu.memory_space<hbm>> -> memref<40xi32, #tpu.memory_space<hbm>>
        %dma_wait3A_58 = tpu.memref_slice %arg4[%run_scoped3A, %add3A_23] : memref<2x320000xi32, #tpu.memory_space<hbm>> -> memref<1x40xi32, #tpu.memory_space<hbm>>
        %dma_wait3A_59 = tpu.memref_squeeze %dma_wait3A_58 : memref<1x40xi32, #tpu.memory_space<hbm>> -> memref<40xi32, #tpu.memory_space<hbm>>
        tpu.wait_dma2 semaphore(%run_scoped3A_51 : memref<!tpu.dma_semaphore, #tpu.memory_space<semaphore_mem>>) src(%dma_wait3A_59 : memref<40xi32, #tpu.memory_space<hbm>>) dst(%arg9 : memref<40xi32, #tpu.memory_space<vmem>>)
        tpu.yield
      }) : () -> ()
      %run_scoped3A_24 = arith.constant 1 : i32
      "tpu.region"() ({
        %run_scoped3A_51 = tpu.sem_alloc : memref<!tpu.dma_semaphore, #tpu.memory_space<semaphore_mem>>
        %dma_start3A_52 = tpu.memref_slice %arg4[%run_scoped3A_24, %add3A_23] : memref<2x320000xi32, #tpu.memory_space<hbm>> -> memref<1x40xi32, #tpu.memory_space<hbm>>
        %dma_start3A_53 = tpu.memref_squeeze %dma_start3A_52 : memref<1x40xi32, #tpu.memory_space<hbm>> -> memref<40xi32, #tpu.memory_space<hbm>>
        %dma_start3A_54 = tpu.memref_slice %arg4[%run_scoped3A_24, %add3A_23] : memref<2x320000xi32, #tpu.memory_space<hbm>> -> memref<1x40xi32, #tpu.memory_space<hbm>>
        %dma_start3A_55 = tpu.memref_squeeze %dma_start3A_54 : memref<1x40xi32, #tpu.memory_space<hbm>> -> memref<40xi32, #tpu.memory_space<hbm>>
        tpu.enqueue_dma source(%dma_start3A_55 : memref<40xi32, #tpu.memory_space<hbm>>) target(%arg10 : memref<40xi32, #tpu.memory_space<vmem>>) target_semaphore(%run_scoped3A_51 : memref<!tpu.dma_semaphore, #tpu.memory_space<semaphore_mem>>)
        %dma_wait3A_56 = tpu.memref_slice %arg4[%run_scoped3A_24, %add3A_23] : memref<2x320000xi32, #tpu.memory_space<hbm>> -> memref<1x40xi32, #tpu.memory_space<hbm>>
        %dma_wait3A_57 = tpu.memref_squeeze %dma_wait3A_56 : memref<1x40xi32, #tpu.memory_space<hbm>> -> memref<40xi32, #tpu.memory_space<hbm>>
        %dma_wait3A_58 = tpu.memref_slice %arg4[%run_scoped3A_24, %add3A_23] : memref<2x320000xi32, #tpu.memory_space<hbm>> -> memref<1x40xi32, #tpu.memory_space<hbm>>
        %dma_wait3A_59 = tpu.memref_squeeze %dma_wait3A_58 : memref<1x40xi32, #tpu.memory_space<hbm>> -> memref<40xi32, #tpu.memory_space<hbm>>
        tpu.wait_dma2 semaphore(%run_scoped3A_51 : memref<!tpu.dma_semaphore, #tpu.memory_space<semaphore_mem>>) src(%dma_wait3A_59 : memref<40xi32, #tpu.memory_space<hbm>>) dst(%arg10 : memref<40xi32, #tpu.memory_space<vmem>>)
        tpu.yield
      }) : () -> ()
      %dma_start3A = arith.constant 0 : i32
      %dma_start3A_25 = tpu.memref_slice %arg5[%add3A_23, %dma_start3A] : memref<320000x128xf32, #tpu.memory_space<hbm>> -> memref<40x128xf32, #tpu.memory_space<hbm>>
      %dma_start3A_26 = arith.constant 0 : i32
      %dma_start3A_27 = tpu.memref_slice %arg5[%add3A_23, %dma_start3A_26] : memref<320000x128xf32, #tpu.memory_space<hbm>> -> memref<40x128xf32, #tpu.memory_space<hbm>>
      tpu.enqueue_dma source(%dma_start3A_27 : memref<40x128xf32, #tpu.memory_space<hbm>>) target(%arg11 : memref<40x128xf32, #tpu.memory_space<vmem>>) target_semaphore(%arg15 : memref<!tpu.dma_semaphore, #tpu.memory_space<semaphore_mem>>)
      %dma_start3A_28 = arith.constant 0 : i32
      %dma_start3A_29 = arith.constant 0 : i32
      %dma_start3A_30 = tpu.memref_slice %arg2[%dma_start3A_28, %dma_start3A_29] : memref<10000x256xf32, #tpu.memory_space<hbm>> -> memref<10000x256xf32, #tpu.memory_space<hbm>>
      tpu.enqueue_indirect_dma source(%dma_start3A_30 : memref<10000x256xf32, #tpu.memory_space<hbm>>) target(%arg12 : memref<40x256xf32, #tpu.memory_space<vmem>>) offsets(%arg9 : memref<40xi32, #tpu.memory_space<vmem>>) semaphore(%arg16 : memref<!tpu.dma_semaphore, #tpu.memory_space<semaphore_mem>>)
      %dma_wait3A = arith.constant 0 : i32
      %dma_wait3A_31 = tpu.memref_slice %arg5[%add3A_23, %dma_wait3A] : memref<320000x128xf32, #tpu.memory_space<hbm>> -> memref<40x128xf32, #tpu.memory_space<hbm>>
      %dma_wait3A_32 = arith.constant 0 : i32
      %dma_wait3A_33 = tpu.memref_slice %arg5[%add3A_23, %dma_wait3A_32] : memref<320000x128xf32, #tpu.memory_space<hbm>> -> memref<40x128xf32, #tpu.memory_space<hbm>>
      tpu.wait_dma2 semaphore(%arg15 : memref<!tpu.dma_semaphore, #tpu.memory_space<semaphore_mem>>) src(%dma_wait3A_33 : memref<40x128xf32, #tpu.memory_space<hbm>>) dst(%arg11 : memref<40x128xf32, #tpu.memory_space<vmem>>)
      %dma_wait3A_34 = arith.constant 0 : i32
      %dma_wait3A_35 = arith.constant 0 : i32
      %dma_wait3A_36 = tpu.memref_slice %arg2[%dma_wait3A_34, %dma_wait3A_35] : memref<10000x256xf32, #tpu.memory_space<hbm>> -> memref<10000x256xf32, #tpu.memory_space<hbm>>
      tpu.wait_indirect_dma semaphore(%arg16 : memref<!tpu.dma_semaphore, #tpu.memory_space<semaphore_mem>>) src(%dma_wait3A_36 : memref<10000x256xf32, #tpu.memory_space<hbm>>) dst(%arg12 : memref<40x256xf32, #tpu.memory_space<vmem>>)
      %dma_start3A_37 = arith.constant 0 : i32
      %dma_start3A_38 = arith.constant 0 : i32
      %dma_start3A_39 = tpu.memref_slice %arg3[%dma_start3A_37, %dma_start3A_38] : memref<10000x128xf32, #tpu.memory_space<hbm>> -> memref<10000x128xf32, #tpu.memory_space<hbm>>
      tpu.enqueue_indirect_dma source(%dma_start3A_39 : memref<10000x128xf32, #tpu.memory_space<hbm>>) target(%arg13 : memref<40x128xf32, #tpu.memory_space<vmem>>) offsets(%arg10 : memref<40xi32, #tpu.memory_space<vmem>>) semaphore(%arg15 : memref<!tpu.dma_semaphore, #tpu.memory_space<semaphore_mem>>)
      %dma_wait3A_40 = arith.constant 0 : i32
      %dma_wait3A_41 = arith.constant 0 : i32
      %dma_wait3A_42 = tpu.memref_slice %arg3[%dma_wait3A_40, %dma_wait3A_41] : memref<10000x128xf32, #tpu.memory_space<hbm>> -> memref<10000x128xf32, #tpu.memory_space<hbm>>
      tpu.wait_indirect_dma semaphore(%arg15 : memref<!tpu.dma_semaphore, #tpu.memory_space<semaphore_mem>>) src(%dma_wait3A_42 : memref<10000x128xf32, #tpu.memory_space<hbm>>) dst(%arg13 : memref<40x128xf32, #tpu.memory_space<vmem>>)
      %scan3A_43 = arith.constant 0 : i32
      %scan3A_44 = arith.constant 0 : i32
      %scan3A_45 = arith.constant 40 : i32
      %scan3A_46 = arith.addi %scan3A_44, %scan3A_45 : i32
      %scan3A_47 = arith.constant 4 : i32
      %scan3A_48 = scf.for %scan3A_51 = %scan3A_44 to %scan3A_46 step %scan3A_47 iter_args(%scan3A_52 = %scan3A_43) -> (i32)  : i32 {
        %broadcast_in_dim3A = arith.constant 0.000000e+00 : f32
        %broadcast_in_dim3A_53 = vector.broadcast %broadcast_in_dim3A : f32 to vector<16xf32>
        %get3A = arith.index_cast %scan3A_51 : i32 to index
        %get3A_54 = arith.constant 0 : index
        %get3A_55 = tpu.vector_load %arg11[%get3A, %get3A_54] {strides = array<i32>} : memref<40x128xf32, #tpu.memory_space<vmem>>, vector<1x16xf32>,
        %get3A_56 = vector.shape_cast %get3A_55 : vector<1x16xf32> to vector<16xf32>
        %get3A_57 = arith.index_cast %scan3A_51 : i32 to index
        %get3A_58 = arith.constant 16 : index
        %get3A_59 = tpu.vector_load %arg11[%get3A_57, %get3A_58] {strides = array<i32>} : memref<40x128xf32, #tpu.memory_space<vmem>>, vector<1x16xf32>,
        %get3A_60 = vector.shape_cast %get3A_59 : vector<1x16xf32> to vector<16xf32>
        %get3A_61 = arith.index_cast %scan3A_51 : i32 to index
        %get3A_62 = arith.constant 0 : index
        %get3A_63 = tpu.vector_load %arg13[%get3A_61, %get3A_62] {strides = array<i32>} : memref<40x128xf32, #tpu.memory_space<vmem>>, vector<1x16xf32>,
        %get3A_64 = vector.shape_cast %get3A_63 : vector<1x16xf32> to vector<16xf32>
        %get3A_65 = arith.index_cast %scan3A_51 : i32 to index
        %get3A_66 = arith.constant 16 : index
        %get3A_67 = tpu.vector_load %arg13[%get3A_65, %get3A_66] {strides = array<i32>} : memref<40x128xf32, #tpu.memory_space<vmem>>, vector<1x16xf32>,
        %get3A_68 = vector.shape_cast %get3A_67 : vector<1x16xf32> to vector<16xf32>
        %get3A_69 = arith.index_cast %scan3A_51 : i32 to index
        %get3A_70 = arith.constant 0 : index
        %get3A_71 = tpu.vector_load %arg12[%get3A_69, %get3A_70] {strides = array<i32>} : memref<40x256xf32, #tpu.memory_space<vmem>>, vector<1x16xf32>,
        %get3A_72 = vector.shape_cast %get3A_71 : vector<1x16xf32> to vector<16xf32>
        %get3A_73 = arith.index_cast %scan3A_51 : i32 to index
        %get3A_74 = arith.constant 16 : index
        %get3A_75 = tpu.vector_load %arg12[%get3A_73, %get3A_74] {strides = array<i32>} : memref<40x256xf32, #tpu.memory_space<vmem>>, vector<1x16xf32>,
        %get3A_76 = vector.shape_cast %get3A_75 : vector<1x16xf32> to vector<16xf32>
        %add3A_77 = arith.addf %get3A_72, %get3A_56 : vector<16xf32>
        %mul3A_78 = arith.mulf %get3A_64, %add3A_77 : vector<16xf32>
        %add3A_79 = arith.addf %get3A_76, %get3A_60 : vector<16xf32>
        %mul3A_80 = arith.mulf %get3A_68, %add3A_79 : vector<16xf32>
        %add3A_81 = arith.addf %mul3A_78, %mul3A_80 : vector<16xf32>
        %add3A_82 = arith.constant 8 : i32
        %add3A_83 = vector.broadcast %add3A_82 : i32 to vector<16xi32>
        %add3A_84 = arith.addi %iota3A, %add3A_83 : vector<16xi32>
        %jit3A = arith.constant 16 : i32
        %eq3A = arith.constant 0 : i32
        %eq3A_85 = arith.cmpi eq, %jit3A, %eq3A : i32
        %jit3A_86 = arith.constant 1 : i32
        %select_n3A = arith.select %eq3A_85, %jit3A_86, %jit3A : i32
        %rem3A = vector.broadcast %select_n3A : i32 to vector<16xi32>
        %rem3A_87 = arith.remsi %add3A_84, %rem3A : vector<16xi32>
        %ne3A = arith.constant 0 : i32
        %ne3A_88 = vector.broadcast %ne3A : i32 to vector<16xi32>
        %ne3A_89 = arith.cmpi ne, %rem3A_87, %ne3A_88 : vector<16xi32>
        %lt3A = arith.constant 0 : i32
        %lt3A_90 = vector.broadcast %lt3A : i32 to vector<16xi32>
        %lt3A_91 = arith.cmpi slt, %rem3A_87, %lt3A_90 : vector<16xi32>
        %lt3A_92 = arith.constant 0 : i32
        %lt3A_93 = arith.cmpi slt, %select_n3A, %lt3A_92 : i32
        %ne3A_94 = vector.broadcast %lt3A_93 : i1 to vector<16xi1>
        %ne3A_95 = vector.broadcast %ne3A_94 : vector<16xi1> to vector<16xi1>
        %ne3A_96 = arith.xori %lt3A_91, %ne3A_95 : vector<16xi1>
        %and3A = arith.andi %ne3A_96, %ne3A_89 : vector<16xi1>
        %add3A_97 = vector.broadcast %select_n3A : i32 to vector<16xi32>
        %add3A_98 = arith.addi %rem3A_87, %add3A_97 : vector<16xi32>
        %select_n3A_99 = arith.select %and3A, %add3A_98, %rem3A_87 : vector<16xi1>, vector<16xi32>
        %broadcast_in_dim3A_100 = vector.shape_cast %select_n3A_99 : vector<16xi32> to vector<16x1xi32>
        %gather3A = vector.shape_cast %broadcast_in_dim3A_100 : vector<16x1xi32> to vector<16xi32>
        %gather3A_101 = tpu.dynamic_gather %add3A_81[%gather3A] in [0] : vector<16xf32>, vector<16xi32> -> vector<16xf32>
        %add3A_102 = arith.addf %add3A_81, %gather3A_101 : vector<16xf32>
        %add3A_103 = arith.constant 4 : i32
        %add3A_104 = vector.broadcast %add3A_103 : i32 to vector<16xi32>
        %add3A_105 = arith.addi %iota3A, %add3A_104 : vector<16xi32>
        %jit3A_106 = arith.constant 16 : i32
        %eq3A_107 = arith.constant 0 : i32
        %eq3A_108 = arith.cmpi eq, %jit3A_106, %eq3A_107 : i32
        %jit3A_109 = arith.constant 1 : i32
        %select_n3A_110 = arith.select %eq3A_108, %jit3A_109, %jit3A_106 : i32
        %rem3A_111 = vector.broadcast %select_n3A_110 : i32 to vector<16xi32>
        %rem3A_112 = arith.remsi %add3A_105, %rem3A_111 : vector<16xi32>
        %ne3A_113 = arith.constant 0 : i32
        %ne3A_114 = vector.broadcast %ne3A_113 : i32 to vector<16xi32>
        %ne3A_115 = arith.cmpi ne, %rem3A_112, %ne3A_114 : vector<16xi32>
        %lt3A_116 = arith.constant 0 : i32
        %lt3A_117 = vector.broadcast %lt3A_116 : i32 to vector<16xi32>
        %lt3A_118 = arith.cmpi slt, %rem3A_112, %lt3A_117 : vector<16xi32>
        %lt3A_119 = arith.constant 0 : i32
        %lt3A_120 = arith.cmpi slt, %select_n3A_110, %lt3A_119 : i32
        %ne3A_121 = vector.broadcast %lt3A_120 : i1 to vector<16xi1>
        %ne3A_122 = vector.broadcast %ne3A_121 : vector<16xi1> to vector<16xi1>
        %ne3A_123 = arith.xori %lt3A_118, %ne3A_122 : vector<16xi1>
        %and3A_124 = arith.andi %ne3A_123, %ne3A_115 : vector<16xi1>
        %add3A_125 = vector.broadcast %select_n3A_110 : i32 to vector<16xi32>
        %add3A_126 = arith.addi %rem3A_112, %add3A_125 : vector<16xi32>
        %select_n3A_127 = arith.select %and3A_124, %add3A_126, %rem3A_112 : vector<16xi1>, vector<16xi32>
        %broadcast_in_dim3A_128 = vector.shape_cast %select_n3A_127 : vector<16xi32> to vector<16x1xi32>
        %gather3A_129 = vector.shape_cast %broadcast_in_dim3A_128 : vector<16x1xi32> to vector<16xi32>
        %gather3A_130 = tpu.dynamic_gather %add3A_102[%gather3A_129] in [0] : vector<16xf32>, vector<16xi32> -> vector<16xf32>
        %add3A_131 = arith.addf %add3A_102, %gather3A_130 : vector<16xf32>
        %add3A_132 = arith.constant 2 : i32
        %add3A_133 = vector.broadcast %add3A_132 : i32 to vector<16xi32>
        %add3A_134 = arith.addi %iota3A, %add3A_133 : vector<16xi32>
        %jit3A_135 = arith.constant 16 : i32
        %eq3A_136 = arith.constant 0 : i32
        %eq3A_137 = arith.cmpi eq, %jit3A_135, %eq3A_136 : i32
        %jit3A_138 = arith.constant 1 : i32
        %select_n3A_139 = arith.select %eq3A_137, %jit3A_138, %jit3A_135 : i32
        %rem3A_140 = vector.broadcast %select_n3A_139 : i32 to vector<16xi32>
        %rem3A_141 = arith.remsi %add3A_134, %rem3A_140 : vector<16xi32>
        %ne3A_142 = arith.constant 0 : i32
        %ne3A_143 = vector.broadcast %ne3A_142 : i32 to vector<16xi32>
        %ne3A_144 = arith.cmpi ne, %rem3A_141, %ne3A_143 : vector<16xi32>
        %lt3A_145 = arith.constant 0 : i32
        %lt3A_146 = vector.broadcast %lt3A_145 : i32 to vector<16xi32>
        %lt3A_147 = arith.cmpi slt, %rem3A_141, %lt3A_146 : vector<16xi32>
        %lt3A_148 = arith.constant 0 : i32
        %lt3A_149 = arith.cmpi slt, %select_n3A_139, %lt3A_148 : i32
        %ne3A_150 = vector.broadcast %lt3A_149 : i1 to vector<16xi1>
        %ne3A_151 = vector.broadcast %ne3A_150 : vector<16xi1> to vector<16xi1>
        %ne3A_152 = arith.xori %lt3A_147, %ne3A_151 : vector<16xi1>
        %and3A_153 = arith.andi %ne3A_152, %ne3A_144 : vector<16xi1>
        %add3A_154 = vector.broadcast %select_n3A_139 : i32 to vector<16xi32>
        %add3A_155 = arith.addi %rem3A_141, %add3A_154 : vector<16xi32>
        %select_n3A_156 = arith.select %and3A_153, %add3A_155, %rem3A_141 : vector<16xi1>, vector<16xi32>
        %broadcast_in_dim3A_157 = vector.shape_cast %select_n3A_156 : vector<16xi32> to vector<16x1xi32>
        %gather3A_158 = vector.shape_cast %broadcast_in_dim3A_157 : vector<16x1xi32> to vector<16xi32>
        %gather3A_159 = tpu.dynamic_gather %add3A_131[%gather3A_158] in [0] : vector<16xf32>, vector<16xi32> -> vector<16xf32>
        %add3A_160 = arith.addf %add3A_131, %gather3A_159 : vector<16xf32>
        %add3A_161 = arith.constant 1 : i32
        %add3A_162 = vector.broadcast %add3A_161 : i32 to vector<16xi32>
        %add3A_163 = arith.addi %iota3A, %add3A_162 : vector<16xi32>
        %jit3A_164 = arith.constant 16 : i32
        %eq3A_165 = arith.constant 0 : i32
        %eq3A_166 = arith.cmpi eq, %jit3A_164, %eq3A_165 : i32
        %jit3A_167 = arith.constant 1 : i32
        %select_n3A_168 = arith.select %eq3A_166, %jit3A_167, %jit3A_164 : i32
        %rem3A_169 = vector.broadcast %select_n3A_168 : i32 to vector<16xi32>
        %rem3A_170 = arith.remsi %add3A_163, %rem3A_169 : vector<16xi32>
        %ne3A_171 = arith.constant 0 : i32
        %ne3A_172 = vector.broadcast %ne3A_171 : i32 to vector<16xi32>
        %ne3A_173 = arith.cmpi ne, %rem3A_170, %ne3A_172 : vector<16xi32>
        %lt3A_174 = arith.constant 0 : i32
        %lt3A_175 = vector.broadcast %lt3A_174 : i32 to vector<16xi32>
        %lt3A_176 = arith.cmpi slt, %rem3A_170, %lt3A_175 : vector<16xi32>
        %lt3A_177 = arith.constant 0 : i32
        %lt3A_178 = arith.cmpi slt, %select_n3A_168, %lt3A_177 : i32
        %ne3A_179 = vector.broadcast %lt3A_178 : i1 to vector<16xi1>
        %ne3A_180 = vector.broadcast %ne3A_179 : vector<16xi1> to vector<16xi1>
        %ne3A_181 = arith.xori %lt3A_176, %ne3A_180 : vector<16xi1>
        %and3A_182 = arith.andi %ne3A_181, %ne3A_173 : vector<16xi1>
        %add3A_183 = vector.broadcast %select_n3A_168 : i32 to vector<16xi32>
        %add3A_184 = arith.addi %rem3A_170, %add3A_183 : vector<16xi32>
        %select_n3A_185 = arith.select %and3A_182, %add3A_184, %rem3A_170 : vector<16xi1>, vector<16xi32>
        %broadcast_in_dim3A_186 = vector.shape_cast %select_n3A_185 : vector<16xi32> to vector<16x1xi32>
        %gather3A_187 = vector.shape_cast %broadcast_in_dim3A_186 : vector<16x1xi32> to vector<16xi32>
        %gather3A_188 = tpu.dynamic_gather %add3A_160[%gather3A_187] in [0] : vector<16xf32>, vector<16xi32> -> vector<16xf32>
        %add3A_189 = arith.addf %add3A_160, %gather3A_188 : vector<16xf32>
        %min3A = arith.constant 6.000000e+01 : f32
        %min3A_190 = vector.broadcast %min3A : f32 to vector<16xf32>
        %min3A_191 = arith.minimumf %add3A_189, %min3A_190 : vector<16xf32>
        %exp3A = math.exp %min3A_191 : vector<16xf32>
        %get3A_192 = arith.index_cast %scan3A_51 : i32 to index
        %get3A_193 = arith.constant 128 : index
        %get3A_194 = tpu.vector_load %arg12[%get3A_192, %get3A_193] {strides = array<i32>} : memref<40x256xf32, #tpu.memory_space<vmem>>, vector<1x16xf32>,
        %get3A_195 = vector.shape_cast %get3A_194 : vector<1x16xf32> to vector<16xf32>
        %get3A_196 = arith.index_cast %scan3A_51 : i32 to index
        %get3A_197 = arith.constant 144 : index
        %get3A_198 = tpu.vector_load %arg12[%get3A_196, %get3A_197] {strides = array<i32>} : memref<40x256xf32, #tpu.memory_space<vmem>>, vector<1x16xf32>,
        %get3A_199 = vector.shape_cast %get3A_198 : vector<1x16xf32> to vector<16xf32>
        %add3A_200 = arith.addf %get3A_195, %get3A_56 : vector<16xf32>
        %mul3A_201 = arith.mulf %exp3A, %add3A_200 : vector<16xf32>
        %swap3A = arith.index_cast %scan3A_51 : i32 to index
        %swap3A_202 = arith.constant 0 : index
        %swap3A_203 = tpu.vector_load %arg14[%swap3A, %swap3A_202] {strides = array<i32>} : memref<40x144xf32, #tpu.memory_space<vmem>>, vector<1x16xf32>,
        %swap3A_204 = vector.shape_cast %swap3A_203 : vector<1x16xf32> to vector<16xf32>
        %swap3A_205 = vector.shape_cast %mul3A_201 : vector<16xf32> to vector<1x16xf32>
        tpu.vector_store %arg14[%swap3A, %swap3A_202], %swap3A_205 {strides = array<i32>} : memref<40x144xf32, #tpu.memory_space<vmem>>, vector<1x16xf32>,
        %add3A_206 = arith.addf %get3A_199, %get3A_60 : vector<16xf32>
        %mul3A_207 = arith.mulf %exp3A, %add3A_206 : vector<16xf32>
        %swap3A_208 = arith.index_cast %scan3A_51 : i32 to index
        %swap3A_209 = arith.constant 16 : index
        %swap3A_210 = tpu.vector_load %arg14[%swap3A_208, %swap3A_209] {strides = array<i32>} : memref<40x144xf32, #tpu.memory_space<vmem>>, vector<1x16xf32>,
        %swap3A_211 = vector.shape_cast %swap3A_210 : vector<1x16xf32> to vector<16xf32>
        %swap3A_212 = vector.shape_cast %mul3A_207 : vector<16xf32> to vector<1x16xf32>
        tpu.vector_store %arg14[%swap3A_208, %swap3A_209], %swap3A_212 {strides = array<i32>} : memref<40x144xf32, #tpu.memory_space<vmem>>, vector<1x16xf32>,
        %eq3A_213 = arith.constant 0 : i32
        %eq3A_214 = vector.broadcast %eq3A_213 : i32 to vector<16xi32>
        %eq3A_215 = arith.cmpi eq, %iota3A, %eq3A_214 : vector<16xi32>
        %select_n3A_216 = arith.select %eq3A_215, %exp3A, %broadcast_in_dim3A_53 : vector<16xi1>, vector<16xf32>
        %get3A_217 = arith.index_cast %scan3A_51 : i32 to index
        %get3A_218 = arith.constant 32 : index
        %get3A_219 = tpu.vector_load %arg11[%get3A_217, %get3A_218] {strides = array<i32>} : memref<40x128xf32, #tpu.memory_space<vmem>>, vector<1x16xf32>,
        %get3A_220 = vector.shape_cast %get3A_219 : vector<1x16xf32> to vector<16xf32>
        %get3A_221 = arith.index_cast %scan3A_51 : i32 to index
        %get3A_222 = arith.constant 48 : index
        %get3A_223 = tpu.vector_load %arg11[%get3A_221, %get3A_222] {strides = array<i32>} : memref<40x128xf32, #tpu.memory_space<vmem>>, vector<1x16xf32>,
        %get3A_224 = vector.shape_cast %get3A_223 : vector<1x16xf32> to vector<16xf32>
        %get3A_225 = arith.index_cast %scan3A_51 : i32 to index
        %get3A_226 = arith.constant 32 : index
        %get3A_227 = tpu.vector_load %arg13[%get3A_225, %get3A_226] {strides = array<i32>} : memref<40x128xf32, #tpu.memory_space<vmem>>, vector<1x16xf32>,
        %get3A_228 = vector.shape_cast %get3A_227 : vector<1x16xf32> to vector<16xf32>
        %get3A_229 = arith.index_cast %scan3A_51 : i32 to index
        %get3A_230 = arith.constant 48 : index
        %get3A_231 = tpu.vector_load %arg13[%get3A_229, %get3A_230] {strides = array<i32>} : memref<40x128xf32, #tpu.memory_space<vmem>>, vector<1x16xf32>,
        %get3A_232 = vector.shape_cast %get3A_231 : vector<1x16xf32> to vector<16xf32>
        %get3A_233 = arith.index_cast %scan3A_51 : i32 to index
        %get3A_234 = arith.constant 32 : index
        %get3A_235 = tpu.vector_load %arg12[%get3A_233, %get3A_234] {strides = array<i32>} : memref<40x256xf32, #tpu.memory_space<vmem>>, vector<1x16xf32>,
        %get3A_236 = vector.shape_cast %get3A_235 : vector<1x16xf32> to vector<16xf32>
        %get3A_237 = arith.index_cast %scan3A_51 : i32 to index
        %get3A_238 = arith.constant 48 : index
        %get3A_239 = tpu.vector_load %arg12[%get3A_237, %get3A_238] {strides = array<i32>} : memref<40x256xf32, #tpu.memory_space<vmem>>, vector<1x16xf32>,
        %get3A_240 = vector.shape_cast %get3A_239 : vector<1x16xf32> to vector<16xf32>
        %add3A_241 = arith.addf %get3A_236, %get3A_220 : vector<16xf32>
        %mul3A_242 = arith.mulf %get3A_228, %add3A_241 : vector<16xf32>
        %add3A_243 = arith.addf %get3A_240, %get3A_224 : vector<16xf32>
        %mul3A_244 = arith.mulf %get3A_232, %add3A_243 : vector<16xf32>
        %add3A_245 = arith.addf %mul3A_242, %mul3A_244 : vector<16xf32>
        %add3A_246 = arith.constant 8 : i32
        %add3A_247 = vector.broadcast %add3A_246 : i32 to vector<16xi32>
        %add3A_248 = arith.addi %iota3A, %add3A_247 : vector<16xi32>
        %jit3A_249 = arith.constant 16 : i32
        %eq3A_250 = arith.constant 0 : i32
        %eq3A_251 = arith.cmpi eq, %jit3A_249, %eq3A_250 : i32
        %jit3A_252 = arith.constant 1 : i32
        %select_n3A_253 = arith.select %eq3A_251, %jit3A_252, %jit3A_249 : i32
        %rem3A_254 = vector.broadcast %select_n3A_253 : i32 to vector<16xi32>
        %rem3A_255 = arith.remsi %add3A_248, %rem3A_254 : vector<16xi32>
        %ne3A_256 = arith.constant 0 : i32
        %ne3A_257 = vector.broadcast %ne3A_256 : i32 to vector<16xi32>
        %ne3A_258 = arith.cmpi ne, %rem3A_255, %ne3A_257 : vector<16xi32>
        %lt3A_259 = arith.constant 0 : i32
        %lt3A_260 = vector.broadcast %lt3A_259 : i32 to vector<16xi32>
        %lt3A_261 = arith.cmpi slt, %rem3A_255, %lt3A_260 : vector<16xi32>
        %lt3A_262 = arith.constant 0 : i32
        %lt3A_263 = arith.cmpi slt, %select_n3A_253, %lt3A_262 : i32
        %ne3A_264 = vector.broadcast %lt3A_263 : i1 to vector<16xi1>
        %ne3A_265 = vector.broadcast %ne3A_264 : vector<16xi1> to vector<16xi1>
        %ne3A_266 = arith.xori %lt3A_261, %ne3A_265 : vector<16xi1>
        %and3A_267 = arith.andi %ne3A_266, %ne3A_258 : vector<16xi1>
        %add3A_268 = vector.broadcast %select_n3A_253 : i32 to vector<16xi32>
        %add3A_269 = arith.addi %rem3A_255, %add3A_268 : vector<16xi32>
        %select_n3A_270 = arith.select %and3A_267, %add3A_269, %rem3A_255 : vector<16xi1>, vector<16xi32>
        %broadcast_in_dim3A_271 = vector.shape_cast %select_n3A_270 : vector<16xi32> to vector<16x1xi32>
        %gather3A_272 = vector.shape_cast %broadcast_in_dim3A_271 : vector<16x1xi32> to vector<16xi32>
        %gather3A_273 = tpu.dynamic_gather %add3A_245[%gather3A_272] in [0] : vector<16xf32>, vector<16xi32> -> vector<16xf32>
        %add3A_274 = arith.addf %add3A_245, %gather3A_273 : vector<16xf32>
        %add3A_275 = arith.constant 4 : i32
        %add3A_276 = vector.broadcast %add3A_275 : i32 to vector<16xi32>
        %add3A_277 = arith.addi %iota3A, %add3A_276 : vector<16xi32>
        %jit3A_278 = arith.constant 16 : i32
        %eq3A_279 = arith.constant 0 : i32
        %eq3A_280 = arith.cmpi eq, %jit3A_278, %eq3A_279 : i32
        %jit3A_281 = arith.constant 1 : i32
        %select_n3A_282 = arith.select %eq3A_280, %jit3A_281, %jit3A_278 : i32
        %rem3A_283 = vector.broadcast %select_n3A_282 : i32 to vector<16xi32>
        %rem3A_284 = arith.remsi %add3A_277, %rem3A_283 : vector<16xi32>
        %ne3A_285 = arith.constant 0 : i32
        %ne3A_286 = vector.broadcast %ne3A_285 : i32 to vector<16xi32>
        %ne3A_287 = arith.cmpi ne, %rem3A_284, %ne3A_286 : vector<16xi32>
        %lt3A_288 = arith.constant 0 : i32
        %lt3A_289 = vector.broadcast %lt3A_288 : i32 to vector<16xi32>
        %lt3A_290 = arith.cmpi slt, %rem3A_284, %lt3A_289 : vector<16xi32>
        %lt3A_291 = arith.constant 0 : i32
        %lt3A_292 = arith.cmpi slt, %select_n3A_282, %lt3A_291 : i32
        %ne3A_293 = vector.broadcast %lt3A_292 : i1 to vector<16xi1>
        %ne3A_294 = vector.broadcast %ne3A_293 : vector<16xi1> to vector<16xi1>
        %ne3A_295 = arith.xori %lt3A_290, %ne3A_294 : vector<16xi1>
        %and3A_296 = arith.andi %ne3A_295, %ne3A_287 : vector<16xi1>
        %add3A_297 = vector.broadcast %select_n3A_282 : i32 to vector<16xi32>
        %add3A_298 = arith.addi %rem3A_284, %add3A_297 : vector<16xi32>
        %select_n3A_299 = arith.select %and3A_296, %add3A_298, %rem3A_284 : vector<16xi1>, vector<16xi32>
        %broadcast_in_dim3A_300 = vector.shape_cast %select_n3A_299 : vector<16xi32> to vector<16x1xi32>
        %gather3A_301 = vector.shape_cast %broadcast_in_dim3A_300 : vector<16x1xi32> to vector<16xi32>
        %gather3A_302 = tpu.dynamic_gather %add3A_274[%gather3A_301] in [0] : vector<16xf32>, vector<16xi32> -> vector<16xf32>
        %add3A_303 = arith.addf %add3A_274, %gather3A_302 : vector<16xf32>
        %add3A_304 = arith.constant 2 : i32
        %add3A_305 = vector.broadcast %add3A_304 : i32 to vector<16xi32>
        %add3A_306 = arith.addi %iota3A, %add3A_305 : vector<16xi32>
        %jit3A_307 = arith.constant 16 : i32
        %eq3A_308 = arith.constant 0 : i32
        %eq3A_309 = arith.cmpi eq, %jit3A_307, %eq3A_308 : i32
        %jit3A_310 = arith.constant 1 : i32
        %select_n3A_311 = arith.select %eq3A_309, %jit3A_310, %jit3A_307 : i32
        %rem3A_312 = vector.broadcast %select_n3A_311 : i32 to vector<16xi32>
        %rem3A_313 = arith.remsi %add3A_306, %rem3A_312 : vector<16xi32>
        %ne3A_314 = arith.constant 0 : i32
        %ne3A_315 = vector.broadcast %ne3A_314 : i32 to vector<16xi32>
        %ne3A_316 = arith.cmpi ne, %rem3A_313, %ne3A_315 : vector<16xi32>
        %lt3A_317 = arith.constant 0 : i32
        %lt3A_318 = vector.broadcast %lt3A_317 : i32 to vector<16xi32>
        %lt3A_319 = arith.cmpi slt, %rem3A_313, %lt3A_318 : vector<16xi32>
        %lt3A_320 = arith.constant 0 : i32
        %lt3A_321 = arith.cmpi slt, %select_n3A_311, %lt3A_320 : i32
        %ne3A_322 = vector.broadcast %lt3A_321 : i1 to vector<16xi1>
        %ne3A_323 = vector.broadcast %ne3A_322 : vector<16xi1> to vector<16xi1>
        %ne3A_324 = arith.xori %lt3A_319, %ne3A_323 : vector<16xi1>
        %and3A_325 = arith.andi %ne3A_324, %ne3A_316 : vector<16xi1>
        %add3A_326 = vector.broadcast %select_n3A_311 : i32 to vector<16xi32>
        %add3A_327 = arith.addi %rem3A_313, %add3A_326 : vector<16xi32>
        %select_n3A_328 = arith.select %and3A_325, %add3A_327, %rem3A_313 : vector<16xi1>, vector<16xi32>
        %broadcast_in_dim3A_329 = vector.shape_cast %select_n3A_328 : vector<16xi32> to vector<16x1xi32>
        %gather3A_330 = vector.shape_cast %broadcast_in_dim3A_329 : vector<16x1xi32> to vector<16xi32>
        %gather3A_331 = tpu.dynamic_gather %add3A_303[%gather3A_330] in [0] : vector<16xf32>, vector<16xi32> -> vector<16xf32>
        %add3A_332 = arith.addf %add3A_303, %gather3A_331 : vector<16xf32>
        %add3A_333 = arith.constant 1 : i32
        %add3A_334 = vector.broadcast %add3A_333 : i32 to vector<16xi32>
        %add3A_335 = arith.addi %iota3A, %add3A_334 : vector<16xi32>
        %jit3A_336 = arith.constant 16 : i32
        %eq3A_337 = arith.constant 0 : i32
        %eq3A_338 = arith.cmpi eq, %jit3A_336, %eq3A_337 : i32
        %jit3A_339 = arith.constant 1 : i32
        %select_n3A_340 = arith.select %eq3A_338, %jit3A_339, %jit3A_336 : i32
        %rem3A_341 = vector.broadcast %select_n3A_340 : i32 to vector<16xi32>
        %rem3A_342 = arith.remsi %add3A_335, %rem3A_341 : vector<16xi32>
        %ne3A_343 = arith.constant 0 : i32
        %ne3A_344 = vector.broadcast %ne3A_343 : i32 to vector<16xi32>
        %ne3A_345 = arith.cmpi ne, %rem3A_342, %ne3A_344 : vector<16xi32>
        %lt3A_346 = arith.constant 0 : i32
        %lt3A_347 = vector.broadcast %lt3A_346 : i32 to vector<16xi32>
        %lt3A_348 = arith.cmpi slt, %rem3A_342, %lt3A_347 : vector<16xi32>
        %lt3A_349 = arith.constant 0 : i32
        %lt3A_350 = arith.cmpi slt, %select_n3A_340, %lt3A_349 : i32
        %ne3A_351 = vector.broadcast %lt3A_350 : i1 to vector<16xi1>
        %ne3A_352 = vector.broadcast %ne3A_351 : vector<16xi1> to vector<16xi1>
        %ne3A_353 = arith.xori %lt3A_348, %ne3A_352 : vector<16xi1>
        %and3A_354 = arith.andi %ne3A_353, %ne3A_345 : vector<16xi1>
        %add3A_355 = vector.broadcast %select_n3A_340 : i32 to vector<16xi32>
        %add3A_356 = arith.addi %rem3A_342, %add3A_355 : vector<16xi32>
        %select_n3A_357 = arith.select %and3A_354, %add3A_356, %rem3A_342 : vector<16xi1>, vector<16xi32>
        %broadcast_in_dim3A_358 = vector.shape_cast %select_n3A_357 : vector<16xi32> to vector<16x1xi32>
        %gather3A_359 = vector.shape_cast %broadcast_in_dim3A_358 : vector<16x1xi32> to vector<16xi32>
        %gather3A_360 = tpu.dynamic_gather %add3A_332[%gather3A_359] in [0] : vector<16xf32>, vector<16xi32> -> vector<16xf32>
        %add3A_361 = arith.addf %add3A_332, %gather3A_360 : vector<16xf32>
        %min3A_362 = arith.constant 6.000000e+01 : f32
        %min3A_363 = vector.broadcast %min3A_362 : f32 to vector<16xf32>
        %min3A_364 = arith.minimumf %add3A_361, %min3A_363 : vector<16xf32>
        %exp3A_365 = math.exp %min3A_364 : vector<16xf32>
        %get3A_366 = arith.index_cast %scan3A_51 : i32 to index
        %get3A_367 = arith.constant 160 : index
        %get3A_368 = tpu.vector_load %arg12[%get3A_366, %get3A_367] {strides = array<i32>} : memref<40x256xf32, #tpu.memory_space<vmem>>, vector<1x16xf32>,
        %get3A_369 = vector.shape_cast %get3A_368 : vector<1x16xf32> to vector<16xf32>
        %get3A_370 = arith.index_cast %scan3A_51 : i32 to index
        %get3A_371 = arith.constant 176 : index
        %get3A_372 = tpu.vector_load %arg12[%get3A_370, %get3A_371] {strides = array<i32>} : memref<40x256xf32, #tpu.memory_space<vmem>>, vector<1x16xf32>,
        %get3A_373 = vector.shape_cast %get3A_372 : vector<1x16xf32> to vector<16xf32>
        %add3A_374 = arith.addf %get3A_369, %get3A_220 : vector<16xf32>
        %mul3A_375 = arith.mulf %exp3A_365, %add3A_374 : vector<16xf32>
        %swap3A_376 = arith.index_cast %scan3A_51 : i32 to index
        %swap3A_377 = arith.constant 32 : index
        %swap3A_378 = tpu.vector_load %arg14[%swap3A_376, %swap3A_377] {strides = array<i32>} : memref<40x144xf32, #tpu.memory_space<vmem>>, vector<1x16xf32>,
        %swap3A_379 = vector.shape_cast %swap3A_378 : vector<1x16xf32> to vector<16xf32>
        %swap3A_380 = vector.shape_cast %mul3A_375 : vector<16xf32> to vector<1x16xf32>
        tpu.vector_store %arg14[%swap3A_376, %swap3A_377], %swap3A_380 {strides = array<i32>} : memref<40x144xf32, #tpu.memory_space<vmem>>, vector<1x16xf32>,
        %add3A_381 = arith.addf %get3A_373, %get3A_224 : vector<16xf32>
        %mul3A_382 = arith.mulf %exp3A_365, %add3A_381 : vector<16xf32>
        %swap3A_383 = arith.index_cast %scan3A_51 : i32 to index
        %swap3A_384 = arith.constant 48 : index
        %swap3A_385 = tpu.vector_load %arg14[%swap3A_383, %swap3A_384] {strides = array<i32>} : memref<40x144xf32, #tpu.memory_space<vmem>>, vector<1x16xf32>,
        %swap3A_386 = vector.shape_cast %swap3A_385 : vector<1x16xf32> to vector<16xf32>
        %swap3A_387 = vector.shape_cast %mul3A_382 : vector<16xf32> to vector<1x16xf32>
        tpu.vector_store %arg14[%swap3A_383, %swap3A_384], %swap3A_387 {strides = array<i32>} : memref<40x144xf32, #tpu.memory_space<vmem>>, vector<1x16xf32>,
        %eq3A_388 = arith.constant 1 : i32
        %eq3A_389 = vector.broadcast %eq3A_388 : i32 to vector<16xi32>
        %eq3A_390 = arith.cmpi eq, %iota3A, %eq3A_389 : vector<16xi32>
        %select_n3A_391 = arith.select %eq3A_390, %exp3A_365, %select_n3A_216 : vector<16xi1>, vector<16xf32>
        %get3A_392 = arith.index_cast %scan3A_51 : i32 to index
        %get3A_393 = arith.constant 64 : index
        %get3A_394 = tpu.vector_load %arg11[%get3A_392, %get3A_393] {strides = array<i32>} : memref<40x128xf32, #tpu.memory_space<vmem>>, vector<1x16xf32>,
        %get3A_395 = vector.shape_cast %get3A_394 : vector<1x16xf32> to vector<16xf32>
        %get3A_396 = arith.index_cast %scan3A_51 : i32 to index
        %get3A_397 = arith.constant 80 : index
        %get3A_398 = tpu.vector_load %arg11[%get3A_396, %get3A_397] {strides = array<i32>} : memref<40x128xf32, #tpu.memory_space<vmem>>, vector<1x16xf32>,
        %get3A_399 = vector.shape_cast %get3A_398 : vector<1x16xf32> to vector<16xf32>
        %get3A_400 = arith.index_cast %scan3A_51 : i32 to index
        %get3A_401 = arith.constant 64 : index
        %get3A_402 = tpu.vector_load %arg13[%get3A_400, %get3A_401] {strides = array<i32>} : memref<40x128xf32, #tpu.memory_space<vmem>>, vector<1x16xf32>,
        %get3A_403 = vector.shape_cast %get3A_402 : vector<1x16xf32> to vector<16xf32>
        %get3A_404 = arith.index_cast %scan3A_51 : i32 to index
        %get3A_405 = arith.constant 80 : index
        %get3A_406 = tpu.vector_load %arg13[%get3A_404, %get3A_405] {strides = array<i32>} : memref<40x128xf32, #tpu.memory_space<vmem>>, vector<1x16xf32>,
        %get3A_407 = vector.shape_cast %get3A_406 : vector<1x16xf32> to vector<16xf32>
        %get3A_408 = arith.index_cast %scan3A_51 : i32 to index
        %get3A_409 = arith.constant 64 : index
        %get3A_410 = tpu.vector_load %arg12[%get3A_408, %get3A_409] {strides = array<i32>} : memref<40x256xf32, #tpu.memory_space<vmem>>, vector<1x16xf32>,
        %get3A_411 = vector.shape_cast %get3A_410 : vector<1x16xf32> to vector<16xf32>
        %get3A_412 = arith.index_cast %scan3A_51 : i32 to index
        %get3A_413 = arith.constant 80 : index
        %get3A_414 = tpu.vector_load %arg12[%get3A_412, %get3A_413] {strides = array<i32>} : memref<40x256xf32, #tpu.memory_space<vmem>>, vector<1x16xf32>,
        %get3A_415 = vector.shape_cast %get3A_414 : vector<1x16xf32> to vector<16xf32>
        %add3A_416 = arith.addf %get3A_411, %get3A_395 : vector<16xf32>
        %mul3A_417 = arith.mulf %get3A_403, %add3A_416 : vector<16xf32>
        %add3A_418 = arith.addf %get3A_415, %get3A_399 : vector<16xf32>
        %mul3A_419 = arith.mulf %get3A_407, %add3A_418 : vector<16xf32>
        %add3A_420 = arith.addf %mul3A_417, %mul3A_419 : vector<16xf32>
        %add3A_421 = arith.constant 8 : i32
        %add3A_422 = vector.broadcast %add3A_421 : i32 to vector<16xi32>
        %add3A_423 = arith.addi %iota3A, %add3A_422 : vector<16xi32>
        %jit3A_424 = arith.constant 16 : i32
        %eq3A_425 = arith.constant 0 : i32
        %eq3A_426 = arith.cmpi eq, %jit3A_424, %eq3A_425 : i32
        %jit3A_427 = arith.constant 1 : i32
        %select_n3A_428 = arith.select %eq3A_426, %jit3A_427, %jit3A_424 : i32
        %rem3A_429 = vector.broadcast %select_n3A_428 : i32 to vector<16xi32>
        %rem3A_430 = arith.remsi %add3A_423, %rem3A_429 : vector<16xi32>
        %ne3A_431 = arith.constant 0 : i32
        %ne3A_432 = vector.broadcast %ne3A_431 : i32 to vector<16xi32>
        %ne3A_433 = arith.cmpi ne, %rem3A_430, %ne3A_432 : vector<16xi32>
        %lt3A_434 = arith.constant 0 : i32
        %lt3A_435 = vector.broadcast %lt3A_434 : i32 to vector<16xi32>
        %lt3A_436 = arith.cmpi slt, %rem3A_430, %lt3A_435 : vector<16xi32>
        %lt3A_437 = arith.constant 0 : i32
        %lt3A_438 = arith.cmpi slt, %select_n3A_428, %lt3A_437 : i32
        %ne3A_439 = vector.broadcast %lt3A_438 : i1 to vector<16xi1>
        %ne3A_440 = vector.broadcast %ne3A_439 : vector<16xi1> to vector<16xi1>
        %ne3A_441 = arith.xori %lt3A_436, %ne3A_440 : vector<16xi1>
        %and3A_442 = arith.andi %ne3A_441, %ne3A_433 : vector<16xi1>
        %add3A_443 = vector.broadcast %select_n3A_428 : i32 to vector<16xi32>
        %add3A_444 = arith.addi %rem3A_430, %add3A_443 : vector<16xi32>
        %select_n3A_445 = arith.select %and3A_442, %add3A_444, %rem3A_430 : vector<16xi1>, vector<16xi32>
        %broadcast_in_dim3A_446 = vector.shape_cast %select_n3A_445 : vector<16xi32> to vector<16x1xi32>
        %gather3A_447 = vector.shape_cast %broadcast_in_dim3A_446 : vector<16x1xi32> to vector<16xi32>
        %gather3A_448 = tpu.dynamic_gather %add3A_420[%gather3A_447] in [0] : vector<16xf32>, vector<16xi32> -> vector<16xf32>
        %add3A_449 = arith.addf %add3A_420, %gather3A_448 : vector<16xf32>
        %add3A_450 = arith.constant 4 : i32
        %add3A_451 = vector.broadcast %add3A_450 : i32 to vector<16xi32>
        %add3A_452 = arith.addi %iota3A, %add3A_451 : vector<16xi32>
        %jit3A_453 = arith.constant 16 : i32
        %eq3A_454 = arith.constant 0 : i32
        %eq3A_455 = arith.cmpi eq, %jit3A_453, %eq3A_454 : i32
        %jit3A_456 = arith.constant 1 : i32
        %select_n3A_457 = arith.select %eq3A_455, %jit3A_456, %jit3A_453 : i32
        %rem3A_458 = vector.broadcast %select_n3A_457 : i32 to vector<16xi32>
        %rem3A_459 = arith.remsi %add3A_452, %rem3A_458 : vector<16xi32>
        %ne3A_460 = arith.constant 0 : i32
        %ne3A_461 = vector.broadcast %ne3A_460 : i32 to vector<16xi32>
        %ne3A_462 = arith.cmpi ne, %rem3A_459, %ne3A_461 : vector<16xi32>
        %lt3A_463 = arith.constant 0 : i32
        %lt3A_464 = vector.broadcast %lt3A_463 : i32 to vector<16xi32>
        %lt3A_465 = arith.cmpi slt, %rem3A_459, %lt3A_464 : vector<16xi32>
        %lt3A_466 = arith.constant 0 : i32
        %lt3A_467 = arith.cmpi slt, %select_n3A_457, %lt3A_466 : i32
        %ne3A_468 = vector.broadcast %lt3A_467 : i1 to vector<16xi1>
        %ne3A_469 = vector.broadcast %ne3A_468 : vector<16xi1> to vector<16xi1>
        %ne3A_470 = arith.xori %lt3A_465, %ne3A_469 : vector<16xi1>
        %and3A_471 = arith.andi %ne3A_470, %ne3A_462 : vector<16xi1>
        %add3A_472 = vector.broadcast %select_n3A_457 : i32 to vector<16xi32>
        %add3A_473 = arith.addi %rem3A_459, %add3A_472 : vector<16xi32>
        %select_n3A_474 = arith.select %and3A_471, %add3A_473, %rem3A_459 : vector<16xi1>, vector<16xi32>
        %broadcast_in_dim3A_475 = vector.shape_cast %select_n3A_474 : vector<16xi32> to vector<16x1xi32>
        %gather3A_476 = vector.shape_cast %broadcast_in_dim3A_475 : vector<16x1xi32> to vector<16xi32>
        %gather3A_477 = tpu.dynamic_gather %add3A_449[%gather3A_476] in [0] : vector<16xf32>, vector<16xi32> -> vector<16xf32>
        %add3A_478 = arith.addf %add3A_449, %gather3A_477 : vector<16xf32>
        %add3A_479 = arith.constant 2 : i32
        %add3A_480 = vector.broadcast %add3A_479 : i32 to vector<16xi32>
        %add3A_481 = arith.addi %iota3A, %add3A_480 : vector<16xi32>
        %jit3A_482 = arith.constant 16 : i32
        %eq3A_483 = arith.constant 0 : i32
        %eq3A_484 = arith.cmpi eq, %jit3A_482, %eq3A_483 : i32
        %jit3A_485 = arith.constant 1 : i32
        %select_n3A_486 = arith.select %eq3A_484, %jit3A_485, %jit3A_482 : i32
        %rem3A_487 = vector.broadcast %select_n3A_486 : i32 to vector<16xi32>
        %rem3A_488 = arith.remsi %add3A_481, %rem3A_487 : vector<16xi32>
        %ne3A_489 = arith.constant 0 : i32
        %ne3A_490 = vector.broadcast %ne3A_489 : i32 to vector<16xi32>
        %ne3A_491 = arith.cmpi ne, %rem3A_488, %ne3A_490 : vector<16xi32>
        %lt3A_492 = arith.constant 0 : i32
        %lt3A_493 = vector.broadcast %lt3A_492 : i32 to vector<16xi32>
        %lt3A_494 = arith.cmpi slt, %rem3A_488, %lt3A_493 : vector<16xi32>
        %lt3A_495 = arith.constant 0 : i32
        %lt3A_496 = arith.cmpi slt, %select_n3A_486, %lt3A_495 : i32
        %ne3A_497 = vector.broadcast %lt3A_496 : i1 to vector<16xi1>
        %ne3A_498 = vector.broadcast %ne3A_497 : vector<16xi1> to vector<16xi1>
        %ne3A_499 = arith.xori %lt3A_494, %ne3A_498 : vector<16xi1>
        %and3A_500 = arith.andi %ne3A_499, %ne3A_491 : vector<16xi1>
        %add3A_501 = vector.broadcast %select_n3A_486 : i32 to vector<16xi32>
        %add3A_502 = arith.addi %rem3A_488, %add3A_501 : vector<16xi32>
        %select_n3A_503 = arith.select %and3A_500, %add3A_502, %rem3A_488 : vector<16xi1>, vector<16xi32>
        %broadcast_in_dim3A_504 = vector.shape_cast %select_n3A_503 : vector<16xi32> to vector<16x1xi32>
        %gather3A_505 = vector.shape_cast %broadcast_in_dim3A_504 : vector<16x1xi32> to vector<16xi32>
        %gather3A_506 = tpu.dynamic_gather %add3A_478[%gather3A_505] in [0] : vector<16xf32>, vector<16xi32> -> vector<16xf32>
        %add3A_507 = arith.addf %add3A_478, %gather3A_506 : vector<16xf32>
        %add3A_508 = arith.constant 1 : i32
        %add3A_509 = vector.broadcast %add3A_508 : i32 to vector<16xi32>
        %add3A_510 = arith.addi %iota3A, %add3A_509 : vector<16xi32>
        %jit3A_511 = arith.constant 16 : i32
        %eq3A_512 = arith.constant 0 : i32
        %eq3A_513 = arith.cmpi eq, %jit3A_511, %eq3A_512 : i32
        %jit3A_514 = arith.constant 1 : i32
        %select_n3A_515 = arith.select %eq3A_513, %jit3A_514, %jit3A_511 : i32
        %rem3A_516 = vector.broadcast %select_n3A_515 : i32 to vector<16xi32>
        %rem3A_517 = arith.remsi %add3A_510, %rem3A_516 : vector<16xi32>
        %ne3A_518 = arith.constant 0 : i32
        %ne3A_519 = vector.broadcast %ne3A_518 : i32 to vector<16xi32>
        %ne3A_520 = arith.cmpi ne, %rem3A_517, %ne3A_519 : vector<16xi32>
        %lt3A_521 = arith.constant 0 : i32
        %lt3A_522 = vector.broadcast %lt3A_521 : i32 to vector<16xi32>
        %lt3A_523 = arith.cmpi slt, %rem3A_517, %lt3A_522 : vector<16xi32>
        %lt3A_524 = arith.constant 0 : i32
        %lt3A_525 = arith.cmpi slt, %select_n3A_515, %lt3A_524 : i32
        %ne3A_526 = vector.broadcast %lt3A_525 : i1 to vector<16xi1>
        %ne3A_527 = vector.broadcast %ne3A_526 : vector<16xi1> to vector<16xi1>
        %ne3A_528 = arith.xori %lt3A_523, %ne3A_527 : vector<16xi1>
        %and3A_529 = arith.andi %ne3A_528, %ne3A_520 : vector<16xi1>
        %add3A_530 = vector.broadcast %select_n3A_515 : i32 to vector<16xi32>
        %add3A_531 = arith.addi %rem3A_517, %add3A_530 : vector<16xi32>
        %select_n3A_532 = arith.select %and3A_529, %add3A_531, %rem3A_517 : vector<16xi1>, vector<16xi32>
        %broadcast_in_dim3A_533 = vector.shape_cast %select_n3A_532 : vector<16xi32> to vector<16x1xi32>
        %gather3A_534 = vector.shape_cast %broadcast_in_dim3A_533 : vector<16x1xi32> to vector<16xi32>
        %gather3A_535 = tpu.dynamic_gather %add3A_507[%gather3A_534] in [0] : vector<16xf32>, vector<16xi32> -> vector<16xf32>
        %add3A_536 = arith.addf %add3A_507, %gather3A_535 : vector<16xf32>
        %min3A_537 = arith.constant 6.000000e+01 : f32
        %min3A_538 = vector.broadcast %min3A_537 : f32 to vector<16xf32>
        %min3A_539 = arith.minimumf %add3A_536, %min3A_538 : vector<16xf32>
        %exp3A_540 = math.exp %min3A_539 : vector<16xf32>
        %get3A_541 = arith.index_cast %scan3A_51 : i32 to index
        %get3A_542 = arith.constant 192 : index
        %get3A_543 = tpu.vector_load %arg12[%get3A_541, %get3A_542] {strides = array<i32>} : memref<40x256xf32, #tpu.memory_space<vmem>>, vector<1x16xf32>,
        %get3A_544 = vector.shape_cast %get3A_543 : vector<1x16xf32> to vector<16xf32>
        %get3A_545 = arith.index_cast %scan3A_51 : i32 to index
        %get3A_546 = arith.constant 208 : index
        %get3A_547 = tpu.vector_load %arg12[%get3A_545, %get3A_546] {strides = array<i32>} : memref<40x256xf32, #tpu.memory_space<vmem>>, vector<1x16xf32>,
        %get3A_548 = vector.shape_cast %get3A_547 : vector<1x16xf32> to vector<16xf32>
        %add3A_549 = arith.addf %get3A_544, %get3A_395 : vector<16xf32>
        %mul3A_550 = arith.mulf %exp3A_540, %add3A_549 : vector<16xf32>
        %swap3A_551 = arith.index_cast %scan3A_51 : i32 to index
        %swap3A_552 = arith.constant 64 : index
        %swap3A_553 = tpu.vector_load %arg14[%swap3A_551, %swap3A_552] {strides = array<i32>} : memref<40x144xf32, #tpu.memory_space<vmem>>, vector<1x16xf32>,
        %swap3A_554 = vector.shape_cast %swap3A_553 : vector<1x16xf32> to vector<16xf32>
        %swap3A_555 = vector.shape_cast %mul3A_550 : vector<16xf32> to vector<1x16xf32>
        tpu.vector_store %arg14[%swap3A_551, %swap3A_552], %swap3A_555 {strides = array<i32>} : memref<40x144xf32, #tpu.memory_space<vmem>>, vector<1x16xf32>,
        %add3A_556 = arith.addf %get3A_548, %get3A_399 : vector<16xf32>
        %mul3A_557 = arith.mulf %exp3A_540, %add3A_556 : vector<16xf32>
        %swap3A_558 = arith.index_cast %scan3A_51 : i32 to index
        %swap3A_559 = arith.constant 80 : index
        %swap3A_560 = tpu.vector_load %arg14[%swap3A_558, %swap3A_559] {strides = array<i32>} : memref<40x144xf32, #tpu.memory_space<vmem>>, vector<1x16xf32>,
        %swap3A_561 = vector.shape_cast %swap3A_560 : vector<1x16xf32> to vector<16xf32>
        %swap3A_562 = vector.shape_cast %mul3A_557 : vector<16xf32> to vector<1x16xf32>
        tpu.vector_store %arg14[%swap3A_558, %swap3A_559], %swap3A_562 {strides = array<i32>} : memref<40x144xf32, #tpu.memory_space<vmem>>, vector<1x16xf32>,
        %eq3A_563 = arith.constant 2 : i32
        %eq3A_564 = vector.broadcast %eq3A_563 : i32 to vector<16xi32>
        %eq3A_565 = arith.cmpi eq, %iota3A, %eq3A_564 : vector<16xi32>
        %select_n3A_566 = arith.select %eq3A_565, %exp3A_540, %select_n3A_391 : vector<16xi1>, vector<16xf32>
        %get3A_567 = arith.index_cast %scan3A_51 : i32 to index
        %get3A_568 = arith.constant 96 : index
        %get3A_569 = tpu.vector_load %arg11[%get3A_567, %get3A_568] {strides = array<i32>} : memref<40x128xf32, #tpu.memory_space<vmem>>, vector<1x16xf32>,
        %get3A_570 = vector.shape_cast %get3A_569 : vector<1x16xf32> to vector<16xf32>
        %get3A_571 = arith.index_cast %scan3A_51 : i32 to index
        %get3A_572 = arith.constant 112 : index
        %get3A_573 = tpu.vector_load %arg11[%get3A_571, %get3A_572] {strides = array<i32>} : memref<40x128xf32, #tpu.memory_space<vmem>>, vector<1x16xf32>,
        %get3A_574 = vector.shape_cast %get3A_573 : vector<1x16xf32> to vector<16xf32>
        %get3A_575 = arith.index_cast %scan3A_51 : i32 to index
        %get3A_576 = arith.constant 96 : index
        %get3A_577 = tpu.vector_load %arg13[%get3A_575, %get3A_576] {strides = array<i32>} : memref<40x128xf32, #tpu.memory_space<vmem>>, vector<1x16xf32>,
        %get3A_578 = vector.shape_cast %get3A_577 : vector<1x16xf32> to vector<16xf32>
        %get3A_579 = arith.index_cast %scan3A_51 : i32 to index
        %get3A_580 = arith.constant 112 : index
        %get3A_581 = tpu.vector_load %arg13[%get3A_579, %get3A_580] {strides = array<i32>} : memref<40x128xf32, #tpu.memory_space<vmem>>, vector<1x16xf32>,
        %get3A_582 = vector.shape_cast %get3A_581 : vector<1x16xf32> to vector<16xf32>
        %get3A_583 = arith.index_cast %scan3A_51 : i32 to index
        %get3A_584 = arith.constant 96 : index
        %get3A_585 = tpu.vector_load %arg12[%get3A_583, %get3A_584] {strides = array<i32>} : memref<40x256xf32, #tpu.memory_space<vmem>>, vector<1x16xf32>,
        %get3A_586 = vector.shape_cast %get3A_585 : vector<1x16xf32> to vector<16xf32>
        %get3A_587 = arith.index_cast %scan3A_51 : i32 to index
        %get3A_588 = arith.constant 112 : index
        %get3A_589 = tpu.vector_load %arg12[%get3A_587, %get3A_588] {strides = array<i32>} : memref<40x256xf32, #tpu.memory_space<vmem>>, vector<1x16xf32>,
        %get3A_590 = vector.shape_cast %get3A_589 : vector<1x16xf32> to vector<16xf32>
        %add3A_591 = arith.addf %get3A_586, %get3A_570 : vector<16xf32>
        %mul3A_592 = arith.mulf %get3A_578, %add3A_591 : vector<16xf32>
        %add3A_593 = arith.addf %get3A_590, %get3A_574 : vector<16xf32>
        %mul3A_594 = arith.mulf %get3A_582, %add3A_593 : vector<16xf32>
        %add3A_595 = arith.addf %mul3A_592, %mul3A_594 : vector<16xf32>
        %add3A_596 = arith.constant 8 : i32
        %add3A_597 = vector.broadcast %add3A_596 : i32 to vector<16xi32>
        %add3A_598 = arith.addi %iota3A, %add3A_597 : vector<16xi32>
        %jit3A_599 = arith.constant 16 : i32
        %eq3A_600 = arith.constant 0 : i32
        %eq3A_601 = arith.cmpi eq, %jit3A_599, %eq3A_600 : i32
        %jit3A_602 = arith.constant 1 : i32
        %select_n3A_603 = arith.select %eq3A_601, %jit3A_602, %jit3A_599 : i32
        %rem3A_604 = vector.broadcast %select_n3A_603 : i32 to vector<16xi32>
        %rem3A_605 = arith.remsi %add3A_598, %rem3A_604 : vector<16xi32>
        %ne3A_606 = arith.constant 0 : i32
        %ne3A_607 = vector.broadcast %ne3A_606 : i32 to vector<16xi32>
        %ne3A_608 = arith.cmpi ne, %rem3A_605, %ne3A_607 : vector<16xi32>
        %lt3A_609 = arith.constant 0 : i32
        %lt3A_610 = vector.broadcast %lt3A_609 : i32 to vector<16xi32>
        %lt3A_611 = arith.cmpi slt, %rem3A_605, %lt3A_610 : vector<16xi32>
        %lt3A_612 = arith.constant 0 : i32
        %lt3A_613 = arith.cmpi slt, %select_n3A_603, %lt3A_612 : i32
        %ne3A_614 = vector.broadcast %lt3A_613 : i1 to vector<16xi1>
        %ne3A_615 = vector.broadcast %ne3A_614 : vector<16xi1> to vector<16xi1>
        %ne3A_616 = arith.xori %lt3A_611, %ne3A_615 : vector<16xi1>
        %and3A_617 = arith.andi %ne3A_616, %ne3A_608 : vector<16xi1>
        %add3A_618 = vector.broadcast %select_n3A_603 : i32 to vector<16xi32>
        %add3A_619 = arith.addi %rem3A_605, %add3A_618 : vector<16xi32>
        %select_n3A_620 = arith.select %and3A_617, %add3A_619, %rem3A_605 : vector<16xi1>, vector<16xi32>
        %broadcast_in_dim3A_621 = vector.shape_cast %select_n3A_620 : vector<16xi32> to vector<16x1xi32>
        %gather3A_622 = vector.shape_cast %broadcast_in_dim3A_621 : vector<16x1xi32> to vector<16xi32>
        %gather3A_623 = tpu.dynamic_gather %add3A_595[%gather3A_622] in [0] : vector<16xf32>, vector<16xi32> -> vector<16xf32>
        %add3A_624 = arith.addf %add3A_595, %gather3A_623 : vector<16xf32>
        %add3A_625 = arith.constant 4 : i32
        %add3A_626 = vector.broadcast %add3A_625 : i32 to vector<16xi32>
        %add3A_627 = arith.addi %iota3A, %add3A_626 : vector<16xi32>
        %jit3A_628 = arith.constant 16 : i32
        %eq3A_629 = arith.constant 0 : i32
        %eq3A_630 = arith.cmpi eq, %jit3A_628, %eq3A_629 : i32
        %jit3A_631 = arith.constant 1 : i32
        %select_n3A_632 = arith.select %eq3A_630, %jit3A_631, %jit3A_628 : i32
        %rem3A_633 = vector.broadcast %select_n3A_632 : i32 to vector<16xi32>
        %rem3A_634 = arith.remsi %add3A_627, %rem3A_633 : vector<16xi32>
        %ne3A_635 = arith.constant 0 : i32
        %ne3A_636 = vector.broadcast %ne3A_635 : i32 to vector<16xi32>
        %ne3A_637 = arith.cmpi ne, %rem3A_634, %ne3A_636 : vector<16xi32>
        %lt3A_638 = arith.constant 0 : i32
        %lt3A_639 = vector.broadcast %lt3A_638 : i32 to vector<16xi32>
        %lt3A_640 = arith.cmpi slt, %rem3A_634, %lt3A_639 : vector<16xi32>
        %lt3A_641 = arith.constant 0 : i32
        %lt3A_642 = arith.cmpi slt, %select_n3A_632, %lt3A_641 : i32
        %ne3A_643 = vector.broadcast %lt3A_642 : i1 to vector<16xi1>
        %ne3A_644 = vector.broadcast %ne3A_643 : vector<16xi1> to vector<16xi1>
        %ne3A_645 = arith.xori %lt3A_640, %ne3A_644 : vector<16xi1>
        %and3A_646 = arith.andi %ne3A_645, %ne3A_637 : vector<16xi1>
        %add3A_647 = vector.broadcast %select_n3A_632 : i32 to vector<16xi32>
        %add3A_648 = arith.addi %rem3A_634, %add3A_647 : vector<16xi32>
        %select_n3A_649 = arith.select %and3A_646, %add3A_648, %rem3A_634 : vector<16xi1>, vector<16xi32>
        %broadcast_in_dim3A_650 = vector.shape_cast %select_n3A_649 : vector<16xi32> to vector<16x1xi32>
        %gather3A_651 = vector.shape_cast %broadcast_in_dim3A_650 : vector<16x1xi32> to vector<16xi32>
        %gather3A_652 = tpu.dynamic_gather %add3A_624[%gather3A_651] in [0] : vector<16xf32>, vector<16xi32> -> vector<16xf32>
        %add3A_653 = arith.addf %add3A_624, %gather3A_652 : vector<16xf32>
        %add3A_654 = arith.constant 2 : i32
        %add3A_655 = vector.broadcast %add3A_654 : i32 to vector<16xi32>
        %add3A_656 = arith.addi %iota3A, %add3A_655 : vector<16xi32>
        %jit3A_657 = arith.constant 16 : i32
        %eq3A_658 = arith.constant 0 : i32
        %eq3A_659 = arith.cmpi eq, %jit3A_657, %eq3A_658 : i32
        %jit3A_660 = arith.constant 1 : i32
        %select_n3A_661 = arith.select %eq3A_659, %jit3A_660, %jit3A_657 : i32
        %rem3A_662 = vector.broadcast %select_n3A_661 : i32 to vector<16xi32>
        %rem3A_663 = arith.remsi %add3A_656, %rem3A_662 : vector<16xi32>
        %ne3A_664 = arith.constant 0 : i32
        %ne3A_665 = vector.broadcast %ne3A_664 : i32 to vector<16xi32>
        %ne3A_666 = arith.cmpi ne, %rem3A_663, %ne3A_665 : vector<16xi32>
        %lt3A_667 = arith.constant 0 : i32
        %lt3A_668 = vector.broadcast %lt3A_667 : i32 to vector<16xi32>
        %lt3A_669 = arith.cmpi slt, %rem3A_663, %lt3A_668 : vector<16xi32>
        %lt3A_670 = arith.constant 0 : i32
        %lt3A_671 = arith.cmpi slt, %select_n3A_661, %lt3A_670 : i32
        %ne3A_672 = vector.broadcast %lt3A_671 : i1 to vector<16xi1>
        %ne3A_673 = vector.broadcast %ne3A_672 : vector<16xi1> to vector<16xi1>
        %ne3A_674 = arith.xori %lt3A_669, %ne3A_673 : vector<16xi1>
        %and3A_675 = arith.andi %ne3A_674, %ne3A_666 : vector<16xi1>
        %add3A_676 = vector.broadcast %select_n3A_661 : i32 to vector<16xi32>
        %add3A_677 = arith.addi %rem3A_663, %add3A_676 : vector<16xi32>
        %select_n3A_678 = arith.select %and3A_675, %add3A_677, %rem3A_663 : vector<16xi1>, vector<16xi32>
        %broadcast_in_dim3A_679 = vector.shape_cast %select_n3A_678 : vector<16xi32> to vector<16x1xi32>
        %gather3A_680 = vector.shape_cast %broadcast_in_dim3A_679 : vector<16x1xi32> to vector<16xi32>
        %gather3A_681 = tpu.dynamic_gather %add3A_653[%gather3A_680] in [0] : vector<16xf32>, vector<16xi32> -> vector<16xf32>
        %add3A_682 = arith.addf %add3A_653, %gather3A_681 : vector<16xf32>
        %add3A_683 = arith.constant 1 : i32
        %add3A_684 = vector.broadcast %add3A_683 : i32 to vector<16xi32>
        %add3A_685 = arith.addi %iota3A, %add3A_684 : vector<16xi32>
        %jit3A_686 = arith.constant 16 : i32
        %eq3A_687 = arith.constant 0 : i32
        %eq3A_688 = arith.cmpi eq, %jit3A_686, %eq3A_687 : i32
        %jit3A_689 = arith.constant 1 : i32
        %select_n3A_690 = arith.select %eq3A_688, %jit3A_689, %jit3A_686 : i32
        %rem3A_691 = vector.broadcast %select_n3A_690 : i32 to vector<16xi32>
        %rem3A_692 = arith.remsi %add3A_685, %rem3A_691 : vector<16xi32>
        %ne3A_693 = arith.constant 0 : i32
        %ne3A_694 = vector.broadcast %ne3A_693 : i32 to vector<16xi32>
        %ne3A_695 = arith.cmpi ne, %rem3A_692, %ne3A_694 : vector<16xi32>
        %lt3A_696 = arith.constant 0 : i32
        %lt3A_697 = vector.broadcast %lt3A_696 : i32 to vector<16xi32>
        %lt3A_698 = arith.cmpi slt, %rem3A_692, %lt3A_697 : vector<16xi32>
        %lt3A_699 = arith.constant 0 : i32
        %lt3A_700 = arith.cmpi slt, %select_n3A_690, %lt3A_699 : i32
        %ne3A_701 = vector.broadcast %lt3A_700 : i1 to vector<16xi1>
        %ne3A_702 = vector.broadcast %ne3A_701 : vector<16xi1> to vector<16xi1>
        %ne3A_703 = arith.xori %lt3A_698, %ne3A_702 : vector<16xi1>
        %and3A_704 = arith.andi %ne3A_703, %ne3A_695 : vector<16xi1>
        %add3A_705 = vector.broadcast %select_n3A_690 : i32 to vector<16xi32>
        %add3A_706 = arith.addi %rem3A_692, %add3A_705 : vector<16xi32>
        %select_n3A_707 = arith.select %and3A_704, %add3A_706, %rem3A_692 : vector<16xi1>, vector<16xi32>
        %broadcast_in_dim3A_708 = vector.shape_cast %select_n3A_707 : vector<16xi32> to vector<16x1xi32>
        %gather3A_709 = vector.shape_cast %broadcast_in_dim3A_708 : vector<16x1xi32> to vector<16xi32>
        %gather3A_710 = tpu.dynamic_gather %add3A_682[%gather3A_709] in [0] : vector<16xf32>, vector<16xi32> -> vector<16xf32>
        %add3A_711 = arith.addf %add3A_682, %gather3A_710 : vector<16xf32>
        %min3A_712 = arith.constant 6.000000e+01 : f32
        %min3A_713 = vector.broadcast %min3A_712 : f32 to vector<16xf32>
        %min3A_714 = arith.minimumf %add3A_711, %min3A_713 : vector<16xf32>
        %exp3A_715 = math.exp %min3A_714 : vector<16xf32>
        %get3A_716 = arith.index_cast %scan3A_51 : i32 to index
        %get3A_717 = arith.constant 224 : index
        %get3A_718 = tpu.vector_load %arg12[%get3A_716, %get3A_717] {strides = array<i32>} : memref<40x256xf32, #tpu.memory_space<vmem>>, vector<1x16xf32>,
        %get3A_719 = vector.shape_cast %get3A_718 : vector<1x16xf32> to vector<16xf32>
        %get3A_720 = arith.index_cast %scan3A_51 : i32 to index
        %get3A_721 = arith.constant 240 : index
        %get3A_722 = tpu.vector_load %arg12[%get3A_720, %get3A_721] {strides = array<i32>} : memref<40x256xf32, #tpu.memory_space<vmem>>, vector<1x16xf32>,
        %get3A_723 = vector.shape_cast %get3A_722 : vector<1x16xf32> to vector<16xf32>
        %add3A_724 = arith.addf %get3A_719, %get3A_570 : vector<16xf32>
        %mul3A_725 = arith.mulf %exp3A_715, %add3A_724 : vector<16xf32>
        %swap3A_726 = arith.index_cast %scan3A_51 : i32 to index
        %swap3A_727 = arith.constant 96 : index
        %swap3A_728 = tpu.vector_load %arg14[%swap3A_726, %swap3A_727] {strides = array<i32>} : memref<40x144xf32, #tpu.memory_space<vmem>>, vector<1x16xf32>,
        %swap3A_729 = vector.shape_cast %swap3A_728 : vector<1x16xf32> to vector<16xf32>
        %swap3A_730 = vector.shape_cast %mul3A_725 : vector<16xf32> to vector<1x16xf32>
        tpu.vector_store %arg14[%swap3A_726, %swap3A_727], %swap3A_730 {strides = array<i32>} : memref<40x144xf32, #tpu.memory_space<vmem>>, vector<1x16xf32>,
        %add3A_731 = arith.addf %get3A_723, %get3A_574 : vector<16xf32>
        %mul3A_732 = arith.mulf %exp3A_715, %add3A_731 : vector<16xf32>
        %swap3A_733 = arith.index_cast %scan3A_51 : i32 to index
        %swap3A_734 = arith.constant 112 : index
        %swap3A_735 = tpu.vector_load %arg14[%swap3A_733, %swap3A_734] {strides = array<i32>} : memref<40x144xf32, #tpu.memory_space<vmem>>, vector<1x16xf32>,
        %swap3A_736 = vector.shape_cast %swap3A_735 : vector<1x16xf32> to vector<16xf32>
        %swap3A_737 = vector.shape_cast %mul3A_732 : vector<16xf32> to vector<1x16xf32>
        tpu.vector_store %arg14[%swap3A_733, %swap3A_734], %swap3A_737 {strides = array<i32>} : memref<40x144xf32, #tpu.memory_space<vmem>>, vector<1x16xf32>,
        %eq3A_738 = arith.constant 3 : i32
        %eq3A_739 = vector.broadcast %eq3A_738 : i32 to vector<16xi32>
        %eq3A_740 = arith.cmpi eq, %iota3A, %eq3A_739 : vector<16xi32>
        %select_n3A_741 = arith.select %eq3A_740, %exp3A_715, %select_n3A_566 : vector<16xi1>, vector<16xf32>
        %lt3A_742 = arith.constant 4 : i32
        %lt3A_743 = vector.broadcast %lt3A_742 : i32 to vector<16xi32>
        %lt3A_744 = arith.cmpi slt, %iota3A, %lt3A_743 : vector<16xi32>
        %jit3A_745 = arith.constant 0.000000e+00 : f32
        %broadcast_in_dim3A_746 = vector.broadcast %jit3A_745 : f32 to vector<16xf32>
        %select_n3A_747 = arith.select %lt3A_744, %select_n3A_741, %broadcast_in_dim3A_746 : vector<16xi1>, vector<16xf32>
        %swap3A_748 = arith.index_cast %scan3A_51 : i32 to index
        %swap3A_749 = arith.constant 128 : index
        %swap3A_750 = tpu.vector_load %arg14[%swap3A_748, %swap3A_749] {strides = array<i32>} : memref<40x144xf32, #tpu.memory_space<vmem>>, vector<1x16xf32>,
        %swap3A_751 = vector.shape_cast %swap3A_750 : vector<1x16xf32> to vector<16xf32>
        %swap3A_752 = vector.shape_cast %select_n3A_747 : vector<16xf32> to vector<1x16xf32>
        tpu.vector_store %arg14[%swap3A_748, %swap3A_749], %swap3A_752 {strides = array<i32>} : memref<40x144xf32, #tpu.memory_space<vmem>>, vector<1x16xf32>,
        %scan3A_753 = arith.constant 0 : i32
        %scan3A_754 = arith.constant 1 : i32
        %scan3A_755 = arith.addi %scan3A_51, %scan3A_754 : i32
        %broadcast_in_dim3A_756 = arith.constant 0.000000e+00 : f32
        %broadcast_in_dim3A_757 = vector.broadcast %broadcast_in_dim3A_756 : f32 to vector<16xf32>
        %get3A_758 = arith.index_cast %scan3A_755 : i32 to index
        %get3A_759 = arith.constant 0 : index
        %get3A_760 = tpu.vector_load %arg11[%get3A_758, %get3A_759] {strides = array<i32>} : memref<40x128xf32, #tpu.memory_space<vmem>>, vector<1x16xf32>,
        %get3A_761 = vector.shape_cast %get3A_760 : vector<1x16xf32> to vector<16xf32>
        %get3A_762 = arith.index_cast %scan3A_755 : i32 to index
        %get3A_763 = arith.constant 16 : index
        %get3A_764 = tpu.vector_load %arg11[%get3A_762, %get3A_763] {strides = array<i32>} : memref<40x128xf32, #tpu.memory_space<vmem>>, vector<1x16xf32>,
        %get3A_765 = vector.shape_cast %get3A_764 : vector<1x16xf32> to vector<16xf32>
        %get3A_766 = arith.index_cast %scan3A_755 : i32 to index
        %get3A_767 = arith.constant 0 : index
        %get3A_768 = tpu.vector_load %arg13[%get3A_766, %get3A_767] {strides = array<i32>} : memref<40x128xf32, #tpu.memory_space<vmem>>, vector<1x16xf32>,
        %get3A_769 = vector.shape_cast %get3A_768 : vector<1x16xf32> to vector<16xf32>
        %get3A_770 = arith.index_cast %scan3A_755 : i32 to index
        %get3A_771 = arith.constant 16 : index
        %get3A_772 = tpu.vector_load %arg13[%get3A_770, %get3A_771] {strides = array<i32>} : memref<40x128xf32, #tpu.memory_space<vmem>>, vector<1x16xf32>,
        %get3A_773 = vector.shape_cast %get3A_772 : vector<1x16xf32> to vector<16xf32>
        %get3A_774 = arith.index_cast %scan3A_755 : i32 to index
        %get3A_775 = arith.constant 0 : index
        %get3A_776 = tpu.vector_load %arg12[%get3A_774, %get3A_775] {strides = array<i32>} : memref<40x256xf32, #tpu.memory_space<vmem>>, vector<1x16xf32>,
        %get3A_777 = vector.shape_cast %get3A_776 : vector<1x16xf32> to vector<16xf32>
        %get3A_778 = arith.index_cast %scan3A_755 : i32 to index
        %get3A_779 = arith.constant 16 : index
        %get3A_780 = tpu.vector_load %arg12[%get3A_778, %get3A_779] {strides = array<i32>} : memref<40x256xf32, #tpu.memory_space<vmem>>, vector<1x16xf32>,
        %get3A_781 = vector.shape_cast %get3A_780 : vector<1x16xf32> to vector<16xf32>
        %add3A_782 = arith.addf %get3A_777, %get3A_761 : vector<16xf32>
        %mul3A_783 = arith.mulf %get3A_769, %add3A_782 : vector<16xf32>
        %add3A_784 = arith.addf %get3A_781, %get3A_765 : vector<16xf32>
        %mul3A_785 = arith.mulf %get3A_773, %add3A_784 : vector<16xf32>
        %add3A_786 = arith.addf %mul3A_783, %mul3A_785 : vector<16xf32>
        %add3A_787 = arith.constant 8 : i32
        %add3A_788 = vector.broadcast %add3A_787 : i32 to vector<16xi32>
        %add3A_789 = arith.addi %iota3A, %add3A_788 : vector<16xi32>
        %jit3A_790 = arith.constant 16 : i32
        %eq3A_791 = arith.constant 0 : i32
        %eq3A_792 = arith.cmpi eq, %jit3A_790, %eq3A_791 : i32
        %jit3A_793 = arith.constant 1 : i32
        %select_n3A_794 = arith.select %eq3A_792, %jit3A_793, %jit3A_790 : i32
        %rem3A_795 = vector.broadcast %select_n3A_794 : i32 to vector<16xi32>
        %rem3A_796 = arith.remsi %add3A_789, %rem3A_795 : vector<16xi32>
        %ne3A_797 = arith.constant 0 : i32
        %ne3A_798 = vector.broadcast %ne3A_797 : i32 to vector<16xi32>
        %ne3A_799 = arith.cmpi ne, %rem3A_796, %ne3A_798 : vector<16xi32>
        %lt3A_800 = arith.constant 0 : i32
        %lt3A_801 = vector.broadcast %lt3A_800 : i32 to vector<16xi32>
        %lt3A_802 = arith.cmpi slt, %rem3A_796, %lt3A_801 : vector<16xi32>
        %lt3A_803 = arith.constant 0 : i32
        %lt3A_804 = arith.cmpi slt, %select_n3A_794, %lt3A_803 : i32
        %ne3A_805 = vector.broadcast %lt3A_804 : i1 to vector<16xi1>
        %ne3A_806 = vector.broadcast %ne3A_805 : vector<16xi1> to vector<16xi1>
        %ne3A_807 = arith.xori %lt3A_802, %ne3A_806 : vector<16xi1>
        %and3A_808 = arith.andi %ne3A_807, %ne3A_799 : vector<16xi1>
        %add3A_809 = vector.broadcast %select_n3A_794 : i32 to vector<16xi32>
        %add3A_810 = arith.addi %rem3A_796, %add3A_809 : vector<16xi32>
        %select_n3A_811 = arith.select %and3A_808, %add3A_810, %rem3A_796 : vector<16xi1>, vector<16xi32>
        %broadcast_in_dim3A_812 = vector.shape_cast %select_n3A_811 : vector<16xi32> to vector<16x1xi32>
        %gather3A_813 = vector.shape_cast %broadcast_in_dim3A_812 : vector<16x1xi32> to vector<16xi32>
        %gather3A_814 = tpu.dynamic_gather %add3A_786[%gather3A_813] in [0] : vector<16xf32>, vector<16xi32> -> vector<16xf32>
        %add3A_815 = arith.addf %add3A_786, %gather3A_814 : vector<16xf32>
        %add3A_816 = arith.constant 4 : i32
        %add3A_817 = vector.broadcast %add3A_816 : i32 to vector<16xi32>
        %add3A_818 = arith.addi %iota3A, %add3A_817 : vector<16xi32>
        %jit3A_819 = arith.constant 16 : i32
        %eq3A_820 = arith.constant 0 : i32
        %eq3A_821 = arith.cmpi eq, %jit3A_819, %eq3A_820 : i32
        %jit3A_822 = arith.constant 1 : i32
        %select_n3A_823 = arith.select %eq3A_821, %jit3A_822, %jit3A_819 : i32
        %rem3A_824 = vector.broadcast %select_n3A_823 : i32 to vector<16xi32>
        %rem3A_825 = arith.remsi %add3A_818, %rem3A_824 : vector<16xi32>
        %ne3A_826 = arith.constant 0 : i32
        %ne3A_827 = vector.broadcast %ne3A_826 : i32 to vector<16xi32>
        %ne3A_828 = arith.cmpi ne, %rem3A_825, %ne3A_827 : vector<16xi32>
        %lt3A_829 = arith.constant 0 : i32
        %lt3A_830 = vector.broadcast %lt3A_829 : i32 to vector<16xi32>
        %lt3A_831 = arith.cmpi slt, %rem3A_825, %lt3A_830 : vector<16xi32>
        %lt3A_832 = arith.constant 0 : i32
        %lt3A_833 = arith.cmpi slt, %select_n3A_823, %lt3A_832 : i32
        %ne3A_834 = vector.broadcast %lt3A_833 : i1 to vector<16xi1>
        %ne3A_835 = vector.broadcast %ne3A_834 : vector<16xi1> to vector<16xi1>
        %ne3A_836 = arith.xori %lt3A_831, %ne3A_835 : vector<16xi1>
        %and3A_837 = arith.andi %ne3A_836, %ne3A_828 : vector<16xi1>
        %add3A_838 = vector.broadcast %select_n3A_823 : i32 to vector<16xi32>
        %add3A_839 = arith.addi %rem3A_825, %add3A_838 : vector<16xi32>
        %select_n3A_840 = arith.select %and3A_837, %add3A_839, %rem3A_825 : vector<16xi1>, vector<16xi32>
        %broadcast_in_dim3A_841 = vector.shape_cast %select_n3A_840 : vector<16xi32> to vector<16x1xi32>
        %gather3A_842 = vector.shape_cast %broadcast_in_dim3A_841 : vector<16x1xi32> to vector<16xi32>
        %gather3A_843 = tpu.dynamic_gather %add3A_815[%gather3A_842] in [0] : vector<16xf32>, vector<16xi32> -> vector<16xf32>
        %add3A_844 = arith.addf %add3A_815, %gather3A_843 : vector<16xf32>
        %add3A_845 = arith.constant 2 : i32
        %add3A_846 = vector.broadcast %add3A_845 : i32 to vector<16xi32>
        %add3A_847 = arith.addi %iota3A, %add3A_846 : vector<16xi32>
        %jit3A_848 = arith.constant 16 : i32
        %eq3A_849 = arith.constant 0 : i32
        %eq3A_850 = arith.cmpi eq, %jit3A_848, %eq3A_849 : i32
        %jit3A_851 = arith.constant 1 : i32
        %select_n3A_852 = arith.select %eq3A_850, %jit3A_851, %jit3A_848 : i32
        %rem3A_853 = vector.broadcast %select_n3A_852 : i32 to vector<16xi32>
        %rem3A_854 = arith.remsi %add3A_847, %rem3A_853 : vector<16xi32>
        %ne3A_855 = arith.constant 0 : i32
        %ne3A_856 = vector.broadcast %ne3A_855 : i32 to vector<16xi32>
        %ne3A_857 = arith.cmpi ne, %rem3A_854, %ne3A_856 : vector<16xi32>
        %lt3A_858 = arith.constant 0 : i32
        %lt3A_859 = vector.broadcast %lt3A_858 : i32 to vector<16xi32>
        %lt3A_860 = arith.cmpi slt, %rem3A_854, %lt3A_859 : vector<16xi32>
        %lt3A_861 = arith.constant 0 : i32
        %lt3A_862 = arith.cmpi slt, %select_n3A_852, %lt3A_861 : i32
        %ne3A_863 = vector.broadcast %lt3A_862 : i1 to vector<16xi1>
        %ne3A_864 = vector.broadcast %ne3A_863 : vector<16xi1> to vector<16xi1>
        %ne3A_865 = arith.xori %lt3A_860, %ne3A_864 : vector<16xi1>
        %and3A_866 = arith.andi %ne3A_865, %ne3A_857 : vector<16xi1>
        %add3A_867 = vector.broadcast %select_n3A_852 : i32 to vector<16xi32>
        %add3A_868 = arith.addi %rem3A_854, %add3A_867 : vector<16xi32>
        %select_n3A_869 = arith.select %and3A_866, %add3A_868, %rem3A_854 : vector<16xi1>, vector<16xi32>
        %broadcast_in_dim3A_870 = vector.shape_cast %select_n3A_869 : vector<16xi32> to vector<16x1xi32>
        %gather3A_871 = vector.shape_cast %broadcast_in_dim3A_870 : vector<16x1xi32> to vector<16xi32>
        %gather3A_872 = tpu.dynamic_gather %add3A_844[%gather3A_871] in [0] : vector<16xf32>, vector<16xi32> -> vector<16xf32>
        %add3A_873 = arith.addf %add3A_844, %gather3A_872 : vector<16xf32>
        %add3A_874 = arith.constant 1 : i32
        %add3A_875 = vector.broadcast %add3A_874 : i32 to vector<16xi32>
        %add3A_876 = arith.addi %iota3A, %add3A_875 : vector<16xi32>
        %jit3A_877 = arith.constant 16 : i32
        %eq3A_878 = arith.constant 0 : i32
        %eq3A_879 = arith.cmpi eq, %jit3A_877, %eq3A_878 : i32
        %jit3A_880 = arith.constant 1 : i32
        %select_n3A_881 = arith.select %eq3A_879, %jit3A_880, %jit3A_877 : i32
        %rem3A_882 = vector.broadcast %select_n3A_881 : i32 to vector<16xi32>
        %rem3A_883 = arith.remsi %add3A_876, %rem3A_882 : vector<16xi32>
        %ne3A_884 = arith.constant 0 : i32
        %ne3A_885 = vector.broadcast %ne3A_884 : i32 to vector<16xi32>
        %ne3A_886 = arith.cmpi ne, %rem3A_883, %ne3A_885 : vector<16xi32>
        %lt3A_887 = arith.constant 0 : i32
        %lt3A_888 = vector.broadcast %lt3A_887 : i32 to vector<16xi32>
        %lt3A_889 = arith.cmpi slt, %rem3A_883, %lt3A_888 : vector<16xi32>
        %lt3A_890 = arith.constant 0 : i32
        %lt3A_891 = arith.cmpi slt, %select_n3A_881, %lt3A_890 : i32
        %ne3A_892 = vector.broadcast %lt3A_891 : i1 to vector<16xi1>
        %ne3A_893 = vector.broadcast %ne3A_892 : vector<16xi1> to vector<16xi1>
        %ne3A_894 = arith.xori %lt3A_889, %ne3A_893 : vector<16xi1>
        %and3A_895 = arith.andi %ne3A_894, %ne3A_886 : vector<16xi1>
        %add3A_896 = vector.broadcast %select_n3A_881 : i32 to vector<16xi32>
        %add3A_897 = arith.addi %rem3A_883, %add3A_896 : vector<16xi32>
        %select_n3A_898 = arith.select %and3A_895, %add3A_897, %rem3A_883 : vector<16xi1>, vector<16xi32>
        %broadcast_in_dim3A_899 = vector.shape_cast %select_n3A_898 : vector<16xi32> to vector<16x1xi32>
        %gather3A_900 = vector.shape_cast %broadcast_in_dim3A_899 : vector<16x1xi32> to vector<16xi32>
        %gather3A_901 = tpu.dynamic_gather %add3A_873[%gather3A_900] in [0] : vector<16xf32>, vector<16xi32> -> vector<16xf32>
        %add3A_902 = arith.addf %add3A_873, %gather3A_901 : vector<16xf32>
        %min3A_903 = arith.constant 6.000000e+01 : f32
        %min3A_904 = vector.broadcast %min3A_903 : f32 to vector<16xf32>
        %min3A_905 = arith.minimumf %add3A_902, %min3A_904 : vector<16xf32>
        %exp3A_906 = math.exp %min3A_905 : vector<16xf32>
        %get3A_907 = arith.index_cast %scan3A_755 : i32 to index
        %get3A_908 = arith.constant 128 : index
        %get3A_909 = tpu.vector_load %arg12[%get3A_907, %get3A_908] {strides = array<i32>} : memref<40x256xf32, #tpu.memory_space<vmem>>, vector<1x16xf32>,
        %get3A_910 = vector.shape_cast %get3A_909 : vector<1x16xf32> to vector<16xf32>
        %get3A_911 = arith.index_cast %scan3A_755 : i32 to index
        %get3A_912 = arith.constant 144 : index
        %get3A_913 = tpu.vector_load %arg12[%get3A_911, %get3A_912] {strides = array<i32>} : memref<40x256xf32, #tpu.memory_space<vmem>>, vector<1x16xf32>,
        %get3A_914 = vector.shape_cast %get3A_913 : vector<1x16xf32> to vector<16xf32>
        %add3A_915 = arith.addf %get3A_910, %get3A_761 : vector<16xf32>
        %mul3A_916 = arith.mulf %exp3A_906, %add3A_915 : vector<16xf32>
        %swap3A_917 = arith.index_cast %scan3A_755 : i32 to index
        %swap3A_918 = arith.constant 0 : index
        %swap3A_919 = tpu.vector_load %arg14[%swap3A_917, %swap3A_918] {strides = array<i32>} : memref<40x144xf32, #tpu.memory_space<vmem>>, vector<1x16xf32>,
        %swap3A_920 = vector.shape_cast %swap3A_919 : vector<1x16xf32> to vector<16xf32>
        %swap3A_921 = vector.shape_cast %mul3A_916 : vector<16xf32> to vector<1x16xf32>
        tpu.vector_store %arg14[%swap3A_917, %swap3A_918], %swap3A_921 {strides = array<i32>} : memref<40x144xf32, #tpu.memory_space<vmem>>, vector<1x16xf32>,
        %add3A_922 = arith.addf %get3A_914, %get3A_765 : vector<16xf32>
        %mul3A_923 = arith.mulf %exp3A_906, %add3A_922 : vector<16xf32>
        %swap3A_924 = arith.index_cast %scan3A_755 : i32 to index
        %swap3A_925 = arith.constant 16 : index
        %swap3A_926 = tpu.vector_load %arg14[%swap3A_924, %swap3A_925] {strides = array<i32>} : memref<40x144xf32, #tpu.memory_space<vmem>>, vector<1x16xf32>,
        %swap3A_927 = vector.shape_cast %swap3A_926 : vector<1x16xf32> to vector<16xf32>
        %swap3A_928 = vector.shape_cast %mul3A_923 : vector<16xf32> to vector<1x16xf32>
        tpu.vector_store %arg14[%swap3A_924, %swap3A_925], %swap3A_928 {strides = array<i32>} : memref<40x144xf32, #tpu.memory_space<vmem>>, vector<1x16xf32>,
        %eq3A_929 = arith.constant 0 : i32
        %eq3A_930 = vector.broadcast %eq3A_929 : i32 to vector<16xi32>
        %eq3A_931 = arith.cmpi eq, %iota3A, %eq3A_930 : vector<16xi32>
        %select_n3A_932 = arith.select %eq3A_931, %exp3A_906, %broadcast_in_dim3A_757 : vector<16xi1>, vector<16xf32>
        %get3A_933 = arith.index_cast %scan3A_755 : i32 to index
        %get3A_934 = arith.constant 32 : index
        %get3A_935 = tpu.vector_load %arg11[%get3A_933, %get3A_934] {strides = array<i32>} : memref<40x128xf32, #tpu.memory_space<vmem>>, vector<1x16xf32>,
        %get3A_936 = vector.shape_cast %get3A_935 : vector<1x16xf32> to vector<16xf32>
        %get3A_937 = arith.index_cast %scan3A_755 : i32 to index
        %get3A_938 = arith.constant 48 : index
        %get3A_939 = tpu.vector_load %arg11[%get3A_937, %get3A_938] {strides = array<i32>} : memref<40x128xf32, #tpu.memory_space<vmem>>, vector<1x16xf32>,
        %get3A_940 = vector.shape_cast %get3A_939 : vector<1x16xf32> to vector<16xf32>
        %get3A_941 = arith.index_cast %scan3A_755 : i32 to index
        %get3A_942 = arith.constant 32 : index
        %get3A_943 = tpu.vector_load %arg13[%get3A_941, %get3A_942] {strides = array<i32>} : memref<40x128xf32, #tpu.memory_space<vmem>>, vector<1x16xf32>,
        %get3A_944 = vector.shape_cast %get3A_943 : vector<1x16xf32> to vector<16xf32>
        %get3A_945 = arith.index_cast %scan3A_755 : i32 to index
        %get3A_946 = arith.constant 48 : index
        %get3A_947 = tpu.vector_load %arg13[%get3A_945, %get3A_946] {strides = array<i32>} : memref<40x128xf32, #tpu.memory_space<vmem>>, vector<1x16xf32>,
        %get3A_948 = vector.shape_cast %get3A_947 : vector<1x16xf32> to vector<16xf32>
        %get3A_949 = arith.index_cast %scan3A_755 : i32 to index
        %get3A_950 = arith.constant 32 : index
        %get3A_951 = tpu.vector_load %arg12[%get3A_949, %get3A_950] {strides = array<i32>} : memref<40x256xf32, #tpu.memory_space<vmem>>, vector<1x16xf32>,
        %get3A_952 = vector.shape_cast %get3A_951 : vector<1x16xf32> to vector<16xf32>
        %get3A_953 = arith.index_cast %scan3A_755 : i32 to index
        %get3A_954 = arith.constant 48 : index
        %get3A_955 = tpu.vector_load %arg12[%get3A_953, %get3A_954] {strides = array<i32>} : memref<40x256xf32, #tpu.memory_space<vmem>>, vector<1x16xf32>,
        %get3A_956 = vector.shape_cast %get3A_955 : vector<1x16xf32> to vector<16xf32>
        %add3A_957 = arith.addf %get3A_952, %get3A_936 : vector<16xf32>
        %mul3A_958 = arith.mulf %get3A_944, %add3A_957 : vector<16xf32>
        %add3A_959 = arith.addf %get3A_956, %get3A_940 : vector<16xf32>
        %mul3A_960 = arith.mulf %get3A_948, %add3A_959 : vector<16xf32>
        %add3A_961 = arith.addf %mul3A_958, %mul3A_960 : vector<16xf32>
        %add3A_962 = arith.constant 8 : i32
        %add3A_963 = vector.broadcast %add3A_962 : i32 to vector<16xi32>
        %add3A_964 = arith.addi %iota3A, %add3A_963 : vector<16xi32>
        %jit3A_965 = arith.constant 16 : i32
        %eq3A_966 = arith.constant 0 : i32
        %eq3A_967 = arith.cmpi eq, %jit3A_965, %eq3A_966 : i32
        %jit3A_968 = arith.constant 1 : i32
        %select_n3A_969 = arith.select %eq3A_967, %jit3A_968, %jit3A_965 : i32
        %rem3A_970 = vector.broadcast %select_n3A_969 : i32 to vector<16xi32>
        %rem3A_971 = arith.remsi %add3A_964, %rem3A_970 : vector<16xi32>
        %ne3A_972 = arith.constant 0 : i32
        %ne3A_973 = vector.broadcast %ne3A_972 : i32 to vector<16xi32>
        %ne3A_974 = arith.cmpi ne, %rem3A_971, %ne3A_973 : vector<16xi32>
        %lt3A_975 = arith.constant 0 : i32
        %lt3A_976 = vector.broadcast %lt3A_975 : i32 to vector<16xi32>
        %lt3A_977 = arith.cmpi slt, %rem3A_971, %lt3A_976 : vector<16xi32>
        %lt3A_978 = arith.constant 0 : i32
        %lt3A_979 = arith.cmpi slt, %select_n3A_969, %lt3A_978 : i32
        %ne3A_980 = vector.broadcast %lt3A_979 : i1 to vector<16xi1>
        %ne3A_981 = vector.broadcast %ne3A_980 : vector<16xi1> to vector<16xi1>
        %ne3A_982 = arith.xori %lt3A_977, %ne3A_981 : vector<16xi1>
        %and3A_983 = arith.andi %ne3A_982, %ne3A_974 : vector<16xi1>
        %add3A_984 = vector.broadcast %select_n3A_969 : i32 to vector<16xi32>
        %add3A_985 = arith.addi %rem3A_971, %add3A_984 : vector<16xi32>
        %select_n3A_986 = arith.select %and3A_983, %add3A_985, %rem3A_971 : vector<16xi1>, vector<16xi32>
        %broadcast_in_dim3A_987 = vector.shape_cast %select_n3A_986 : vector<16xi32> to vector<16x1xi32>
        %gather3A_988 = vector.shape_cast %broadcast_in_dim3A_987 : vector<16x1xi32> to vector<16xi32>
        %gather3A_989 = tpu.dynamic_gather %add3A_961[%gather3A_988] in [0] : vector<16xf32>, vector<16xi32> -> vector<16xf32>
        %add3A_990 = arith.addf %add3A_961, %gather3A_989 : vector<16xf32>
        %add3A_991 = arith.constant 4 : i32
        %add3A_992 = vector.broadcast %add3A_991 : i32 to vector<16xi32>
        %add3A_993 = arith.addi %iota3A, %add3A_992 : vector<16xi32>
        %jit3A_994 = arith.constant 16 : i32
        %eq3A_995 = arith.constant 0 : i32
        %eq3A_996 = arith.cmpi eq, %jit3A_994, %eq3A_995 : i32
        %jit3A_997 = arith.constant 1 : i32
        %select_n3A_998 = arith.select %eq3A_996, %jit3A_997, %jit3A_994 : i32
        %rem3A_999 = vector.broadcast %select_n3A_998 : i32 to vector<16xi32>
        %rem3A_1000 = arith.remsi %add3A_993, %rem3A_999 : vector<16xi32>
        %ne3A_1001 = arith.constant 0 : i32
        %ne3A_1002 = vector.broadcast %ne3A_1001 : i32 to vector<16xi32>
        %ne3A_1003 = arith.cmpi ne, %rem3A_1000, %ne3A_1002 : vector<16xi32>
        %lt3A_1004 = arith.constant 0 : i32
        %lt3A_1005 = vector.broadcast %lt3A_1004 : i32 to vector<16xi32>
        %lt3A_1006 = arith.cmpi slt, %rem3A_1000, %lt3A_1005 : vector<16xi32>
        %lt3A_1007 = arith.constant 0 : i32
        %lt3A_1008 = arith.cmpi slt, %select_n3A_998, %lt3A_1007 : i32
        %ne3A_1009 = vector.broadcast %lt3A_1008 : i1 to vector<16xi1>
        %ne3A_1010 = vector.broadcast %ne3A_1009 : vector<16xi1> to vector<16xi1>
        %ne3A_1011 = arith.xori %lt3A_1006, %ne3A_1010 : vector<16xi1>
        %and3A_1012 = arith.andi %ne3A_1011, %ne3A_1003 : vector<16xi1>
        %add3A_1013 = vector.broadcast %select_n3A_998 : i32 to vector<16xi32>
        %add3A_1014 = arith.addi %rem3A_1000, %add3A_1013 : vector<16xi32>
        %select_n3A_1015 = arith.select %and3A_1012, %add3A_1014, %rem3A_1000 : vector<16xi1>, vector<16xi32>
        %broadcast_in_dim3A_1016 = vector.shape_cast %select_n3A_1015 : vector<16xi32> to vector<16x1xi32>
        %gather3A_1017 = vector.shape_cast %broadcast_in_dim3A_1016 : vector<16x1xi32> to vector<16xi32>
        %gather3A_1018 = tpu.dynamic_gather %add3A_990[%gather3A_1017] in [0] : vector<16xf32>, vector<16xi32> -> vector<16xf32>
        %add3A_1019 = arith.addf %add3A_990, %gather3A_1018 : vector<16xf32>
        %add3A_1020 = arith.constant 2 : i32
        %add3A_1021 = vector.broadcast %add3A_1020 : i32 to vector<16xi32>
        %add3A_1022 = arith.addi %iota3A, %add3A_1021 : vector<16xi32>
        %jit3A_1023 = arith.constant 16 : i32
        %eq3A_1024 = arith.constant 0 : i32
        %eq3A_1025 = arith.cmpi eq, %jit3A_1023, %eq3A_1024 : i32
        %jit3A_1026 = arith.constant 1 : i32
        %select_n3A_1027 = arith.select %eq3A_1025, %jit3A_1026, %jit3A_1023 : i32
        %rem3A_1028 = vector.broadcast %select_n3A_1027 : i32 to vector<16xi32>
        %rem3A_1029 = arith.remsi %add3A_1022, %rem3A_1028 : vector<16xi32>
        %ne3A_1030 = arith.constant 0 : i32
        %ne3A_1031 = vector.broadcast %ne3A_1030 : i32 to vector<16xi32>
        %ne3A_1032 = arith.cmpi ne, %rem3A_1029, %ne3A_1031 : vector<16xi32>
        %lt3A_1033 = arith.constant 0 : i32
        %lt3A_1034 = vector.broadcast %lt3A_1033 : i32 to vector<16xi32>
        %lt3A_1035 = arith.cmpi slt, %rem3A_1029, %lt3A_1034 : vector<16xi32>
        %lt3A_1036 = arith.constant 0 : i32
        %lt3A_1037 = arith.cmpi slt, %select_n3A_1027, %lt3A_1036 : i32
        %ne3A_1038 = vector.broadcast %lt3A_1037 : i1 to vector<16xi1>
        %ne3A_1039 = vector.broadcast %ne3A_1038 : vector<16xi1> to vector<16xi1>
        %ne3A_1040 = arith.xori %lt3A_1035, %ne3A_1039 : vector<16xi1>
        %and3A_1041 = arith.andi %ne3A_1040, %ne3A_1032 : vector<16xi1>
        %add3A_1042 = vector.broadcast %select_n3A_1027 : i32 to vector<16xi32>
        %add3A_1043 = arith.addi %rem3A_1029, %add3A_1042 : vector<16xi32>
        %select_n3A_1044 = arith.select %and3A_1041, %add3A_1043, %rem3A_1029 : vector<16xi1>, vector<16xi32>
        %broadcast_in_dim3A_1045 = vector.shape_cast %select_n3A_1044 : vector<16xi32> to vector<16x1xi32>
        %gather3A_1046 = vector.shape_cast %broadcast_in_dim3A_1045 : vector<16x1xi32> to vector<16xi32>
        %gather3A_1047 = tpu.dynamic_gather %add3A_1019[%gather3A_1046] in [0] : vector<16xf32>, vector<16xi32> -> vector<16xf32>
        %add3A_1048 = arith.addf %add3A_1019, %gather3A_1047 : vector<16xf32>
        %add3A_1049 = arith.constant 1 : i32
        %add3A_1050 = vector.broadcast %add3A_1049 : i32 to vector<16xi32>
        %add3A_1051 = arith.addi %iota3A, %add3A_1050 : vector<16xi32>
        %jit3A_1052 = arith.constant 16 : i32
        %eq3A_1053 = arith.constant 0 : i32
        %eq3A_1054 = arith.cmpi eq, %jit3A_1052, %eq3A_1053 : i32
        %jit3A_1055 = arith.constant 1 : i32
        %select_n3A_1056 = arith.select %eq3A_1054, %jit3A_1055, %jit3A_1052 : i32
        %rem3A_1057 = vector.broadcast %select_n3A_1056 : i32 to vector<16xi32>
        %rem3A_1058 = arith.remsi %add3A_1051, %rem3A_1057 : vector<16xi32>
        %ne3A_1059 = arith.constant 0 : i32
        %ne3A_1060 = vector.broadcast %ne3A_1059 : i32 to vector<16xi32>
        %ne3A_1061 = arith.cmpi ne, %rem3A_1058, %ne3A_1060 : vector<16xi32>
        %lt3A_1062 = arith.constant 0 : i32
        %lt3A_1063 = vector.broadcast %lt3A_1062 : i32 to vector<16xi32>
        %lt3A_1064 = arith.cmpi slt, %rem3A_1058, %lt3A_1063 : vector<16xi32>
        %lt3A_1065 = arith.constant 0 : i32
        %lt3A_1066 = arith.cmpi slt, %select_n3A_1056, %lt3A_1065 : i32
        %ne3A_1067 = vector.broadcast %lt3A_1066 : i1 to vector<16xi1>
        %ne3A_1068 = vector.broadcast %ne3A_1067 : vector<16xi1> to vector<16xi1>
        %ne3A_1069 = arith.xori %lt3A_1064, %ne3A_1068 : vector<16xi1>
        %and3A_1070 = arith.andi %ne3A_1069, %ne3A_1061 : vector<16xi1>
        %add3A_1071 = vector.broadcast %select_n3A_1056 : i32 to vector<16xi32>
        %add3A_1072 = arith.addi %rem3A_1058, %add3A_1071 : vector<16xi32>
        %select_n3A_1073 = arith.select %and3A_1070, %add3A_1072, %rem3A_1058 : vector<16xi1>, vector<16xi32>
        %broadcast_in_dim3A_1074 = vector.shape_cast %select_n3A_1073 : vector<16xi32> to vector<16x1xi32>
        %gather3A_1075 = vector.shape_cast %broadcast_in_dim3A_1074 : vector<16x1xi32> to vector<16xi32>
        %gather3A_1076 = tpu.dynamic_gather %add3A_1048[%gather3A_1075] in [0] : vector<16xf32>, vector<16xi32> -> vector<16xf32>
        %add3A_1077 = arith.addf %add3A_1048, %gather3A_1076 : vector<16xf32>
        %min3A_1078 = arith.constant 6.000000e+01 : f32
        %min3A_1079 = vector.broadcast %min3A_1078 : f32 to vector<16xf32>
        %min3A_1080 = arith.minimumf %add3A_1077, %min3A_1079 : vector<16xf32>
        %exp3A_1081 = math.exp %min3A_1080 : vector<16xf32>
        %get3A_1082 = arith.index_cast %scan3A_755 : i32 to index
        %get3A_1083 = arith.constant 160 : index
        %get3A_1084 = tpu.vector_load %arg12[%get3A_1082, %get3A_1083] {strides = array<i32>} : memref<40x256xf32, #tpu.memory_space<vmem>>, vector<1x16xf32>,
        %get3A_1085 = vector.shape_cast %get3A_1084 : vector<1x16xf32> to vector<16xf32>
        %get3A_1086 = arith.index_cast %scan3A_755 : i32 to index
        %get3A_1087 = arith.constant 176 : index
        %get3A_1088 = tpu.vector_load %arg12[%get3A_1086, %get3A_1087] {strides = array<i32>} : memref<40x256xf32, #tpu.memory_space<vmem>>, vector<1x16xf32>,
        %get3A_1089 = vector.shape_cast %get3A_1088 : vector<1x16xf32> to vector<16xf32>
        %add3A_1090 = arith.addf %get3A_1085, %get3A_936 : vector<16xf32>
        %mul3A_1091 = arith.mulf %exp3A_1081, %add3A_1090 : vector<16xf32>
        %swap3A_1092 = arith.index_cast %scan3A_755 : i32 to index
        %swap3A_1093 = arith.constant 32 : index
        %swap3A_1094 = tpu.vector_load %arg14[%swap3A_1092, %swap3A_1093] {strides = array<i32>} : memref<40x144xf32, #tpu.memory_space<vmem>>, vector<1x16xf32>,
        %swap3A_1095 = vector.shape_cast %swap3A_1094 : vector<1x16xf32> to vector<16xf32>
        %swap3A_1096 = vector.shape_cast %mul3A_1091 : vector<16xf32> to vector<1x16xf32>
        tpu.vector_store %arg14[%swap3A_1092, %swap3A_1093], %swap3A_1096 {strides = array<i32>} : memref<40x144xf32, #tpu.memory_space<vmem>>, vector<1x16xf32>,
        %add3A_1097 = arith.addf %get3A_1089, %get3A_940 : vector<16xf32>
        %mul3A_1098 = arith.mulf %exp3A_1081, %add3A_1097 : vector<16xf32>
        %swap3A_1099 = arith.index_cast %scan3A_755 : i32 to index
        %swap3A_1100 = arith.constant 48 : index
        %swap3A_1101 = tpu.vector_load %arg14[%swap3A_1099, %swap3A_1100] {strides = array<i32>} : memref<40x144xf32, #tpu.memory_space<vmem>>, vector<1x16xf32>,
        %swap3A_1102 = vector.shape_cast %swap3A_1101 : vector<1x16xf32> to vector<16xf32>
        %swap3A_1103 = vector.shape_cast %mul3A_1098 : vector<16xf32> to vector<1x16xf32>
        tpu.vector_store %arg14[%swap3A_1099, %swap3A_1100], %swap3A_1103 {strides = array<i32>} : memref<40x144xf32, #tpu.memory_space<vmem>>, vector<1x16xf32>,
        %eq3A_1104 = arith.constant 1 : i32
        %eq3A_1105 = vector.broadcast %eq3A_1104 : i32 to vector<16xi32>
        %eq3A_1106 = arith.cmpi eq, %iota3A, %eq3A_1105 : vector<16xi32>
        %select_n3A_1107 = arith.select %eq3A_1106, %exp3A_1081, %select_n3A_932 : vector<16xi1>, vector<16xf32>
        %get3A_1108 = arith.index_cast %scan3A_755 : i32 to index
        %get3A_1109 = arith.constant 64 : index
        %get3A_1110 = tpu.vector_load %arg11[%get3A_1108, %get3A_1109] {strides = array<i32>} : memref<40x128xf32, #tpu.memory_space<vmem>>, vector<1x16xf32>,
        %get3A_1111 = vector.shape_cast %get3A_1110 : vector<1x16xf32> to vector<16xf32>
        %get3A_1112 = arith.index_cast %scan3A_755 : i32 to index
        %get3A_1113 = arith.constant 80 : index
        %get3A_1114 = tpu.vector_load %arg11[%get3A_1112, %get3A_1113] {strides = array<i32>} : memref<40x128xf32, #tpu.memory_space<vmem>>, vector<1x16xf32>,
        %get3A_1115 = vector.shape_cast %get3A_1114 : vector<1x16xf32> to vector<16xf32>
        %get3A_1116 = arith.index_cast %scan3A_755 : i32 to index
        %get3A_1117 = arith.constant 64 : index
        %get3A_1118 = tpu.vector_load %arg13[%get3A_1116, %get3A_1117] {strides = array<i32>} : memref<40x128xf32, #tpu.memory_space<vmem>>, vector<1x16xf32>,
        %get3A_1119 = vector.shape_cast %get3A_1118 : vector<1x16xf32> to vector<16xf32>
        %get3A_1120 = arith.index_cast %scan3A_755 : i32 to index
        %get3A_1121 = arith.constant 80 : index
        %get3A_1122 = tpu.vector_load %arg13[%get3A_1120, %get3A_1121] {strides = array<i32>} : memref<40x128xf32, #tpu.memory_space<vmem>>, vector<1x16xf32>,
        %get3A_1123 = vector.shape_cast %get3A_1122 : vector<1x16xf32> to vector<16xf32>
        %get3A_1124 = arith.index_cast %scan3A_755 : i32 to index
        %get3A_1125 = arith.constant 64 : index
        %get3A_1126 = tpu.vector_load %arg12[%get3A_1124, %get3A_1125] {strides = array<i32>} : memref<40x256xf32, #tpu.memory_space<vmem>>, vector<1x16xf32>,
        %get3A_1127 = vector.shape_cast %get3A_1126 : vector<1x16xf32> to vector<16xf32>
        %get3A_1128 = arith.index_cast %scan3A_755 : i32 to index
        %get3A_1129 = arith.constant 80 : index
        %get3A_1130 = tpu.vector_load %arg12[%get3A_1128, %get3A_1129] {strides = array<i32>} : memref<40x256xf32, #tpu.memory_space<vmem>>, vector<1x16xf32>,
        %get3A_1131 = vector.shape_cast %get3A_1130 : vector<1x16xf32> to vector<16xf32>
        %add3A_1132 = arith.addf %get3A_1127, %get3A_1111 : vector<16xf32>
        %mul3A_1133 = arith.mulf %get3A_1119, %add3A_1132 : vector<16xf32>
        %add3A_1134 = arith.addf %get3A_1131, %get3A_1115 : vector<16xf32>
        %mul3A_1135 = arith.mulf %get3A_1123, %add3A_1134 : vector<16xf32>
        %add3A_1136 = arith.addf %mul3A_1133, %mul3A_1135 : vector<16xf32>
        %add3A_1137 = arith.constant 8 : i32
        %add3A_1138 = vector.broadcast %add3A_1137 : i32 to vector<16xi32>
        %add3A_1139 = arith.addi %iota3A, %add3A_1138 : vector<16xi32>
        %jit3A_1140 = arith.constant 16 : i32
        %eq3A_1141 = arith.constant 0 : i32
        %eq3A_1142 = arith.cmpi eq, %jit3A_1140, %eq3A_1141 : i32
        %jit3A_1143 = arith.constant 1 : i32
        %select_n3A_1144 = arith.select %eq3A_1142, %jit3A_1143, %jit3A_1140 : i32
        %rem3A_1145 = vector.broadcast %select_n3A_1144 : i32 to vector<16xi32>
        %rem3A_1146 = arith.remsi %add3A_1139, %rem3A_1145 : vector<16xi32>
        %ne3A_1147 = arith.constant 0 : i32
        %ne3A_1148 = vector.broadcast %ne3A_1147 : i32 to vector<16xi32>
        %ne3A_1149 = arith.cmpi ne, %rem3A_1146, %ne3A_1148 : vector<16xi32>
        %lt3A_1150 = arith.constant 0 : i32
        %lt3A_1151 = vector.broadcast %lt3A_1150 : i32 to vector<16xi32>
        %lt3A_1152 = arith.cmpi slt, %rem3A_1146, %lt3A_1151 : vector<16xi32>
        %lt3A_1153 = arith.constant 0 : i32
        %lt3A_1154 = arith.cmpi slt, %select_n3A_1144, %lt3A_1153 : i32
        %ne3A_1155 = vector.broadcast %lt3A_1154 : i1 to vector<16xi1>
        %ne3A_1156 = vector.broadcast %ne3A_1155 : vector<16xi1> to vector<16xi1>
        %ne3A_1157 = arith.xori %lt3A_1152, %ne3A_1156 : vector<16xi1>
        %and3A_1158 = arith.andi %ne3A_1157, %ne3A_1149 : vector<16xi1>
        %add3A_1159 = vector.broadcast %select_n3A_1144 : i32 to vector<16xi32>
        %add3A_1160 = arith.addi %rem3A_1146, %add3A_1159 : vector<16xi32>
        %select_n3A_1161 = arith.select %and3A_1158, %add3A_1160, %rem3A_1146 : vector<16xi1>, vector<16xi32>
        %broadcast_in_dim3A_1162 = vector.shape_cast %select_n3A_1161 : vector<16xi32> to vector<16x1xi32>
        %gather3A_1163 = vector.shape_cast %broadcast_in_dim3A_1162 : vector<16x1xi32> to vector<16xi32>
        %gather3A_1164 = tpu.dynamic_gather %add3A_1136[%gather3A_1163] in [0] : vector<16xf32>, vector<16xi32> -> vector<16xf32>
        %add3A_1165 = arith.addf %add3A_1136, %gather3A_1164 : vector<16xf32>
        %add3A_1166 = arith.constant 4 : i32
        %add3A_1167 = vector.broadcast %add3A_1166 : i32 to vector<16xi32>
        %add3A_1168 = arith.addi %iota3A, %add3A_1167 : vector<16xi32>
        %jit3A_1169 = arith.constant 16 : i32
        %eq3A_1170 = arith.constant 0 : i32
        %eq3A_1171 = arith.cmpi eq, %jit3A_1169, %eq3A_1170 : i32
        %jit3A_1172 = arith.constant 1 : i32
        %select_n3A_1173 = arith.select %eq3A_1171, %jit3A_1172, %jit3A_1169 : i32
        %rem3A_1174 = vector.broadcast %select_n3A_1173 : i32 to vector<16xi32>
        %rem3A_1175 = arith.remsi %add3A_1168, %rem3A_1174 : vector<16xi32>
        %ne3A_1176 = arith.constant 0 : i32
        %ne3A_1177 = vector.broadcast %ne3A_1176 : i32 to vector<16xi32>
        %ne3A_1178 = arith.cmpi ne, %rem3A_1175, %ne3A_1177 : vector<16xi32>
        %lt3A_1179 = arith.constant 0 : i32
        %lt3A_1180 = vector.broadcast %lt3A_1179 : i32 to vector<16xi32>
        %lt3A_1181 = arith.cmpi slt, %rem3A_1175, %lt3A_1180 : vector<16xi32>
        %lt3A_1182 = arith.constant 0 : i32
        %lt3A_1183 = arith.cmpi slt, %select_n3A_1173, %lt3A_1182 : i32
        %ne3A_1184 = vector.broadcast %lt3A_1183 : i1 to vector<16xi1>
        %ne3A_1185 = vector.broadcast %ne3A_1184 : vector<16xi1> to vector<16xi1>
        %ne3A_1186 = arith.xori %lt3A_1181, %ne3A_1185 : vector<16xi1>
        %and3A_1187 = arith.andi %ne3A_1186, %ne3A_1178 : vector<16xi1>
        %add3A_1188 = vector.broadcast %select_n3A_1173 : i32 to vector<16xi32>
        %add3A_1189 = arith.addi %rem3A_1175, %add3A_1188 : vector<16xi32>
        %select_n3A_1190 = arith.select %and3A_1187, %add3A_1189, %rem3A_1175 : vector<16xi1>, vector<16xi32>
        %broadcast_in_dim3A_1191 = vector.shape_cast %select_n3A_1190 : vector<16xi32> to vector<16x1xi32>
        %gather3A_1192 = vector.shape_cast %broadcast_in_dim3A_1191 : vector<16x1xi32> to vector<16xi32>
        %gather3A_1193 = tpu.dynamic_gather %add3A_1165[%gather3A_1192] in [0] : vector<16xf32>, vector<16xi32> -> vector<16xf32>
        %add3A_1194 = arith.addf %add3A_1165, %gather3A_1193 : vector<16xf32>
        %add3A_1195 = arith.constant 2 : i32
        %add3A_1196 = vector.broadcast %add3A_1195 : i32 to vector<16xi32>
        %add3A_1197 = arith.addi %iota3A, %add3A_1196 : vector<16xi32>
        %jit3A_1198 = arith.constant 16 : i32
        %eq3A_1199 = arith.constant 0 : i32
        %eq3A_1200 = arith.cmpi eq, %jit3A_1198, %eq3A_1199 : i32
        %jit3A_1201 = arith.constant 1 : i32
        %select_n3A_1202 = arith.select %eq3A_1200, %jit3A_1201, %jit3A_1198 : i32
        %rem3A_1203 = vector.broadcast %select_n3A_1202 : i32 to vector<16xi32>
        %rem3A_1204 = arith.remsi %add3A_1197, %rem3A_1203 : vector<16xi32>
        %ne3A_1205 = arith.constant 0 : i32
        %ne3A_1206 = vector.broadcast %ne3A_1205 : i32 to vector<16xi32>
        %ne3A_1207 = arith.cmpi ne, %rem3A_1204, %ne3A_1206 : vector<16xi32>
        %lt3A_1208 = arith.constant 0 : i32
        %lt3A_1209 = vector.broadcast %lt3A_1208 : i32 to vector<16xi32>
        %lt3A_1210 = arith.cmpi slt, %rem3A_1204, %lt3A_1209 : vector<16xi32>
        %lt3A_1211 = arith.constant 0 : i32
        %lt3A_1212 = arith.cmpi slt, %select_n3A_1202, %lt3A_1211 : i32
        %ne3A_1213 = vector.broadcast %lt3A_1212 : i1 to vector<16xi1>
        %ne3A_1214 = vector.broadcast %ne3A_1213 : vector<16xi1> to vector<16xi1>
        %ne3A_1215 = arith.xori %lt3A_1210, %ne3A_1214 : vector<16xi1>
        %and3A_1216 = arith.andi %ne3A_1215, %ne3A_1207 : vector<16xi1>
        %add3A_1217 = vector.broadcast %select_n3A_1202 : i32 to vector<16xi32>
        %add3A_1218 = arith.addi %rem3A_1204, %add3A_1217 : vector<16xi32>
        %select_n3A_1219 = arith.select %and3A_1216, %add3A_1218, %rem3A_1204 : vector<16xi1>, vector<16xi32>
        %broadcast_in_dim3A_1220 = vector.shape_cast %select_n3A_1219 : vector<16xi32> to vector<16x1xi32>
        %gather3A_1221 = vector.shape_cast %broadcast_in_dim3A_1220 : vector<16x1xi32> to vector<16xi32>
        %gather3A_1222 = tpu.dynamic_gather %add3A_1194[%gather3A_1221] in [0] : vector<16xf32>, vector<16xi32> -> vector<16xf32>
        %add3A_1223 = arith.addf %add3A_1194, %gather3A_1222 : vector<16xf32>
        %add3A_1224 = arith.constant 1 : i32
        %add3A_1225 = vector.broadcast %add3A_1224 : i32 to vector<16xi32>
        %add3A_1226 = arith.addi %iota3A, %add3A_1225 : vector<16xi32>
        %jit3A_1227 = arith.constant 16 : i32
        %eq3A_1228 = arith.constant 0 : i32
        %eq3A_1229 = arith.cmpi eq, %jit3A_1227, %eq3A_1228 : i32
        %jit3A_1230 = arith.constant 1 : i32
        %select_n3A_1231 = arith.select %eq3A_1229, %jit3A_1230, %jit3A_1227 : i32
        %rem3A_1232 = vector.broadcast %select_n3A_1231 : i32 to vector<16xi32>
        %rem3A_1233 = arith.remsi %add3A_1226, %rem3A_1232 : vector<16xi32>
        %ne3A_1234 = arith.constant 0 : i32
        %ne3A_1235 = vector.broadcast %ne3A_1234 : i32 to vector<16xi32>
        %ne3A_1236 = arith.cmpi ne, %rem3A_1233, %ne3A_1235 : vector<16xi32>
        %lt3A_1237 = arith.constant 0 : i32
        %lt3A_1238 = vector.broadcast %lt3A_1237 : i32 to vector<16xi32>
        %lt3A_1239 = arith.cmpi slt, %rem3A_1233, %lt3A_1238 : vector<16xi32>
        %lt3A_1240 = arith.constant 0 : i32
        %lt3A_1241 = arith.cmpi slt, %select_n3A_1231, %lt3A_1240 : i32
        %ne3A_1242 = vector.broadcast %lt3A_1241 : i1 to vector<16xi1>
        %ne3A_1243 = vector.broadcast %ne3A_1242 : vector<16xi1> to vector<16xi1>
        %ne3A_1244 = arith.xori %lt3A_1239, %ne3A_1243 : vector<16xi1>
        %and3A_1245 = arith.andi %ne3A_1244, %ne3A_1236 : vector<16xi1>
        %add3A_1246 = vector.broadcast %select_n3A_1231 : i32 to vector<16xi32>
        %add3A_1247 = arith.addi %rem3A_1233, %add3A_1246 : vector<16xi32>
        %select_n3A_1248 = arith.select %and3A_1245, %add3A_1247, %rem3A_1233 : vector<16xi1>, vector<16xi32>
        %broadcast_in_dim3A_1249 = vector.shape_cast %select_n3A_1248 : vector<16xi32> to vector<16x1xi32>
        %gather3A_1250 = vector.shape_cast %broadcast_in_dim3A_1249 : vector<16x1xi32> to vector<16xi32>
        %gather3A_1251 = tpu.dynamic_gather %add3A_1223[%gather3A_1250] in [0] : vector<16xf32>, vector<16xi32> -> vector<16xf32>
        %add3A_1252 = arith.addf %add3A_1223, %gather3A_1251 : vector<16xf32>
        %min3A_1253 = arith.constant 6.000000e+01 : f32
        %min3A_1254 = vector.broadcast %min3A_1253 : f32 to vector<16xf32>
        %min3A_1255 = arith.minimumf %add3A_1252, %min3A_1254 : vector<16xf32>
        %exp3A_1256 = math.exp %min3A_1255 : vector<16xf32>
        %get3A_1257 = arith.index_cast %scan3A_755 : i32 to index
        %get3A_1258 = arith.constant 192 : index
        %get3A_1259 = tpu.vector_load %arg12[%get3A_1257, %get3A_1258] {strides = array<i32>} : memref<40x256xf32, #tpu.memory_space<vmem>>, vector<1x16xf32>,
        %get3A_1260 = vector.shape_cast %get3A_1259 : vector<1x16xf32> to vector<16xf32>
        %get3A_1261 = arith.index_cast %scan3A_755 : i32 to index
        %get3A_1262 = arith.constant 208 : index
        %get3A_1263 = tpu.vector_load %arg12[%get3A_1261, %get3A_1262] {strides = array<i32>} : memref<40x256xf32, #tpu.memory_space<vmem>>, vector<1x16xf32>,
        %get3A_1264 = vector.shape_cast %get3A_1263 : vector<1x16xf32> to vector<16xf32>
        %add3A_1265 = arith.addf %get3A_1260, %get3A_1111 : vector<16xf32>
        %mul3A_1266 = arith.mulf %exp3A_1256, %add3A_1265 : vector<16xf32>
        %swap3A_1267 = arith.index_cast %scan3A_755 : i32 to index
        %swap3A_1268 = arith.constant 64 : index
        %swap3A_1269 = tpu.vector_load %arg14[%swap3A_1267, %swap3A_1268] {strides = array<i32>} : memref<40x144xf32, #tpu.memory_space<vmem>>, vector<1x16xf32>,
        %swap3A_1270 = vector.shape_cast %swap3A_1269 : vector<1x16xf32> to vector<16xf32>
        %swap3A_1271 = vector.shape_cast %mul3A_1266 : vector<16xf32> to vector<1x16xf32>
        tpu.vector_store %arg14[%swap3A_1267, %swap3A_1268], %swap3A_1271 {strides = array<i32>} : memref<40x144xf32, #tpu.memory_space<vmem>>, vector<1x16xf32>,
        %add3A_1272 = arith.addf %get3A_1264, %get3A_1115 : vector<16xf32>
        %mul3A_1273 = arith.mulf %exp3A_1256, %add3A_1272 : vector<16xf32>
        %swap3A_1274 = arith.index_cast %scan3A_755 : i32 to index
        %swap3A_1275 = arith.constant 80 : index
        %swap3A_1276 = tpu.vector_load %arg14[%swap3A_1274, %swap3A_1275] {strides = array<i32>} : memref<40x144xf32, #tpu.memory_space<vmem>>, vector<1x16xf32>,
        %swap3A_1277 = vector.shape_cast %swap3A_1276 : vector<1x16xf32> to vector<16xf32>
        %swap3A_1278 = vector.shape_cast %mul3A_1273 : vector<16xf32> to vector<1x16xf32>
        tpu.vector_store %arg14[%swap3A_1274, %swap3A_1275], %swap3A_1278 {strides = array<i32>} : memref<40x144xf32, #tpu.memory_space<vmem>>, vector<1x16xf32>,
        %eq3A_1279 = arith.constant 2 : i32
        %eq3A_1280 = vector.broadcast %eq3A_1279 : i32 to vector<16xi32>
        %eq3A_1281 = arith.cmpi eq, %iota3A, %eq3A_1280 : vector<16xi32>
        %select_n3A_1282 = arith.select %eq3A_1281, %exp3A_1256, %select_n3A_1107 : vector<16xi1>, vector<16xf32>
        %get3A_1283 = arith.index_cast %scan3A_755 : i32 to index
        %get3A_1284 = arith.constant 96 : index
        %get3A_1285 = tpu.vector_load %arg11[%get3A_1283, %get3A_1284] {strides = array<i32>} : memref<40x128xf32, #tpu.memory_space<vmem>>, vector<1x16xf32>,
        %get3A_1286 = vector.shape_cast %get3A_1285 : vector<1x16xf32> to vector<16xf32>
        %get3A_1287 = arith.index_cast %scan3A_755 : i32 to index
        %get3A_1288 = arith.constant 112 : index
        %get3A_1289 = tpu.vector_load %arg11[%get3A_1287, %get3A_1288] {strides = array<i32>} : memref<40x128xf32, #tpu.memory_space<vmem>>, vector<1x16xf32>,
        %get3A_1290 = vector.shape_cast %get3A_1289 : vector<1x16xf32> to vector<16xf32>
        %get3A_1291 = arith.index_cast %scan3A_755 : i32 to index
        %get3A_1292 = arith.constant 96 : index
        %get3A_1293 = tpu.vector_load %arg13[%get3A_1291, %get3A_1292] {strides = array<i32>} : memref<40x128xf32, #tpu.memory_space<vmem>>, vector<1x16xf32>,
        %get3A_1294 = vector.shape_cast %get3A_1293 : vector<1x16xf32> to vector<16xf32>
        %get3A_1295 = arith.index_cast %scan3A_755 : i32 to index
        %get3A_1296 = arith.constant 112 : index
        %get3A_1297 = tpu.vector_load %arg13[%get3A_1295, %get3A_1296] {strides = array<i32>} : memref<40x128xf32, #tpu.memory_space<vmem>>, vector<1x16xf32>,
        %get3A_1298 = vector.shape_cast %get3A_1297 : vector<1x16xf32> to vector<16xf32>
        %get3A_1299 = arith.index_cast %scan3A_755 : i32 to index
        %get3A_1300 = arith.constant 96 : index
        %get3A_1301 = tpu.vector_load %arg12[%get3A_1299, %get3A_1300] {strides = array<i32>} : memref<40x256xf32, #tpu.memory_space<vmem>>, vector<1x16xf32>,
        %get3A_1302 = vector.shape_cast %get3A_1301 : vector<1x16xf32> to vector<16xf32>
        %get3A_1303 = arith.index_cast %scan3A_755 : i32 to index
        %get3A_1304 = arith.constant 112 : index
        %get3A_1305 = tpu.vector_load %arg12[%get3A_1303, %get3A_1304] {strides = array<i32>} : memref<40x256xf32, #tpu.memory_space<vmem>>, vector<1x16xf32>,
        %get3A_1306 = vector.shape_cast %get3A_1305 : vector<1x16xf32> to vector<16xf32>
        %add3A_1307 = arith.addf %get3A_1302, %get3A_1286 : vector<16xf32>
        %mul3A_1308 = arith.mulf %get3A_1294, %add3A_1307 : vector<16xf32>
        %add3A_1309 = arith.addf %get3A_1306, %get3A_1290 : vector<16xf32>
        %mul3A_1310 = arith.mulf %get3A_1298, %add3A_1309 : vector<16xf32>
        %add3A_1311 = arith.addf %mul3A_1308, %mul3A_1310 : vector<16xf32>
        %add3A_1312 = arith.constant 8 : i32
        %add3A_1313 = vector.broadcast %add3A_1312 : i32 to vector<16xi32>
        %add3A_1314 = arith.addi %iota3A, %add3A_1313 : vector<16xi32>
        %jit3A_1315 = arith.constant 16 : i32
        %eq3A_1316 = arith.constant 0 : i32
        %eq3A_1317 = arith.cmpi eq, %jit3A_1315, %eq3A_1316 : i32
        %jit3A_1318 = arith.constant 1 : i32
        %select_n3A_1319 = arith.select %eq3A_1317, %jit3A_1318, %jit3A_1315 : i32
        %rem3A_1320 = vector.broadcast %select_n3A_1319 : i32 to vector<16xi32>
        %rem3A_1321 = arith.remsi %add3A_1314, %rem3A_1320 : vector<16xi32>
        %ne3A_1322 = arith.constant 0 : i32
        %ne3A_1323 = vector.broadcast %ne3A_1322 : i32 to vector<16xi32>
        %ne3A_1324 = arith.cmpi ne, %rem3A_1321, %ne3A_1323 : vector<16xi32>
        %lt3A_1325 = arith.constant 0 : i32
        %lt3A_1326 = vector.broadcast %lt3A_1325 : i32 to vector<16xi32>
        %lt3A_1327 = arith.cmpi slt, %rem3A_1321, %lt3A_1326 : vector<16xi32>
        %lt3A_1328 = arith.constant 0 : i32
        %lt3A_1329 = arith.cmpi slt, %select_n3A_1319, %lt3A_1328 : i32
        %ne3A_1330 = vector.broadcast %lt3A_1329 : i1 to vector<16xi1>
        %ne3A_1331 = vector.broadcast %ne3A_1330 : vector<16xi1> to vector<16xi1>
        %ne3A_1332 = arith.xori %lt3A_1327, %ne3A_1331 : vector<16xi1>
        %and3A_1333 = arith.andi %ne3A_1332, %ne3A_1324 : vector<16xi1>
        %add3A_1334 = vector.broadcast %select_n3A_1319 : i32 to vector<16xi32>
        %add3A_1335 = arith.addi %rem3A_1321, %add3A_1334 : vector<16xi32>
        %select_n3A_1336 = arith.select %and3A_1333, %add3A_1335, %rem3A_1321 : vector<16xi1>, vector<16xi32>
        %broadcast_in_dim3A_1337 = vector.shape_cast %select_n3A_1336 : vector<16xi32> to vector<16x1xi32>
        %gather3A_1338 = vector.shape_cast %broadcast_in_dim3A_1337 : vector<16x1xi32> to vector<16xi32>
        %gather3A_1339 = tpu.dynamic_gather %add3A_1311[%gather3A_1338] in [0] : vector<16xf32>, vector<16xi32> -> vector<16xf32>
        %add3A_1340 = arith.addf %add3A_1311, %gather3A_1339 : vector<16xf32>
        %add3A_1341 = arith.constant 4 : i32
        %add3A_1342 = vector.broadcast %add3A_1341 : i32 to vector<16xi32>
        %add3A_1343 = arith.addi %iota3A, %add3A_1342 : vector<16xi32>
        %jit3A_1344 = arith.constant 16 : i32
        %eq3A_1345 = arith.constant 0 : i32
        %eq3A_1346 = arith.cmpi eq, %jit3A_1344, %eq3A_1345 : i32
        %jit3A_1347 = arith.constant 1 : i32
        %select_n3A_1348 = arith.select %eq3A_1346, %jit3A_1347, %jit3A_1344 : i32
        %rem3A_1349 = vector.broadcast %select_n3A_1348 : i32 to vector<16xi32>
        %rem3A_1350 = arith.remsi %add3A_1343, %rem3A_1349 : vector<16xi32>
        %ne3A_1351 = arith.constant 0 : i32
        %ne3A_1352 = vector.broadcast %ne3A_1351 : i32 to vector<16xi32>
        %ne3A_1353 = arith.cmpi ne, %rem3A_1350, %ne3A_1352 : vector<16xi32>
        %lt3A_1354 = arith.constant 0 : i32
        %lt3A_1355 = vector.broadcast %lt3A_1354 : i32 to vector<16xi32>
        %lt3A_1356 = arith.cmpi slt, %rem3A_1350, %lt3A_1355 : vector<16xi32>
        %lt3A_1357 = arith.constant 0 : i32
        %lt3A_1358 = arith.cmpi slt, %select_n3A_1348, %lt3A_1357 : i32
        %ne3A_1359 = vector.broadcast %lt3A_1358 : i1 to vector<16xi1>
        %ne3A_1360 = vector.broadcast %ne3A_1359 : vector<16xi1> to vector<16xi1>
        %ne3A_1361 = arith.xori %lt3A_1356, %ne3A_1360 : vector<16xi1>
        %and3A_1362 = arith.andi %ne3A_1361, %ne3A_1353 : vector<16xi1>
        %add3A_1363 = vector.broadcast %select_n3A_1348 : i32 to vector<16xi32>
        %add3A_1364 = arith.addi %rem3A_1350, %add3A_1363 : vector<16xi32>
        %select_n3A_1365 = arith.select %and3A_1362, %add3A_1364, %rem3A_1350 : vector<16xi1>, vector<16xi32>
        %broadcast_in_dim3A_1366 = vector.shape_cast %select_n3A_1365 : vector<16xi32> to vector<16x1xi32>
        %gather3A_1367 = vector.shape_cast %broadcast_in_dim3A_1366 : vector<16x1xi32> to vector<16xi32>
        %gather3A_1368 = tpu.dynamic_gather %add3A_1340[%gather3A_1367] in [0] : vector<16xf32>, vector<16xi32> -> vector<16xf32>
        %add3A_1369 = arith.addf %add3A_1340, %gather3A_1368 : vector<16xf32>
        %add3A_1370 = arith.constant 2 : i32
        %add3A_1371 = vector.broadcast %add3A_1370 : i32 to vector<16xi32>
        %add3A_1372 = arith.addi %iota3A, %add3A_1371 : vector<16xi32>
        %jit3A_1373 = arith.constant 16 : i32
        %eq3A_1374 = arith.constant 0 : i32
        %eq3A_1375 = arith.cmpi eq, %jit3A_1373, %eq3A_1374 : i32
        %jit3A_1376 = arith.constant 1 : i32
        %select_n3A_1377 = arith.select %eq3A_1375, %jit3A_1376, %jit3A_1373 : i32
        %rem3A_1378 = vector.broadcast %select_n3A_1377 : i32 to vector<16xi32>
        %rem3A_1379 = arith.remsi %add3A_1372, %rem3A_1378 : vector<16xi32>
        %ne3A_1380 = arith.constant 0 : i32
        %ne3A_1381 = vector.broadcast %ne3A_1380 : i32 to vector<16xi32>
        %ne3A_1382 = arith.cmpi ne, %rem3A_1379, %ne3A_1381 : vector<16xi32>
        %lt3A_1383 = arith.constant 0 : i32
        %lt3A_1384 = vector.broadcast %lt3A_1383 : i32 to vector<16xi32>
        %lt3A_1385 = arith.cmpi slt, %rem3A_1379, %lt3A_1384 : vector<16xi32>
        %lt3A_1386 = arith.constant 0 : i32
        %lt3A_1387 = arith.cmpi slt, %select_n3A_1377, %lt3A_1386 : i32
        %ne3A_1388 = vector.broadcast %lt3A_1387 : i1 to vector<16xi1>
        %ne3A_1389 = vector.broadcast %ne3A_1388 : vector<16xi1> to vector<16xi1>
        %ne3A_1390 = arith.xori %lt3A_1385, %ne3A_1389 : vector<16xi1>
        %and3A_1391 = arith.andi %ne3A_1390, %ne3A_1382 : vector<16xi1>
        %add3A_1392 = vector.broadcast %select_n3A_1377 : i32 to vector<16xi32>
        %add3A_1393 = arith.addi %rem3A_1379, %add3A_1392 : vector<16xi32>
        %select_n3A_1394 = arith.select %and3A_1391, %add3A_1393, %rem3A_1379 : vector<16xi1>, vector<16xi32>
        %broadcast_in_dim3A_1395 = vector.shape_cast %select_n3A_1394 : vector<16xi32> to vector<16x1xi32>
        %gather3A_1396 = vector.shape_cast %broadcast_in_dim3A_1395 : vector<16x1xi32> to vector<16xi32>
        %gather3A_1397 = tpu.dynamic_gather %add3A_1369[%gather3A_1396] in [0] : vector<16xf32>, vector<16xi32> -> vector<16xf32>
        %add3A_1398 = arith.addf %add3A_1369, %gather3A_1397 : vector<16xf32>
        %add3A_1399 = arith.constant 1 : i32
        %add3A_1400 = vector.broadcast %add3A_1399 : i32 to vector<16xi32>
        %add3A_1401 = arith.addi %iota3A, %add3A_1400 : vector<16xi32>
        %jit3A_1402 = arith.constant 16 : i32
        %eq3A_1403 = arith.constant 0 : i32
        %eq3A_1404 = arith.cmpi eq, %jit3A_1402, %eq3A_1403 : i32
        %jit3A_1405 = arith.constant 1 : i32
        %select_n3A_1406 = arith.select %eq3A_1404, %jit3A_1405, %jit3A_1402 : i32
        %rem3A_1407 = vector.broadcast %select_n3A_1406 : i32 to vector<16xi32>
        %rem3A_1408 = arith.remsi %add3A_1401, %rem3A_1407 : vector<16xi32>
        %ne3A_1409 = arith.constant 0 : i32
        %ne3A_1410 = vector.broadcast %ne3A_1409 : i32 to vector<16xi32>
        %ne3A_1411 = arith.cmpi ne, %rem3A_1408, %ne3A_1410 : vector<16xi32>
        %lt3A_1412 = arith.constant 0 : i32
        %lt3A_1413 = vector.broadcast %lt3A_1412 : i32 to vector<16xi32>
        %lt3A_1414 = arith.cmpi slt, %rem3A_1408, %lt3A_1413 : vector<16xi32>
        %lt3A_1415 = arith.constant 0 : i32
        %lt3A_1416 = arith.cmpi slt, %select_n3A_1406, %lt3A_1415 : i32
        %ne3A_1417 = vector.broadcast %lt3A_1416 : i1 to vector<16xi1>
        %ne3A_1418 = vector.broadcast %ne3A_1417 : vector<16xi1> to vector<16xi1>
        %ne3A_1419 = arith.xori %lt3A_1414, %ne3A_1418 : vector<16xi1>
        %and3A_1420 = arith.andi %ne3A_1419, %ne3A_1411 : vector<16xi1>
        %add3A_1421 = vector.broadcast %select_n3A_1406 : i32 to vector<16xi32>
        %add3A_1422 = arith.addi %rem3A_1408, %add3A_1421 : vector<16xi32>
        %select_n3A_1423 = arith.select %and3A_1420, %add3A_1422, %rem3A_1408 : vector<16xi1>, vector<16xi32>
        %broadcast_in_dim3A_1424 = vector.shape_cast %select_n3A_1423 : vector<16xi32> to vector<16x1xi32>
        %gather3A_1425 = vector.shape_cast %broadcast_in_dim3A_1424 : vector<16x1xi32> to vector<16xi32>
        %gather3A_1426 = tpu.dynamic_gather %add3A_1398[%gather3A_1425] in [0] : vector<16xf32>, vector<16xi32> -> vector<16xf32>
        %add3A_1427 = arith.addf %add3A_1398, %gather3A_1426 : vector<16xf32>
        %min3A_1428 = arith.constant 6.000000e+01 : f32
        %min3A_1429 = vector.broadcast %min3A_1428 : f32 to vector<16xf32>
        %min3A_1430 = arith.minimumf %add3A_1427, %min3A_1429 : vector<16xf32>
        %exp3A_1431 = math.exp %min3A_1430 : vector<16xf32>
        %get3A_1432 = arith.index_cast %scan3A_755 : i32 to index
        %get3A_1433 = arith.constant 224 : index
        %get3A_1434 = tpu.vector_load %arg12[%get3A_1432, %get3A_1433] {strides = array<i32>} : memref<40x256xf32, #tpu.memory_space<vmem>>, vector<1x16xf32>,
        %get3A_1435 = vector.shape_cast %get3A_1434 : vector<1x16xf32> to vector<16xf32>
        %get3A_1436 = arith.index_cast %scan3A_755 : i32 to index
        %get3A_1437 = arith.constant 240 : index
        %get3A_1438 = tpu.vector_load %arg12[%get3A_1436, %get3A_1437] {strides = array<i32>} : memref<40x256xf32, #tpu.memory_space<vmem>>, vector<1x16xf32>,
        %get3A_1439 = vector.shape_cast %get3A_1438 : vector<1x16xf32> to vector<16xf32>
        %add3A_1440 = arith.addf %get3A_1435, %get3A_1286 : vector<16xf32>
        %mul3A_1441 = arith.mulf %exp3A_1431, %add3A_1440 : vector<16xf32>
        %swap3A_1442 = arith.index_cast %scan3A_755 : i32 to index
        %swap3A_1443 = arith.constant 96 : index
        %swap3A_1444 = tpu.vector_load %arg14[%swap3A_1442, %swap3A_1443] {strides = array<i32>} : memref<40x144xf32, #tpu.memory_space<vmem>>, vector<1x16xf32>,
        %swap3A_1445 = vector.shape_cast %swap3A_1444 : vector<1x16xf32> to vector<16xf32>
        %swap3A_1446 = vector.shape_cast %mul3A_1441 : vector<16xf32> to vector<1x16xf32>
        tpu.vector_store %arg14[%swap3A_1442, %swap3A_1443], %swap3A_1446 {strides = array<i32>} : memref<40x144xf32, #tpu.memory_space<vmem>>, vector<1x16xf32>,
        %add3A_1447 = arith.addf %get3A_1439, %get3A_1290 : vector<16xf32>
        %mul3A_1448 = arith.mulf %exp3A_1431, %add3A_1447 : vector<16xf32>
        %swap3A_1449 = arith.index_cast %scan3A_755 : i32 to index
        %swap3A_1450 = arith.constant 112 : index
        %swap3A_1451 = tpu.vector_load %arg14[%swap3A_1449, %swap3A_1450] {strides = array<i32>} : memref<40x144xf32, #tpu.memory_space<vmem>>, vector<1x16xf32>,
        %swap3A_1452 = vector.shape_cast %swap3A_1451 : vector<1x16xf32> to vector<16xf32>
        %swap3A_1453 = vector.shape_cast %mul3A_1448 : vector<16xf32> to vector<1x16xf32>
        tpu.vector_store %arg14[%swap3A_1449, %swap3A_1450], %swap3A_1453 {strides = array<i32>} : memref<40x144xf32, #tpu.memory_space<vmem>>, vector<1x16xf32>,
        %eq3A_1454 = arith.constant 3 : i32
        %eq3A_1455 = vector.broadcast %eq3A_1454 : i32 to vector<16xi32>
        %eq3A_1456 = arith.cmpi eq, %iota3A, %eq3A_1455 : vector<16xi32>
        %select_n3A_1457 = arith.select %eq3A_1456, %exp3A_1431, %select_n3A_1282 : vector<16xi1>, vector<16xf32>
        %lt3A_1458 = arith.constant 4 : i32
        %lt3A_1459 = vector.broadcast %lt3A_1458 : i32 to vector<16xi32>
        %lt3A_1460 = arith.cmpi slt, %iota3A, %lt3A_1459 : vector<16xi32>
        %jit3A_1461 = arith.constant 0.000000e+00 : f32
        %broadcast_in_dim3A_1462 = vector.broadcast %jit3A_1461 : f32 to vector<16xf32>
        %select_n3A_1463 = arith.select %lt3A_1460, %select_n3A_1457, %broadcast_in_dim3A_1462 : vector<16xi1>, vector<16xf32>
        %swap3A_1464 = arith.index_cast %scan3A_755 : i32 to index
        %swap3A_1465 = arith.constant 128 : index
        %swap3A_1466 = tpu.vector_load %arg14[%swap3A_1464, %swap3A_1465] {strides = array<i32>} : memref<40x144xf32, #tpu.memory_space<vmem>>, vector<1x16xf32>,
        %swap3A_1467 = vector.shape_cast %swap3A_1466 : vector<1x16xf32> to vector<16xf32>
        %swap3A_1468 = vector.shape_cast %select_n3A_1463 : vector<16xf32> to vector<1x16xf32>
        tpu.vector_store %arg14[%swap3A_1464, %swap3A_1465], %swap3A_1468 {strides = array<i32>} : memref<40x144xf32, #tpu.memory_space<vmem>>, vector<1x16xf32>,
        %scan3A_1469 = arith.constant 0 : i32
        %scan3A_1470 = arith.constant 2 : i32
        %scan3A_1471 = arith.addi %scan3A_51, %scan3A_1470 : i32
        %broadcast_in_dim3A_1472 = arith.constant 0.000000e+00 : f32
        %broadcast_in_dim3A_1473 = vector.broadcast %broadcast_in_dim3A_1472 : f32 to vector<16xf32>
        %get3A_1474 = arith.index_cast %scan3A_1471 : i32 to index
        %get3A_1475 = arith.constant 0 : index
        %get3A_1476 = tpu.vector_load %arg11[%get3A_1474, %get3A_1475] {strides = array<i32>} : memref<40x128xf32, #tpu.memory_space<vmem>>, vector<1x16xf32>,
        %get3A_1477 = vector.shape_cast %get3A_1476 : vector<1x16xf32> to vector<16xf32>
        %get3A_1478 = arith.index_cast %scan3A_1471 : i32 to index
        %get3A_1479 = arith.constant 16 : index
        %get3A_1480 = tpu.vector_load %arg11[%get3A_1478, %get3A_1479] {strides = array<i32>} : memref<40x128xf32, #tpu.memory_space<vmem>>, vector<1x16xf32>,
        %get3A_1481 = vector.shape_cast %get3A_1480 : vector<1x16xf32> to vector<16xf32>
        %get3A_1482 = arith.index_cast %scan3A_1471 : i32 to index
        %get3A_1483 = arith.constant 0 : index
        %get3A_1484 = tpu.vector_load %arg13[%get3A_1482, %get3A_1483] {strides = array<i32>} : memref<40x128xf32, #tpu.memory_space<vmem>>, vector<1x16xf32>,
        %get3A_1485 = vector.shape_cast %get3A_1484 : vector<1x16xf32> to vector<16xf32>
        %get3A_1486 = arith.index_cast %scan3A_1471 : i32 to index
        %get3A_1487 = arith.constant 16 : index
        %get3A_1488 = tpu.vector_load %arg13[%get3A_1486, %get3A_1487] {strides = array<i32>} : memref<40x128xf32, #tpu.memory_space<vmem>>, vector<1x16xf32>,
        %get3A_1489 = vector.shape_cast %get3A_1488 : vector<1x16xf32> to vector<16xf32>
        %get3A_1490 = arith.index_cast %scan3A_1471 : i32 to index
        %get3A_1491 = arith.constant 0 : index
        %get3A_1492 = tpu.vector_load %arg12[%get3A_1490, %get3A_1491] {strides = array<i32>} : memref<40x256xf32, #tpu.memory_space<vmem>>, vector<1x16xf32>,
        %get3A_1493 = vector.shape_cast %get3A_1492 : vector<1x16xf32> to vector<16xf32>
        %get3A_1494 = arith.index_cast %scan3A_1471 : i32 to index
        %get3A_1495 = arith.constant 16 : index
        %get3A_1496 = tpu.vector_load %arg12[%get3A_1494, %get3A_1495] {strides = array<i32>} : memref<40x256xf32, #tpu.memory_space<vmem>>, vector<1x16xf32>,
        %get3A_1497 = vector.shape_cast %get3A_1496 : vector<1x16xf32> to vector<16xf32>
        %add3A_1498 = arith.addf %get3A_1493, %get3A_1477 : vector<16xf32>
        %mul3A_1499 = arith.mulf %get3A_1485, %add3A_1498 : vector<16xf32>
        %add3A_1500 = arith.addf %get3A_1497, %get3A_1481 : vector<16xf32>
        %mul3A_1501 = arith.mulf %get3A_1489, %add3A_1500 : vector<16xf32>
        %add3A_1502 = arith.addf %mul3A_1499, %mul3A_1501 : vector<16xf32>
        %add3A_1503 = arith.constant 8 : i32
        %add3A_1504 = vector.broadcast %add3A_1503 : i32 to vector<16xi32>
        %add3A_1505 = arith.addi %iota3A, %add3A_1504 : vector<16xi32>
        %jit3A_1506 = arith.constant 16 : i32
        %eq3A_1507 = arith.constant 0 : i32
        %eq3A_1508 = arith.cmpi eq, %jit3A_1506, %eq3A_1507 : i32
        %jit3A_1509 = arith.constant 1 : i32
        %select_n3A_1510 = arith.select %eq3A_1508, %jit3A_1509, %jit3A_1506 : i32
        %rem3A_1511 = vector.broadcast %select_n3A_1510 : i32 to vector<16xi32>
        %rem3A_1512 = arith.remsi %add3A_1505, %rem3A_1511 : vector<16xi32>
        %ne3A_1513 = arith.constant 0 : i32
        %ne3A_1514 = vector.broadcast %ne3A_1513 : i32 to vector<16xi32>
        %ne3A_1515 = arith.cmpi ne, %rem3A_1512, %ne3A_1514 : vector<16xi32>
        %lt3A_1516 = arith.constant 0 : i32
        %lt3A_1517 = vector.broadcast %lt3A_1516 : i32 to vector<16xi32>
        %lt3A_1518 = arith.cmpi slt, %rem3A_1512, %lt3A_1517 : vector<16xi32>
        %lt3A_1519 = arith.constant 0 : i32
        %lt3A_1520 = arith.cmpi slt, %select_n3A_1510, %lt3A_1519 : i32
        %ne3A_1521 = vector.broadcast %lt3A_1520 : i1 to vector<16xi1>
        %ne3A_1522 = vector.broadcast %ne3A_1521 : vector<16xi1> to vector<16xi1>
        %ne3A_1523 = arith.xori %lt3A_1518, %ne3A_1522 : vector<16xi1>
        %and3A_1524 = arith.andi %ne3A_1523, %ne3A_1515 : vector<16xi1>
        %add3A_1525 = vector.broadcast %select_n3A_1510 : i32 to vector<16xi32>
        %add3A_1526 = arith.addi %rem3A_1512, %add3A_1525 : vector<16xi32>
        %select_n3A_1527 = arith.select %and3A_1524, %add3A_1526, %rem3A_1512 : vector<16xi1>, vector<16xi32>
        %broadcast_in_dim3A_1528 = vector.shape_cast %select_n3A_1527 : vector<16xi32> to vector<16x1xi32>
        %gather3A_1529 = vector.shape_cast %broadcast_in_dim3A_1528 : vector<16x1xi32> to vector<16xi32>
        %gather3A_1530 = tpu.dynamic_gather %add3A_1502[%gather3A_1529] in [0] : vector<16xf32>, vector<16xi32> -> vector<16xf32>
        %add3A_1531 = arith.addf %add3A_1502, %gather3A_1530 : vector<16xf32>
        %add3A_1532 = arith.constant 4 : i32
        %add3A_1533 = vector.broadcast %add3A_1532 : i32 to vector<16xi32>
        %add3A_1534 = arith.addi %iota3A, %add3A_1533 : vector<16xi32>
        %jit3A_1535 = arith.constant 16 : i32
        %eq3A_1536 = arith.constant 0 : i32
        %eq3A_1537 = arith.cmpi eq, %jit3A_1535, %eq3A_1536 : i32
        %jit3A_1538 = arith.constant 1 : i32
        %select_n3A_1539 = arith.select %eq3A_1537, %jit3A_1538, %jit3A_1535 : i32
        %rem3A_1540 = vector.broadcast %select_n3A_1539 : i32 to vector<16xi32>
        %rem3A_1541 = arith.remsi %add3A_1534, %rem3A_1540 : vector<16xi32>
        %ne3A_1542 = arith.constant 0 : i32
        %ne3A_1543 = vector.broadcast %ne3A_1542 : i32 to vector<16xi32>
        %ne3A_1544 = arith.cmpi ne, %rem3A_1541, %ne3A_1543 : vector<16xi32>
        %lt3A_1545 = arith.constant 0 : i32
        %lt3A_1546 = vector.broadcast %lt3A_1545 : i32 to vector<16xi32>
        %lt3A_1547 = arith.cmpi slt, %rem3A_1541, %lt3A_1546 : vector<16xi32>
        %lt3A_1548 = arith.constant 0 : i32
        %lt3A_1549 = arith.cmpi slt, %select_n3A_1539, %lt3A_1548 : i32
        %ne3A_1550 = vector.broadcast %lt3A_1549 : i1 to vector<16xi1>
        %ne3A_1551 = vector.broadcast %ne3A_1550 : vector<16xi1> to vector<16xi1>
        %ne3A_1552 = arith.xori %lt3A_1547, %ne3A_1551 : vector<16xi1>
        %and3A_1553 = arith.andi %ne3A_1552, %ne3A_1544 : vector<16xi1>
        %add3A_1554 = vector.broadcast %select_n3A_1539 : i32 to vector<16xi32>
        %add3A_1555 = arith.addi %rem3A_1541, %add3A_1554 : vector<16xi32>
        %select_n3A_1556 = arith.select %and3A_1553, %add3A_1555, %rem3A_1541 : vector<16xi1>, vector<16xi32>
        %broadcast_in_dim3A_1557 = vector.shape_cast %select_n3A_1556 : vector<16xi32> to vector<16x1xi32>
        %gather3A_1558 = vector.shape_cast %broadcast_in_dim3A_1557 : vector<16x1xi32> to vector<16xi32>
        %gather3A_1559 = tpu.dynamic_gather %add3A_1531[%gather3A_1558] in [0] : vector<16xf32>, vector<16xi32> -> vector<16xf32>
        %add3A_1560 = arith.addf %add3A_1531, %gather3A_1559 : vector<16xf32>
        %add3A_1561 = arith.constant 2 : i32
        %add3A_1562 = vector.broadcast %add3A_1561 : i32 to vector<16xi32>
        %add3A_1563 = arith.addi %iota3A, %add3A_1562 : vector<16xi32>
        %jit3A_1564 = arith.constant 16 : i32
        %eq3A_1565 = arith.constant 0 : i32
        %eq3A_1566 = arith.cmpi eq, %jit3A_1564, %eq3A_1565 : i32
        %jit3A_1567 = arith.constant 1 : i32
        %select_n3A_1568 = arith.select %eq3A_1566, %jit3A_1567, %jit3A_1564 : i32
        %rem3A_1569 = vector.broadcast %select_n3A_1568 : i32 to vector<16xi32>
        %rem3A_1570 = arith.remsi %add3A_1563, %rem3A_1569 : vector<16xi32>
        %ne3A_1571 = arith.constant 0 : i32
        %ne3A_1572 = vector.broadcast %ne3A_1571 : i32 to vector<16xi32>
        %ne3A_1573 = arith.cmpi ne, %rem3A_1570, %ne3A_1572 : vector<16xi32>
        %lt3A_1574 = arith.constant 0 : i32
        %lt3A_1575 = vector.broadcast %lt3A_1574 : i32 to vector<16xi32>
        %lt3A_1576 = arith.cmpi slt, %rem3A_1570, %lt3A_1575 : vector<16xi32>
        %lt3A_1577 = arith.constant 0 : i32
        %lt3A_1578 = arith.cmpi slt, %select_n3A_1568, %lt3A_1577 : i32
        %ne3A_1579 = vector.broadcast %lt3A_1578 : i1 to vector<16xi1>
        %ne3A_1580 = vector.broadcast %ne3A_1579 : vector<16xi1> to vector<16xi1>
        %ne3A_1581 = arith.xori %lt3A_1576, %ne3A_1580 : vector<16xi1>
        %and3A_1582 = arith.andi %ne3A_1581, %ne3A_1573 : vector<16xi1>
        %add3A_1583 = vector.broadcast %select_n3A_1568 : i32 to vector<16xi32>
        %add3A_1584 = arith.addi %rem3A_1570, %add3A_1583 : vector<16xi32>
        %select_n3A_1585 = arith.select %and3A_1582, %add3A_1584, %rem3A_1570 : vector<16xi1>, vector<16xi32>
        %broadcast_in_dim3A_1586 = vector.shape_cast %select_n3A_1585 : vector<16xi32> to vector<16x1xi32>
        %gather3A_1587 = vector.shape_cast %broadcast_in_dim3A_1586 : vector<16x1xi32> to vector<16xi32>
        %gather3A_1588 = tpu.dynamic_gather %add3A_1560[%gather3A_1587] in [0] : vector<16xf32>, vector<16xi32> -> vector<16xf32>
        %add3A_1589 = arith.addf %add3A_1560, %gather3A_1588 : vector<16xf32>
        %add3A_1590 = arith.constant 1 : i32
        %add3A_1591 = vector.broadcast %add3A_1590 : i32 to vector<16xi32>
        %add3A_1592 = arith.addi %iota3A, %add3A_1591 : vector<16xi32>
        %jit3A_1593 = arith.constant 16 : i32
        %eq3A_1594 = arith.constant 0 : i32
        %eq3A_1595 = arith.cmpi eq, %jit3A_1593, %eq3A_1594 : i32
        %jit3A_1596 = arith.constant 1 : i32
        %select_n3A_1597 = arith.select %eq3A_1595, %jit3A_1596, %jit3A_1593 : i32
        %rem3A_1598 = vector.broadcast %select_n3A_1597 : i32 to vector<16xi32>
        %rem3A_1599 = arith.remsi %add3A_1592, %rem3A_1598 : vector<16xi32>
        %ne3A_1600 = arith.constant 0 : i32
        %ne3A_1601 = vector.broadcast %ne3A_1600 : i32 to vector<16xi32>
        %ne3A_1602 = arith.cmpi ne, %rem3A_1599, %ne3A_1601 : vector<16xi32>
        %lt3A_1603 = arith.constant 0 : i32
        %lt3A_1604 = vector.broadcast %lt3A_1603 : i32 to vector<16xi32>
        %lt3A_1605 = arith.cmpi slt, %rem3A_1599, %lt3A_1604 : vector<16xi32>
        %lt3A_1606 = arith.constant 0 : i32
        %lt3A_1607 = arith.cmpi slt, %select_n3A_1597, %lt3A_1606 : i32
        %ne3A_1608 = vector.broadcast %lt3A_1607 : i1 to vector<16xi1>
        %ne3A_1609 = vector.broadcast %ne3A_1608 : vector<16xi1> to vector<16xi1>
        %ne3A_1610 = arith.xori %lt3A_1605, %ne3A_1609 : vector<16xi1>
        %and3A_1611 = arith.andi %ne3A_1610, %ne3A_1602 : vector<16xi1>
        %add3A_1612 = vector.broadcast %select_n3A_1597 : i32 to vector<16xi32>
        %add3A_1613 = arith.addi %rem3A_1599, %add3A_1612 : vector<16xi32>
        %select_n3A_1614 = arith.select %and3A_1611, %add3A_1613, %rem3A_1599 : vector<16xi1>, vector<16xi32>
        %broadcast_in_dim3A_1615 = vector.shape_cast %select_n3A_1614 : vector<16xi32> to vector<16x1xi32>
        %gather3A_1616 = vector.shape_cast %broadcast_in_dim3A_1615 : vector<16x1xi32> to vector<16xi32>
        %gather3A_1617 = tpu.dynamic_gather %add3A_1589[%gather3A_1616] in [0] : vector<16xf32>, vector<16xi32> -> vector<16xf32>
        %add3A_1618 = arith.addf %add3A_1589, %gather3A_1617 : vector<16xf32>
        %min3A_1619 = arith.constant 6.000000e+01 : f32
        %min3A_1620 = vector.broadcast %min3A_1619 : f32 to vector<16xf32>
        %min3A_1621 = arith.minimumf %add3A_1618, %min3A_1620 : vector<16xf32>
        %exp3A_1622 = math.exp %min3A_1621 : vector<16xf32>
        %get3A_1623 = arith.index_cast %scan3A_1471 : i32 to index
        %get3A_1624 = arith.constant 128 : index
        %get3A_1625 = tpu.vector_load %arg12[%get3A_1623, %get3A_1624] {strides = array<i32>} : memref<40x256xf32, #tpu.memory_space<vmem>>, vector<1x16xf32>,
        %get3A_1626 = vector.shape_cast %get3A_1625 : vector<1x16xf32> to vector<16xf32>
        %get3A_1627 = arith.index_cast %scan3A_1471 : i32 to index
        %get3A_1628 = arith.constant 144 : index
        %get3A_1629 = tpu.vector_load %arg12[%get3A_1627, %get3A_1628] {strides = array<i32>} : memref<40x256xf32, #tpu.memory_space<vmem>>, vector<1x16xf32>,
        %get3A_1630 = vector.shape_cast %get3A_1629 : vector<1x16xf32> to vector<16xf32>
        %add3A_1631 = arith.addf %get3A_1626, %get3A_1477 : vector<16xf32>
        %mul3A_1632 = arith.mulf %exp3A_1622, %add3A_1631 : vector<16xf32>
        %swap3A_1633 = arith.index_cast %scan3A_1471 : i32 to index
        %swap3A_1634 = arith.constant 0 : index
        %swap3A_1635 = tpu.vector_load %arg14[%swap3A_1633, %swap3A_1634] {strides = array<i32>} : memref<40x144xf32, #tpu.memory_space<vmem>>, vector<1x16xf32>,
        %swap3A_1636 = vector.shape_cast %swap3A_1635 : vector<1x16xf32> to vector<16xf32>
        %swap3A_1637 = vector.shape_cast %mul3A_1632 : vector<16xf32> to vector<1x16xf32>
        tpu.vector_store %arg14[%swap3A_1633, %swap3A_1634], %swap3A_1637 {strides = array<i32>} : memref<40x144xf32, #tpu.memory_space<vmem>>, vector<1x16xf32>,
        %add3A_1638 = arith.addf %get3A_1630, %get3A_1481 : vector<16xf32>
        %mul3A_1639 = arith.mulf %exp3A_1622, %add3A_1638 : vector<16xf32>
        %swap3A_1640 = arith.index_cast %scan3A_1471 : i32 to index
        %swap3A_1641 = arith.constant 16 : index
        %swap3A_1642 = tpu.vector_load %arg14[%swap3A_1640, %swap3A_1641] {strides = array<i32>} : memref<40x144xf32, #tpu.memory_space<vmem>>, vector<1x16xf32>,
        %swap3A_1643 = vector.shape_cast %swap3A_1642 : vector<1x16xf32> to vector<16xf32>
        %swap3A_1644 = vector.shape_cast %mul3A_1639 : vector<16xf32> to vector<1x16xf32>
        tpu.vector_store %arg14[%swap3A_1640, %swap3A_1641], %swap3A_1644 {strides = array<i32>} : memref<40x144xf32, #tpu.memory_space<vmem>>, vector<1x16xf32>,
        %eq3A_1645 = arith.constant 0 : i32
        %eq3A_1646 = vector.broadcast %eq3A_1645 : i32 to vector<16xi32>
        %eq3A_1647 = arith.cmpi eq, %iota3A, %eq3A_1646 : vector<16xi32>
        %select_n3A_1648 = arith.select %eq3A_1647, %exp3A_1622, %broadcast_in_dim3A_1473 : vector<16xi1>, vector<16xf32>
        %get3A_1649 = arith.index_cast %scan3A_1471 : i32 to index
        %get3A_1650 = arith.constant 32 : index
        %get3A_1651 = tpu.vector_load %arg11[%get3A_1649, %get3A_1650] {strides = array<i32>} : memref<40x128xf32, #tpu.memory_space<vmem>>, vector<1x16xf32>,
        %get3A_1652 = vector.shape_cast %get3A_1651 : vector<1x16xf32> to vector<16xf32>
        %get3A_1653 = arith.index_cast %scan3A_1471 : i32 to index
        %get3A_1654 = arith.constant 48 : index
        %get3A_1655 = tpu.vector_load %arg11[%get3A_1653, %get3A_1654] {strides = array<i32>} : memref<40x128xf32, #tpu.memory_space<vmem>>, vector<1x16xf32>,
        %get3A_1656 = vector.shape_cast %get3A_1655 : vector<1x16xf32> to vector<16xf32>
        %get3A_1657 = arith.index_cast %scan3A_1471 : i32 to index
        %get3A_1658 = arith.constant 32 : index
        %get3A_1659 = tpu.vector_load %arg13[%get3A_1657, %get3A_1658] {strides = array<i32>} : memref<40x128xf32, #tpu.memory_space<vmem>>, vector<1x16xf32>,
        %get3A_1660 = vector.shape_cast %get3A_1659 : vector<1x16xf32> to vector<16xf32>
        %get3A_1661 = arith.index_cast %scan3A_1471 : i32 to index
        %get3A_1662 = arith.constant 48 : index
        %get3A_1663 = tpu.vector_load %arg13[%get3A_1661, %get3A_1662] {strides = array<i32>} : memref<40x128xf32, #tpu.memory_space<vmem>>, vector<1x16xf32>,
        %get3A_1664 = vector.shape_cast %get3A_1663 : vector<1x16xf32> to vector<16xf32>
        %get3A_1665 = arith.index_cast %scan3A_1471 : i32 to index
        %get3A_1666 = arith.constant 32 : index
        %get3A_1667 = tpu.vector_load %arg12[%get3A_1665, %get3A_1666] {strides = array<i32>} : memref<40x256xf32, #tpu.memory_space<vmem>>, vector<1x16xf32>,
        %get3A_1668 = vector.shape_cast %get3A_1667 : vector<1x16xf32> to vector<16xf32>
        %get3A_1669 = arith.index_cast %scan3A_1471 : i32 to index
        %get3A_1670 = arith.constant 48 : index
        %get3A_1671 = tpu.vector_load %arg12[%get3A_1669, %get3A_1670] {strides = array<i32>} : memref<40x256xf32, #tpu.memory_space<vmem>>, vector<1x16xf32>,
        %get3A_1672 = vector.shape_cast %get3A_1671 : vector<1x16xf32> to vector<16xf32>
        %add3A_1673 = arith.addf %get3A_1668, %get3A_1652 : vector<16xf32>
        %mul3A_1674 = arith.mulf %get3A_1660, %add3A_1673 : vector<16xf32>
        %add3A_1675 = arith.addf %get3A_1672, %get3A_1656 : vector<16xf32>
        %mul3A_1676 = arith.mulf %get3A_1664, %add3A_1675 : vector<16xf32>
        %add3A_1677 = arith.addf %mul3A_1674, %mul3A_1676 : vector<16xf32>
        %add3A_1678 = arith.constant 8 : i32
        %add3A_1679 = vector.broadcast %add3A_1678 : i32 to vector<16xi32>
        %add3A_1680 = arith.addi %iota3A, %add3A_1679 : vector<16xi32>
        %jit3A_1681 = arith.constant 16 : i32
        %eq3A_1682 = arith.constant 0 : i32
        %eq3A_1683 = arith.cmpi eq, %jit3A_1681, %eq3A_1682 : i32
        %jit3A_1684 = arith.constant 1 : i32
        %select_n3A_1685 = arith.select %eq3A_1683, %jit3A_1684, %jit3A_1681 : i32
        %rem3A_1686 = vector.broadcast %select_n3A_1685 : i32 to vector<16xi32>
        %rem3A_1687 = arith.remsi %add3A_1680, %rem3A_1686 : vector<16xi32>
        %ne3A_1688 = arith.constant 0 : i32
        %ne3A_1689 = vector.broadcast %ne3A_1688 : i32 to vector<16xi32>
        %ne3A_1690 = arith.cmpi ne, %rem3A_1687, %ne3A_1689 : vector<16xi32>
        %lt3A_1691 = arith.constant 0 : i32
        %lt3A_1692 = vector.broadcast %lt3A_1691 : i32 to vector<16xi32>
        %lt3A_1693 = arith.cmpi slt, %rem3A_1687, %lt3A_1692 : vector<16xi32>
        %lt3A_1694 = arith.constant 0 : i32
        %lt3A_1695 = arith.cmpi slt, %select_n3A_1685, %lt3A_1694 : i32
        %ne3A_1696 = vector.broadcast %lt3A_1695 : i1 to vector<16xi1>
        %ne3A_1697 = vector.broadcast %ne3A_1696 : vector<16xi1> to vector<16xi1>
        %ne3A_1698 = arith.xori %lt3A_1693, %ne3A_1697 : vector<16xi1>
        %and3A_1699 = arith.andi %ne3A_1698, %ne3A_1690 : vector<16xi1>
        %add3A_1700 = vector.broadcast %select_n3A_1685 : i32 to vector<16xi32>
        %add3A_1701 = arith.addi %rem3A_1687, %add3A_1700 : vector<16xi32>
        %select_n3A_1702 = arith.select %and3A_1699, %add3A_1701, %rem3A_1687 : vector<16xi1>, vector<16xi32>
        %broadcast_in_dim3A_1703 = vector.shape_cast %select_n3A_1702 : vector<16xi32> to vector<16x1xi32>
        %gather3A_1704 = vector.shape_cast %broadcast_in_dim3A_1703 : vector<16x1xi32> to vector<16xi32>
        %gather3A_1705 = tpu.dynamic_gather %add3A_1677[%gather3A_1704] in [0] : vector<16xf32>, vector<16xi32> -> vector<16xf32>
        %add3A_1706 = arith.addf %add3A_1677, %gather3A_1705 : vector<16xf32>
        %add3A_1707 = arith.constant 4 : i32
        %add3A_1708 = vector.broadcast %add3A_1707 : i32 to vector<16xi32>
        %add3A_1709 = arith.addi %iota3A, %add3A_1708 : vector<16xi32>
        %jit3A_1710 = arith.constant 16 : i32
        %eq3A_1711 = arith.constant 0 : i32
        %eq3A_1712 = arith.cmpi eq, %jit3A_1710, %eq3A_1711 : i32
        %jit3A_1713 = arith.constant 1 : i32
        %select_n3A_1714 = arith.select %eq3A_1712, %jit3A_1713, %jit3A_1710 : i32
        %rem3A_1715 = vector.broadcast %select_n3A_1714 : i32 to vector<16xi32>
        %rem3A_1716 = arith.remsi %add3A_1709, %rem3A_1715 : vector<16xi32>
        %ne3A_1717 = arith.constant 0 : i32
        %ne3A_1718 = vector.broadcast %ne3A_1717 : i32 to vector<16xi32>
        %ne3A_1719 = arith.cmpi ne, %rem3A_1716, %ne3A_1718 : vector<16xi32>
        %lt3A_1720 = arith.constant 0 : i32
        %lt3A_1721 = vector.broadcast %lt3A_1720 : i32 to vector<16xi32>
        %lt3A_1722 = arith.cmpi slt, %rem3A_1716, %lt3A_1721 : vector<16xi32>
        %lt3A_1723 = arith.constant 0 : i32
        %lt3A_1724 = arith.cmpi slt, %select_n3A_1714, %lt3A_1723 : i32
        %ne3A_1725 = vector.broadcast %lt3A_1724 : i1 to vector<16xi1>
        %ne3A_1726 = vector.broadcast %ne3A_1725 : vector<16xi1> to vector<16xi1>
        %ne3A_1727 = arith.xori %lt3A_1722, %ne3A_1726 : vector<16xi1>
        %and3A_1728 = arith.andi %ne3A_1727, %ne3A_1719 : vector<16xi1>
        %add3A_1729 = vector.broadcast %select_n3A_1714 : i32 to vector<16xi32>
        %add3A_1730 = arith.addi %rem3A_1716, %add3A_1729 : vector<16xi32>
        %select_n3A_1731 = arith.select %and3A_1728, %add3A_1730, %rem3A_1716 : vector<16xi1>, vector<16xi32>
        %broadcast_in_dim3A_1732 = vector.shape_cast %select_n3A_1731 : vector<16xi32> to vector<16x1xi32>
        %gather3A_1733 = vector.shape_cast %broadcast_in_dim3A_1732 : vector<16x1xi32> to vector<16xi32>
        %gather3A_1734 = tpu.dynamic_gather %add3A_1706[%gather3A_1733] in [0] : vector<16xf32>, vector<16xi32> -> vector<16xf32>
        %add3A_1735 = arith.addf %add3A_1706, %gather3A_1734 : vector<16xf32>
        %add3A_1736 = arith.constant 2 : i32
        %add3A_1737 = vector.broadcast %add3A_1736 : i32 to vector<16xi32>
        %add3A_1738 = arith.addi %iota3A, %add3A_1737 : vector<16xi32>
        %jit3A_1739 = arith.constant 16 : i32
        %eq3A_1740 = arith.constant 0 : i32
        %eq3A_1741 = arith.cmpi eq, %jit3A_1739, %eq3A_1740 : i32
        %jit3A_1742 = arith.constant 1 : i32
        %select_n3A_1743 = arith.select %eq3A_1741, %jit3A_1742, %jit3A_1739 : i32
        %rem3A_1744 = vector.broadcast %select_n3A_1743 : i32 to vector<16xi32>
        %rem3A_1745 = arith.remsi %add3A_1738, %rem3A_1744 : vector<16xi32>
        %ne3A_1746 = arith.constant 0 : i32
        %ne3A_1747 = vector.broadcast %ne3A_1746 : i32 to vector<16xi32>
        %ne3A_1748 = arith.cmpi ne, %rem3A_1745, %ne3A_1747 : vector<16xi32>
        %lt3A_1749 = arith.constant 0 : i32
        %lt3A_1750 = vector.broadcast %lt3A_1749 : i32 to vector<16xi32>
        %lt3A_1751 = arith.cmpi slt, %rem3A_1745, %lt3A_1750 : vector<16xi32>
        %lt3A_1752 = arith.constant 0 : i32
        %lt3A_1753 = arith.cmpi slt, %select_n3A_1743, %lt3A_1752 : i32
        %ne3A_1754 = vector.broadcast %lt3A_1753 : i1 to vector<16xi1>
        %ne3A_1755 = vector.broadcast %ne3A_1754 : vector<16xi1> to vector<16xi1>
        %ne3A_1756 = arith.xori %lt3A_1751, %ne3A_1755 : vector<16xi1>
        %and3A_1757 = arith.andi %ne3A_1756, %ne3A_1748 : vector<16xi1>
        %add3A_1758 = vector.broadcast %select_n3A_1743 : i32 to vector<16xi32>
        %add3A_1759 = arith.addi %rem3A_1745, %add3A_1758 : vector<16xi32>
        %select_n3A_1760 = arith.select %and3A_1757, %add3A_1759, %rem3A_1745 : vector<16xi1>, vector<16xi32>
        %broadcast_in_dim3A_1761 = vector.shape_cast %select_n3A_1760 : vector<16xi32> to vector<16x1xi32>
        %gather3A_1762 = vector.shape_cast %broadcast_in_dim3A_1761 : vector<16x1xi32> to vector<16xi32>
        %gather3A_1763 = tpu.dynamic_gather %add3A_1735[%gather3A_1762] in [0] : vector<16xf32>, vector<16xi32> -> vector<16xf32>
        %add3A_1764 = arith.addf %add3A_1735, %gather3A_1763 : vector<16xf32>
        %add3A_1765 = arith.constant 1 : i32
        %add3A_1766 = vector.broadcast %add3A_1765 : i32 to vector<16xi32>
        %add3A_1767 = arith.addi %iota3A, %add3A_1766 : vector<16xi32>
        %jit3A_1768 = arith.constant 16 : i32
        %eq3A_1769 = arith.constant 0 : i32
        %eq3A_1770 = arith.cmpi eq, %jit3A_1768, %eq3A_1769 : i32
        %jit3A_1771 = arith.constant 1 : i32
        %select_n3A_1772 = arith.select %eq3A_1770, %jit3A_1771, %jit3A_1768 : i32
        %rem3A_1773 = vector.broadcast %select_n3A_1772 : i32 to vector<16xi32>
        %rem3A_1774 = arith.remsi %add3A_1767, %rem3A_1773 : vector<16xi32>
        %ne3A_1775 = arith.constant 0 : i32
        %ne3A_1776 = vector.broadcast %ne3A_1775 : i32 to vector<16xi32>
        %ne3A_1777 = arith.cmpi ne, %rem3A_1774, %ne3A_1776 : vector<16xi32>
        %lt3A_1778 = arith.constant 0 : i32
        %lt3A_1779 = vector.broadcast %lt3A_1778 : i32 to vector<16xi32>
        %lt3A_1780 = arith.cmpi slt, %rem3A_1774, %lt3A_1779 : vector<16xi32>
        %lt3A_1781 = arith.constant 0 : i32
        %lt3A_1782 = arith.cmpi slt, %select_n3A_1772, %lt3A_1781 : i32
        %ne3A_1783 = vector.broadcast %lt3A_1782 : i1 to vector<16xi1>
        %ne3A_1784 = vector.broadcast %ne3A_1783 : vector<16xi1> to vector<16xi1>
        %ne3A_1785 = arith.xori %lt3A_1780, %ne3A_1784 : vector<16xi1>
        %and3A_1786 = arith.andi %ne3A_1785, %ne3A_1777 : vector<16xi1>
        %add3A_1787 = vector.broadcast %select_n3A_1772 : i32 to vector<16xi32>
        %add3A_1788 = arith.addi %rem3A_1774, %add3A_1787 : vector<16xi32>
        %select_n3A_1789 = arith.select %and3A_1786, %add3A_1788, %rem3A_1774 : vector<16xi1>, vector<16xi32>
        %broadcast_in_dim3A_1790 = vector.shape_cast %select_n3A_1789 : vector<16xi32> to vector<16x1xi32>
        %gather3A_1791 = vector.shape_cast %broadcast_in_dim3A_1790 : vector<16x1xi32> to vector<16xi32>
        %gather3A_1792 = tpu.dynamic_gather %add3A_1764[%gather3A_1791] in [0] : vector<16xf32>, vector<16xi32> -> vector<16xf32>
        %add3A_1793 = arith.addf %add3A_1764, %gather3A_1792 : vector<16xf32>
        %min3A_1794 = arith.constant 6.000000e+01 : f32
        %min3A_1795 = vector.broadcast %min3A_1794 : f32 to vector<16xf32>
        %min3A_1796 = arith.minimumf %add3A_1793, %min3A_1795 : vector<16xf32>
        %exp3A_1797 = math.exp %min3A_1796 : vector<16xf32>
        %get3A_1798 = arith.index_cast %scan3A_1471 : i32 to index
        %get3A_1799 = arith.constant 160 : index
        %get3A_1800 = tpu.vector_load %arg12[%get3A_1798, %get3A_1799] {strides = array<i32>} : memref<40x256xf32, #tpu.memory_space<vmem>>, vector<1x16xf32>,
        %get3A_1801 = vector.shape_cast %get3A_1800 : vector<1x16xf32> to vector<16xf32>
        %get3A_1802 = arith.index_cast %scan3A_1471 : i32 to index
        %get3A_1803 = arith.constant 176 : index
        %get3A_1804 = tpu.vector_load %arg12[%get3A_1802, %get3A_1803] {strides = array<i32>} : memref<40x256xf32, #tpu.memory_space<vmem>>, vector<1x16xf32>,
        %get3A_1805 = vector.shape_cast %get3A_1804 : vector<1x16xf32> to vector<16xf32>
        %add3A_1806 = arith.addf %get3A_1801, %get3A_1652 : vector<16xf32>
        %mul3A_1807 = arith.mulf %exp3A_1797, %add3A_1806 : vector<16xf32>
        %swap3A_1808 = arith.index_cast %scan3A_1471 : i32 to index
        %swap3A_1809 = arith.constant 32 : index
        %swap3A_1810 = tpu.vector_load %arg14[%swap3A_1808, %swap3A_1809] {strides = array<i32>} : memref<40x144xf32, #tpu.memory_space<vmem>>, vector<1x16xf32>,
        %swap3A_1811 = vector.shape_cast %swap3A_1810 : vector<1x16xf32> to vector<16xf32>
        %swap3A_1812 = vector.shape_cast %mul3A_1807 : vector<16xf32> to vector<1x16xf32>
        tpu.vector_store %arg14[%swap3A_1808, %swap3A_1809], %swap3A_1812 {strides = array<i32>} : memref<40x144xf32, #tpu.memory_space<vmem>>, vector<1x16xf32>,
        %add3A_1813 = arith.addf %get3A_1805, %get3A_1656 : vector<16xf32>
        %mul3A_1814 = arith.mulf %exp3A_1797, %add3A_1813 : vector<16xf32>
        %swap3A_1815 = arith.index_cast %scan3A_1471 : i32 to index
        %swap3A_1816 = arith.constant 48 : index
        %swap3A_1817 = tpu.vector_load %arg14[%swap3A_1815, %swap3A_1816] {strides = array<i32>} : memref<40x144xf32, #tpu.memory_space<vmem>>, vector<1x16xf32>,
        %swap3A_1818 = vector.shape_cast %swap3A_1817 : vector<1x16xf32> to vector<16xf32>
        %swap3A_1819 = vector.shape_cast %mul3A_1814 : vector<16xf32> to vector<1x16xf32>
        tpu.vector_store %arg14[%swap3A_1815, %swap3A_1816], %swap3A_1819 {strides = array<i32>} : memref<40x144xf32, #tpu.memory_space<vmem>>, vector<1x16xf32>,
        %eq3A_1820 = arith.constant 1 : i32
        %eq3A_1821 = vector.broadcast %eq3A_1820 : i32 to vector<16xi32>
        %eq3A_1822 = arith.cmpi eq, %iota3A, %eq3A_1821 : vector<16xi32>
        %select_n3A_1823 = arith.select %eq3A_1822, %exp3A_1797, %select_n3A_1648 : vector<16xi1>, vector<16xf32>
        %get3A_1824 = arith.index_cast %scan3A_1471 : i32 to index
        %get3A_1825 = arith.constant 64 : index
        %get3A_1826 = tpu.vector_load %arg11[%get3A_1824, %get3A_1825] {strides = array<i32>} : memref<40x128xf32, #tpu.memory_space<vmem>>, vector<1x16xf32>,
        %get3A_1827 = vector.shape_cast %get3A_1826 : vector<1x16xf32> to vector<16xf32>
        %get3A_1828 = arith.index_cast %scan3A_1471 : i32 to index
        %get3A_1829 = arith.constant 80 : index
        %get3A_1830 = tpu.vector_load %arg11[%get3A_1828, %get3A_1829] {strides = array<i32>} : memref<40x128xf32, #tpu.memory_space<vmem>>, vector<1x16xf32>,
        %get3A_1831 = vector.shape_cast %get3A_1830 : vector<1x16xf32> to vector<16xf32>
        %get3A_1832 = arith.index_cast %scan3A_1471 : i32 to index
        %get3A_1833 = arith.constant 64 : index
        %get3A_1834 = tpu.vector_load %arg13[%get3A_1832, %get3A_1833] {strides = array<i32>} : memref<40x128xf32, #tpu.memory_space<vmem>>, vector<1x16xf32>,
        %get3A_1835 = vector.shape_cast %get3A_1834 : vector<1x16xf32> to vector<16xf32>
        %get3A_1836 = arith.index_cast %scan3A_1471 : i32 to index
        %get3A_1837 = arith.constant 80 : index
        %get3A_1838 = tpu.vector_load %arg13[%get3A_1836, %get3A_1837] {strides = array<i32>} : memref<40x128xf32, #tpu.memory_space<vmem>>, vector<1x16xf32>,
        %get3A_1839 = vector.shape_cast %get3A_1838 : vector<1x16xf32> to vector<16xf32>
        %get3A_1840 = arith.index_cast %scan3A_1471 : i32 to index
        %get3A_1841 = arith.constant 64 : index
        %get3A_1842 = tpu.vector_load %arg12[%get3A_1840, %get3A_1841] {strides = array<i32>} : memref<40x256xf32, #tpu.memory_space<vmem>>, vector<1x16xf32>,
        %get3A_1843 = vector.shape_cast %get3A_1842 : vector<1x16xf32> to vector<16xf32>
        %get3A_1844 = arith.index_cast %scan3A_1471 : i32 to index
        %get3A_1845 = arith.constant 80 : index
        %get3A_1846 = tpu.vector_load %arg12[%get3A_1844, %get3A_1845] {strides = array<i32>} : memref<40x256xf32, #tpu.memory_space<vmem>>, vector<1x16xf32>,
        %get3A_1847 = vector.shape_cast %get3A_1846 : vector<1x16xf32> to vector<16xf32>
        %add3A_1848 = arith.addf %get3A_1843, %get3A_1827 : vector<16xf32>
        %mul3A_1849 = arith.mulf %get3A_1835, %add3A_1848 : vector<16xf32>
        %add3A_1850 = arith.addf %get3A_1847, %get3A_1831 : vector<16xf32>
        %mul3A_1851 = arith.mulf %get3A_1839, %add3A_1850 : vector<16xf32>
        %add3A_1852 = arith.addf %mul3A_1849, %mul3A_1851 : vector<16xf32>
        %add3A_1853 = arith.constant 8 : i32
        %add3A_1854 = vector.broadcast %add3A_1853 : i32 to vector<16xi32>
        %add3A_1855 = arith.addi %iota3A, %add3A_1854 : vector<16xi32>
        %jit3A_1856 = arith.constant 16 : i32
        %eq3A_1857 = arith.constant 0 : i32
        %eq3A_1858 = arith.cmpi eq, %jit3A_1856, %eq3A_1857 : i32
        %jit3A_1859 = arith.constant 1 : i32
        %select_n3A_1860 = arith.select %eq3A_1858, %jit3A_1859, %jit3A_1856 : i32
        %rem3A_1861 = vector.broadcast %select_n3A_1860 : i32 to vector<16xi32>
        %rem3A_1862 = arith.remsi %add3A_1855, %rem3A_1861 : vector<16xi32>
        %ne3A_1863 = arith.constant 0 : i32
        %ne3A_1864 = vector.broadcast %ne3A_1863 : i32 to vector<16xi32>
        %ne3A_1865 = arith.cmpi ne, %rem3A_1862, %ne3A_1864 : vector<16xi32>
        %lt3A_1866 = arith.constant 0 : i32
        %lt3A_1867 = vector.broadcast %lt3A_1866 : i32 to vector<16xi32>
        %lt3A_1868 = arith.cmpi slt, %rem3A_1862, %lt3A_1867 : vector<16xi32>
        %lt3A_1869 = arith.constant 0 : i32
        %lt3A_1870 = arith.cmpi slt, %select_n3A_1860, %lt3A_1869 : i32
        %ne3A_1871 = vector.broadcast %lt3A_1870 : i1 to vector<16xi1>
        %ne3A_1872 = vector.broadcast %ne3A_1871 : vector<16xi1> to vector<16xi1>
        %ne3A_1873 = arith.xori %lt3A_1868, %ne3A_1872 : vector<16xi1>
        %and3A_1874 = arith.andi %ne3A_1873, %ne3A_1865 : vector<16xi1>
        %add3A_1875 = vector.broadcast %select_n3A_1860 : i32 to vector<16xi32>
        %add3A_1876 = arith.addi %rem3A_1862, %add3A_1875 : vector<16xi32>
        %select_n3A_1877 = arith.select %and3A_1874, %add3A_1876, %rem3A_1862 : vector<16xi1>, vector<16xi32>
        %broadcast_in_dim3A_1878 = vector.shape_cast %select_n3A_1877 : vector<16xi32> to vector<16x1xi32>
        %gather3A_1879 = vector.shape_cast %broadcast_in_dim3A_1878 : vector<16x1xi32> to vector<16xi32>
        %gather3A_1880 = tpu.dynamic_gather %add3A_1852[%gather3A_1879] in [0] : vector<16xf32>, vector<16xi32> -> vector<16xf32>
        %add3A_1881 = arith.addf %add3A_1852, %gather3A_1880 : vector<16xf32>
        %add3A_1882 = arith.constant 4 : i32
        %add3A_1883 = vector.broadcast %add3A_1882 : i32 to vector<16xi32>
        %add3A_1884 = arith.addi %iota3A, %add3A_1883 : vector<16xi32>
        %jit3A_1885 = arith.constant 16 : i32
        %eq3A_1886 = arith.constant 0 : i32
        %eq3A_1887 = arith.cmpi eq, %jit3A_1885, %eq3A_1886 : i32
        %jit3A_1888 = arith.constant 1 : i32
        %select_n3A_1889 = arith.select %eq3A_1887, %jit3A_1888, %jit3A_1885 : i32
        %rem3A_1890 = vector.broadcast %select_n3A_1889 : i32 to vector<16xi32>
        %rem3A_1891 = arith.remsi %add3A_1884, %rem3A_1890 : vector<16xi32>
        %ne3A_1892 = arith.constant 0 : i32
        %ne3A_1893 = vector.broadcast %ne3A_1892 : i32 to vector<16xi32>
        %ne3A_1894 = arith.cmpi ne, %rem3A_1891, %ne3A_1893 : vector<16xi32>
        %lt3A_1895 = arith.constant 0 : i32
        %lt3A_1896 = vector.broadcast %lt3A_1895 : i32 to vector<16xi32>
        %lt3A_1897 = arith.cmpi slt, %rem3A_1891, %lt3A_1896 : vector<16xi32>
        %lt3A_1898 = arith.constant 0 : i32
        %lt3A_1899 = arith.cmpi slt, %select_n3A_1889, %lt3A_1898 : i32
        %ne3A_1900 = vector.broadcast %lt3A_1899 : i1 to vector<16xi1>
        %ne3A_1901 = vector.broadcast %ne3A_1900 : vector<16xi1> to vector<16xi1>
        %ne3A_1902 = arith.xori %lt3A_1897, %ne3A_1901 : vector<16xi1>
        %and3A_1903 = arith.andi %ne3A_1902, %ne3A_1894 : vector<16xi1>
        %add3A_1904 = vector.broadcast %select_n3A_1889 : i32 to vector<16xi32>
        %add3A_1905 = arith.addi %rem3A_1891, %add3A_1904 : vector<16xi32>
        %select_n3A_1906 = arith.select %and3A_1903, %add3A_1905, %rem3A_1891 : vector<16xi1>, vector<16xi32>
        %broadcast_in_dim3A_1907 = vector.shape_cast %select_n3A_1906 : vector<16xi32> to vector<16x1xi32>
        %gather3A_1908 = vector.shape_cast %broadcast_in_dim3A_1907 : vector<16x1xi32> to vector<16xi32>
        %gather3A_1909 = tpu.dynamic_gather %add3A_1881[%gather3A_1908] in [0] : vector<16xf32>, vector<16xi32> -> vector<16xf32>
        %add3A_1910 = arith.addf %add3A_1881, %gather3A_1909 : vector<16xf32>
        %add3A_1911 = arith.constant 2 : i32
        %add3A_1912 = vector.broadcast %add3A_1911 : i32 to vector<16xi32>
        %add3A_1913 = arith.addi %iota3A, %add3A_1912 : vector<16xi32>
        %jit3A_1914 = arith.constant 16 : i32
        %eq3A_1915 = arith.constant 0 : i32
        %eq3A_1916 = arith.cmpi eq, %jit3A_1914, %eq3A_1915 : i32
        %jit3A_1917 = arith.constant 1 : i32
        %select_n3A_1918 = arith.select %eq3A_1916, %jit3A_1917, %jit3A_1914 : i32
        %rem3A_1919 = vector.broadcast %select_n3A_1918 : i32 to vector<16xi32>
        %rem3A_1920 = arith.remsi %add3A_1913, %rem3A_1919 : vector<16xi32>
        %ne3A_1921 = arith.constant 0 : i32
        %ne3A_1922 = vector.broadcast %ne3A_1921 : i32 to vector<16xi32>
        %ne3A_1923 = arith.cmpi ne, %rem3A_1920, %ne3A_1922 : vector<16xi32>
        %lt3A_1924 = arith.constant 0 : i32
        %lt3A_1925 = vector.broadcast %lt3A_1924 : i32 to vector<16xi32>
        %lt3A_1926 = arith.cmpi slt, %rem3A_1920, %lt3A_1925 : vector<16xi32>
        %lt3A_1927 = arith.constant 0 : i32
        %lt3A_1928 = arith.cmpi slt, %select_n3A_1918, %lt3A_1927 : i32
        %ne3A_1929 = vector.broadcast %lt3A_1928 : i1 to vector<16xi1>
        %ne3A_1930 = vector.broadcast %ne3A_1929 : vector<16xi1> to vector<16xi1>
        %ne3A_1931 = arith.xori %lt3A_1926, %ne3A_1930 : vector<16xi1>
        %and3A_1932 = arith.andi %ne3A_1931, %ne3A_1923 : vector<16xi1>
        %add3A_1933 = vector.broadcast %select_n3A_1918 : i32 to vector<16xi32>
        %add3A_1934 = arith.addi %rem3A_1920, %add3A_1933 : vector<16xi32>
        %select_n3A_1935 = arith.select %and3A_1932, %add3A_1934, %rem3A_1920 : vector<16xi1>, vector<16xi32>
        %broadcast_in_dim3A_1936 = vector.shape_cast %select_n3A_1935 : vector<16xi32> to vector<16x1xi32>
        %gather3A_1937 = vector.shape_cast %broadcast_in_dim3A_1936 : vector<16x1xi32> to vector<16xi32>
        %gather3A_1938 = tpu.dynamic_gather %add3A_1910[%gather3A_1937] in [0] : vector<16xf32>, vector<16xi32> -> vector<16xf32>
        %add3A_1939 = arith.addf %add3A_1910, %gather3A_1938 : vector<16xf32>
        %add3A_1940 = arith.constant 1 : i32
        %add3A_1941 = vector.broadcast %add3A_1940 : i32 to vector<16xi32>
        %add3A_1942 = arith.addi %iota3A, %add3A_1941 : vector<16xi32>
        %jit3A_1943 = arith.constant 16 : i32
        %eq3A_1944 = arith.constant 0 : i32
        %eq3A_1945 = arith.cmpi eq, %jit3A_1943, %eq3A_1944 : i32
        %jit3A_1946 = arith.constant 1 : i32
        %select_n3A_1947 = arith.select %eq3A_1945, %jit3A_1946, %jit3A_1943 : i32
        %rem3A_1948 = vector.broadcast %select_n3A_1947 : i32 to vector<16xi32>
        %rem3A_1949 = arith.remsi %add3A_1942, %rem3A_1948 : vector<16xi32>
        %ne3A_1950 = arith.constant 0 : i32
        %ne3A_1951 = vector.broadcast %ne3A_1950 : i32 to vector<16xi32>
        %ne3A_1952 = arith.cmpi ne, %rem3A_1949, %ne3A_1951 : vector<16xi32>
        %lt3A_1953 = arith.constant 0 : i32
        %lt3A_1954 = vector.broadcast %lt3A_1953 : i32 to vector<16xi32>
        %lt3A_1955 = arith.cmpi slt, %rem3A_1949, %lt3A_1954 : vector<16xi32>
        %lt3A_1956 = arith.constant 0 : i32
        %lt3A_1957 = arith.cmpi slt, %select_n3A_1947, %lt3A_1956 : i32
        %ne3A_1958 = vector.broadcast %lt3A_1957 : i1 to vector<16xi1>
        %ne3A_1959 = vector.broadcast %ne3A_1958 : vector<16xi1> to vector<16xi1>
        %ne3A_1960 = arith.xori %lt3A_1955, %ne3A_1959 : vector<16xi1>
        %and3A_1961 = arith.andi %ne3A_1960, %ne3A_1952 : vector<16xi1>
        %add3A_1962 = vector.broadcast %select_n3A_1947 : i32 to vector<16xi32>
        %add3A_1963 = arith.addi %rem3A_1949, %add3A_1962 : vector<16xi32>
        %select_n3A_1964 = arith.select %and3A_1961, %add3A_1963, %rem3A_1949 : vector<16xi1>, vector<16xi32>
        %broadcast_in_dim3A_1965 = vector.shape_cast %select_n3A_1964 : vector<16xi32> to vector<16x1xi32>
        %gather3A_1966 = vector.shape_cast %broadcast_in_dim3A_1965 : vector<16x1xi32> to vector<16xi32>
        %gather3A_1967 = tpu.dynamic_gather %add3A_1939[%gather3A_1966] in [0] : vector<16xf32>, vector<16xi32> -> vector<16xf32>
        %add3A_1968 = arith.addf %add3A_1939, %gather3A_1967 : vector<16xf32>
        %min3A_1969 = arith.constant 6.000000e+01 : f32
        %min3A_1970 = vector.broadcast %min3A_1969 : f32 to vector<16xf32>
        %min3A_1971 = arith.minimumf %add3A_1968, %min3A_1970 : vector<16xf32>
        %exp3A_1972 = math.exp %min3A_1971 : vector<16xf32>
        %get3A_1973 = arith.index_cast %scan3A_1471 : i32 to index
        %get3A_1974 = arith.constant 192 : index
        %get3A_1975 = tpu.vector_load %arg12[%get3A_1973, %get3A_1974] {strides = array<i32>} : memref<40x256xf32, #tpu.memory_space<vmem>>, vector<1x16xf32>,
        %get3A_1976 = vector.shape_cast %get3A_1975 : vector<1x16xf32> to vector<16xf32>
        %get3A_1977 = arith.index_cast %scan3A_1471 : i32 to index
        %get3A_1978 = arith.constant 208 : index
        %get3A_1979 = tpu.vector_load %arg12[%get3A_1977, %get3A_1978] {strides = array<i32>} : memref<40x256xf32, #tpu.memory_space<vmem>>, vector<1x16xf32>,
        %get3A_1980 = vector.shape_cast %get3A_1979 : vector<1x16xf32> to vector<16xf32>
        %add3A_1981 = arith.addf %get3A_1976, %get3A_1827 : vector<16xf32>
        %mul3A_1982 = arith.mulf %exp3A_1972, %add3A_1981 : vector<16xf32>
        %swap3A_1983 = arith.index_cast %scan3A_1471 : i32 to index
        %swap3A_1984 = arith.constant 64 : index
        %swap3A_1985 = tpu.vector_load %arg14[%swap3A_1983, %swap3A_1984] {strides = array<i32>} : memref<40x144xf32, #tpu.memory_space<vmem>>, vector<1x16xf32>,
        %swap3A_1986 = vector.shape_cast %swap3A_1985 : vector<1x16xf32> to vector<16xf32>
        %swap3A_1987 = vector.shape_cast %mul3A_1982 : vector<16xf32> to vector<1x16xf32>
        tpu.vector_store %arg14[%swap3A_1983, %swap3A_1984], %swap3A_1987 {strides = array<i32>} : memref<40x144xf32, #tpu.memory_space<vmem>>, vector<1x16xf32>,
        %add3A_1988 = arith.addf %get3A_1980, %get3A_1831 : vector<16xf32>
        %mul3A_1989 = arith.mulf %exp3A_1972, %add3A_1988 : vector<16xf32>
        %swap3A_1990 = arith.index_cast %scan3A_1471 : i32 to index
        %swap3A_1991 = arith.constant 80 : index
        %swap3A_1992 = tpu.vector_load %arg14[%swap3A_1990, %swap3A_1991] {strides = array<i32>} : memref<40x144xf32, #tpu.memory_space<vmem>>, vector<1x16xf32>,
        %swap3A_1993 = vector.shape_cast %swap3A_1992 : vector<1x16xf32> to vector<16xf32>
        %swap3A_1994 = vector.shape_cast %mul3A_1989 : vector<16xf32> to vector<1x16xf32>
        tpu.vector_store %arg14[%swap3A_1990, %swap3A_1991], %swap3A_1994 {strides = array<i32>} : memref<40x144xf32, #tpu.memory_space<vmem>>, vector<1x16xf32>,
        %eq3A_1995 = arith.constant 2 : i32
        %eq3A_1996 = vector.broadcast %eq3A_1995 : i32 to vector<16xi32>
        %eq3A_1997 = arith.cmpi eq, %iota3A, %eq3A_1996 : vector<16xi32>
        %select_n3A_1998 = arith.select %eq3A_1997, %exp3A_1972, %select_n3A_1823 : vector<16xi1>, vector<16xf32>
        %get3A_1999 = arith.index_cast %scan3A_1471 : i32 to index
        %get3A_2000 = arith.constant 96 : index
        %get3A_2001 = tpu.vector_load %arg11[%get3A_1999, %get3A_2000] {strides = array<i32>} : memref<40x128xf32, #tpu.memory_space<vmem>>, vector<1x16xf32>,
        %get3A_2002 = vector.shape_cast %get3A_2001 : vector<1x16xf32> to vector<16xf32>
        %get3A_2003 = arith.index_cast %scan3A_1471 : i32 to index
        %get3A_2004 = arith.constant 112 : index
        %get3A_2005 = tpu.vector_load %arg11[%get3A_2003, %get3A_2004] {strides = array<i32>} : memref<40x128xf32, #tpu.memory_space<vmem>>, vector<1x16xf32>,
        %get3A_2006 = vector.shape_cast %get3A_2005 : vector<1x16xf32> to vector<16xf32>
        %get3A_2007 = arith.index_cast %scan3A_1471 : i32 to index
        %get3A_2008 = arith.constant 96 : index
        %get3A_2009 = tpu.vector_load %arg13[%get3A_2007, %get3A_2008] {strides = array<i32>} : memref<40x128xf32, #tpu.memory_space<vmem>>, vector<1x16xf32>,
        %get3A_2010 = vector.shape_cast %get3A_2009 : vector<1x16xf32> to vector<16xf32>
        %get3A_2011 = arith.index_cast %scan3A_1471 : i32 to index
        %get3A_2012 = arith.constant 112 : index
        %get3A_2013 = tpu.vector_load %arg13[%get3A_2011, %get3A_2012] {strides = array<i32>} : memref<40x128xf32, #tpu.memory_space<vmem>>, vector<1x16xf32>,
        %get3A_2014 = vector.shape_cast %get3A_2013 : vector<1x16xf32> to vector<16xf32>
        %get3A_2015 = arith.index_cast %scan3A_1471 : i32 to index
        %get3A_2016 = arith.constant 96 : index
        %get3A_2017 = tpu.vector_load %arg12[%get3A_2015, %get3A_2016] {strides = array<i32>} : memref<40x256xf32, #tpu.memory_space<vmem>>, vector<1x16xf32>,
        %get3A_2018 = vector.shape_cast %get3A_2017 : vector<1x16xf32> to vector<16xf32>
        %get3A_2019 = arith.index_cast %scan3A_1471 : i32 to index
        %get3A_2020 = arith.constant 112 : index
        %get3A_2021 = tpu.vector_load %arg12[%get3A_2019, %get3A_2020] {strides = array<i32>} : memref<40x256xf32, #tpu.memory_space<vmem>>, vector<1x16xf32>,
        %get3A_2022 = vector.shape_cast %get3A_2021 : vector<1x16xf32> to vector<16xf32>
        %add3A_2023 = arith.addf %get3A_2018, %get3A_2002 : vector<16xf32>
        %mul3A_2024 = arith.mulf %get3A_2010, %add3A_2023 : vector<16xf32>
        %add3A_2025 = arith.addf %get3A_2022, %get3A_2006 : vector<16xf32>
        %mul3A_2026 = arith.mulf %get3A_2014, %add3A_2025 : vector<16xf32>
        %add3A_2027 = arith.addf %mul3A_2024, %mul3A_2026 : vector<16xf32>
        %add3A_2028 = arith.constant 8 : i32
        %add3A_2029 = vector.broadcast %add3A_2028 : i32 to vector<16xi32>
        %add3A_2030 = arith.addi %iota3A, %add3A_2029 : vector<16xi32>
        %jit3A_2031 = arith.constant 16 : i32
        %eq3A_2032 = arith.constant 0 : i32
        %eq3A_2033 = arith.cmpi eq, %jit3A_2031, %eq3A_2032 : i32
        %jit3A_2034 = arith.constant 1 : i32
        %select_n3A_2035 = arith.select %eq3A_2033, %jit3A_2034, %jit3A_2031 : i32
        %rem3A_2036 = vector.broadcast %select_n3A_2035 : i32 to vector<16xi32>
        %rem3A_2037 = arith.remsi %add3A_2030, %rem3A_2036 : vector<16xi32>
        %ne3A_2038 = arith.constant 0 : i32
        %ne3A_2039 = vector.broadcast %ne3A_2038 : i32 to vector<16xi32>
        %ne3A_2040 = arith.cmpi ne, %rem3A_2037, %ne3A_2039 : vector<16xi32>
        %lt3A_2041 = arith.constant 0 : i32
        %lt3A_2042 = vector.broadcast %lt3A_2041 : i32 to vector<16xi32>
        %lt3A_2043 = arith.cmpi slt, %rem3A_2037, %lt3A_2042 : vector<16xi32>
        %lt3A_2044 = arith.constant 0 : i32
        %lt3A_2045 = arith.cmpi slt, %select_n3A_2035, %lt3A_2044 : i32
        %ne3A_2046 = vector.broadcast %lt3A_2045 : i1 to vector<16xi1>
        %ne3A_2047 = vector.broadcast %ne3A_2046 : vector<16xi1> to vector<16xi1>
        %ne3A_2048 = arith.xori %lt3A_2043, %ne3A_2047 : vector<16xi1>
        %and3A_2049 = arith.andi %ne3A_2048, %ne3A_2040 : vector<16xi1>
        %add3A_2050 = vector.broadcast %select_n3A_2035 : i32 to vector<16xi32>
        %add3A_2051 = arith.addi %rem3A_2037, %add3A_2050 : vector<16xi32>
        %select_n3A_2052 = arith.select %and3A_2049, %add3A_2051, %rem3A_2037 : vector<16xi1>, vector<16xi32>
        %broadcast_in_dim3A_2053 = vector.shape_cast %select_n3A_2052 : vector<16xi32> to vector<16x1xi32>
        %gather3A_2054 = vector.shape_cast %broadcast_in_dim3A_2053 : vector<16x1xi32> to vector<16xi32>
        %gather3A_2055 = tpu.dynamic_gather %add3A_2027[%gather3A_2054] in [0] : vector<16xf32>, vector<16xi32> -> vector<16xf32>
        %add3A_2056 = arith.addf %add3A_2027, %gather3A_2055 : vector<16xf32>
        %add3A_2057 = arith.constant 4 : i32
        %add3A_2058 = vector.broadcast %add3A_2057 : i32 to vector<16xi32>
        %add3A_2059 = arith.addi %iota3A, %add3A_2058 : vector<16xi32>
        %jit3A_2060 = arith.constant 16 : i32
        %eq3A_2061 = arith.constant 0 : i32
        %eq3A_2062 = arith.cmpi eq, %jit3A_2060, %eq3A_2061 : i32
        %jit3A_2063 = arith.constant 1 : i32
        %select_n3A_2064 = arith.select %eq3A_2062, %jit3A_2063, %jit3A_2060 : i32
        %rem3A_2065 = vector.broadcast %select_n3A_2064 : i32 to vector<16xi32>
        %rem3A_2066 = arith.remsi %add3A_2059, %rem3A_2065 : vector<16xi32>
        %ne3A_2067 = arith.constant 0 : i32
        %ne3A_2068 = vector.broadcast %ne3A_2067 : i32 to vector<16xi32>
        %ne3A_2069 = arith.cmpi ne, %rem3A_2066, %ne3A_2068 : vector<16xi32>
        %lt3A_2070 = arith.constant 0 : i32
        %lt3A_2071 = vector.broadcast %lt3A_2070 : i32 to vector<16xi32>
        %lt3A_2072 = arith.cmpi slt, %rem3A_2066, %lt3A_2071 : vector<16xi32>
        %lt3A_2073 = arith.constant 0 : i32
        %lt3A_2074 = arith.cmpi slt, %select_n3A_2064, %lt3A_2073 : i32
        %ne3A_2075 = vector.broadcast %lt3A_2074 : i1 to vector<16xi1>
        %ne3A_2076 = vector.broadcast %ne3A_2075 : vector<16xi1> to vector<16xi1>
        %ne3A_2077 = arith.xori %lt3A_2072, %ne3A_2076 : vector<16xi1>
        %and3A_2078 = arith.andi %ne3A_2077, %ne3A_2069 : vector<16xi1>
        %add3A_2079 = vector.broadcast %select_n3A_2064 : i32 to vector<16xi32>
        %add3A_2080 = arith.addi %rem3A_2066, %add3A_2079 : vector<16xi32>
        %select_n3A_2081 = arith.select %and3A_2078, %add3A_2080, %rem3A_2066 : vector<16xi1>, vector<16xi32>
        %broadcast_in_dim3A_2082 = vector.shape_cast %select_n3A_2081 : vector<16xi32> to vector<16x1xi32>
        %gather3A_2083 = vector.shape_cast %broadcast_in_dim3A_2082 : vector<16x1xi32> to vector<16xi32>
        %gather3A_2084 = tpu.dynamic_gather %add3A_2056[%gather3A_2083] in [0] : vector<16xf32>, vector<16xi32> -> vector<16xf32>
        %add3A_2085 = arith.addf %add3A_2056, %gather3A_2084 : vector<16xf32>
        %add3A_2086 = arith.constant 2 : i32
        %add3A_2087 = vector.broadcast %add3A_2086 : i32 to vector<16xi32>
        %add3A_2088 = arith.addi %iota3A, %add3A_2087 : vector<16xi32>
        %jit3A_2089 = arith.constant 16 : i32
        %eq3A_2090 = arith.constant 0 : i32
        %eq3A_2091 = arith.cmpi eq, %jit3A_2089, %eq3A_2090 : i32
        %jit3A_2092 = arith.constant 1 : i32
        %select_n3A_2093 = arith.select %eq3A_2091, %jit3A_2092, %jit3A_2089 : i32
        %rem3A_2094 = vector.broadcast %select_n3A_2093 : i32 to vector<16xi32>
        %rem3A_2095 = arith.remsi %add3A_2088, %rem3A_2094 : vector<16xi32>
        %ne3A_2096 = arith.constant 0 : i32
        %ne3A_2097 = vector.broadcast %ne3A_2096 : i32 to vector<16xi32>
        %ne3A_2098 = arith.cmpi ne, %rem3A_2095, %ne3A_2097 : vector<16xi32>
        %lt3A_2099 = arith.constant 0 : i32
        %lt3A_2100 = vector.broadcast %lt3A_2099 : i32 to vector<16xi32>
        %lt3A_2101 = arith.cmpi slt, %rem3A_2095, %lt3A_2100 : vector<16xi32>
        %lt3A_2102 = arith.constant 0 : i32
        %lt3A_2103 = arith.cmpi slt, %select_n3A_2093, %lt3A_2102 : i32
        %ne3A_2104 = vector.broadcast %lt3A_2103 : i1 to vector<16xi1>
        %ne3A_2105 = vector.broadcast %ne3A_2104 : vector<16xi1> to vector<16xi1>
        %ne3A_2106 = arith.xori %lt3A_2101, %ne3A_2105 : vector<16xi1>
        %and3A_2107 = arith.andi %ne3A_2106, %ne3A_2098 : vector<16xi1>
        %add3A_2108 = vector.broadcast %select_n3A_2093 : i32 to vector<16xi32>
        %add3A_2109 = arith.addi %rem3A_2095, %add3A_2108 : vector<16xi32>
        %select_n3A_2110 = arith.select %and3A_2107, %add3A_2109, %rem3A_2095 : vector<16xi1>, vector<16xi32>
        %broadcast_in_dim3A_2111 = vector.shape_cast %select_n3A_2110 : vector<16xi32> to vector<16x1xi32>
        %gather3A_2112 = vector.shape_cast %broadcast_in_dim3A_2111 : vector<16x1xi32> to vector<16xi32>
        %gather3A_2113 = tpu.dynamic_gather %add3A_2085[%gather3A_2112] in [0] : vector<16xf32>, vector<16xi32> -> vector<16xf32>
        %add3A_2114 = arith.addf %add3A_2085, %gather3A_2113 : vector<16xf32>
        %add3A_2115 = arith.constant 1 : i32
        %add3A_2116 = vector.broadcast %add3A_2115 : i32 to vector<16xi32>
        %add3A_2117 = arith.addi %iota3A, %add3A_2116 : vector<16xi32>
        %jit3A_2118 = arith.constant 16 : i32
        %eq3A_2119 = arith.constant 0 : i32
        %eq3A_2120 = arith.cmpi eq, %jit3A_2118, %eq3A_2119 : i32
        %jit3A_2121 = arith.constant 1 : i32
        %select_n3A_2122 = arith.select %eq3A_2120, %jit3A_2121, %jit3A_2118 : i32
        %rem3A_2123 = vector.broadcast %select_n3A_2122 : i32 to vector<16xi32>
        %rem3A_2124 = arith.remsi %add3A_2117, %rem3A_2123 : vector<16xi32>
        %ne3A_2125 = arith.constant 0 : i32
        %ne3A_2126 = vector.broadcast %ne3A_2125 : i32 to vector<16xi32>
        %ne3A_2127 = arith.cmpi ne, %rem3A_2124, %ne3A_2126 : vector<16xi32>
        %lt3A_2128 = arith.constant 0 : i32
        %lt3A_2129 = vector.broadcast %lt3A_2128 : i32 to vector<16xi32>
        %lt3A_2130 = arith.cmpi slt, %rem3A_2124, %lt3A_2129 : vector<16xi32>
        %lt3A_2131 = arith.constant 0 : i32
        %lt3A_2132 = arith.cmpi slt, %select_n3A_2122, %lt3A_2131 : i32
        %ne3A_2133 = vector.broadcast %lt3A_2132 : i1 to vector<16xi1>
        %ne3A_2134 = vector.broadcast %ne3A_2133 : vector<16xi1> to vector<16xi1>
        %ne3A_2135 = arith.xori %lt3A_2130, %ne3A_2134 : vector<16xi1>
        %and3A_2136 = arith.andi %ne3A_2135, %ne3A_2127 : vector<16xi1>
        %add3A_2137 = vector.broadcast %select_n3A_2122 : i32 to vector<16xi32>
        %add3A_2138 = arith.addi %rem3A_2124, %add3A_2137 : vector<16xi32>
        %select_n3A_2139 = arith.select %and3A_2136, %add3A_2138, %rem3A_2124 : vector<16xi1>, vector<16xi32>
        %broadcast_in_dim3A_2140 = vector.shape_cast %select_n3A_2139 : vector<16xi32> to vector<16x1xi32>
        %gather3A_2141 = vector.shape_cast %broadcast_in_dim3A_2140 : vector<16x1xi32> to vector<16xi32>
        %gather3A_2142 = tpu.dynamic_gather %add3A_2114[%gather3A_2141] in [0] : vector<16xf32>, vector<16xi32> -> vector<16xf32>
        %add3A_2143 = arith.addf %add3A_2114, %gather3A_2142 : vector<16xf32>
        %min3A_2144 = arith.constant 6.000000e+01 : f32
        %min3A_2145 = vector.broadcast %min3A_2144 : f32 to vector<16xf32>
        %min3A_2146 = arith.minimumf %add3A_2143, %min3A_2145 : vector<16xf32>
        %exp3A_2147 = math.exp %min3A_2146 : vector<16xf32>
        %get3A_2148 = arith.index_cast %scan3A_1471 : i32 to index
        %get3A_2149 = arith.constant 224 : index
        %get3A_2150 = tpu.vector_load %arg12[%get3A_2148, %get3A_2149] {strides = array<i32>} : memref<40x256xf32, #tpu.memory_space<vmem>>, vector<1x16xf32>,
        %get3A_2151 = vector.shape_cast %get3A_2150 : vector<1x16xf32> to vector<16xf32>
        %get3A_2152 = arith.index_cast %scan3A_1471 : i32 to index
        %get3A_2153 = arith.constant 240 : index
        %get3A_2154 = tpu.vector_load %arg12[%get3A_2152, %get3A_2153] {strides = array<i32>} : memref<40x256xf32, #tpu.memory_space<vmem>>, vector<1x16xf32>,
        %get3A_2155 = vector.shape_cast %get3A_2154 : vector<1x16xf32> to vector<16xf32>
        %add3A_2156 = arith.addf %get3A_2151, %get3A_2002 : vector<16xf32>
        %mul3A_2157 = arith.mulf %exp3A_2147, %add3A_2156 : vector<16xf32>
        %swap3A_2158 = arith.index_cast %scan3A_1471 : i32 to index
        %swap3A_2159 = arith.constant 96 : index
        %swap3A_2160 = tpu.vector_load %arg14[%swap3A_2158, %swap3A_2159] {strides = array<i32>} : memref<40x144xf32, #tpu.memory_space<vmem>>, vector<1x16xf32>,
        %swap3A_2161 = vector.shape_cast %swap3A_2160 : vector<1x16xf32> to vector<16xf32>
        %swap3A_2162 = vector.shape_cast %mul3A_2157 : vector<16xf32> to vector<1x16xf32>
        tpu.vector_store %arg14[%swap3A_2158, %swap3A_2159], %swap3A_2162 {strides = array<i32>} : memref<40x144xf32, #tpu.memory_space<vmem>>, vector<1x16xf32>,
        %add3A_2163 = arith.addf %get3A_2155, %get3A_2006 : vector<16xf32>
        %mul3A_2164 = arith.mulf %exp3A_2147, %add3A_2163 : vector<16xf32>
        %swap3A_2165 = arith.index_cast %scan3A_1471 : i32 to index
        %swap3A_2166 = arith.constant 112 : index
        %swap3A_2167 = tpu.vector_load %arg14[%swap3A_2165, %swap3A_2166] {strides = array<i32>} : memref<40x144xf32, #tpu.memory_space<vmem>>, vector<1x16xf32>,
        %swap3A_2168 = vector.shape_cast %swap3A_2167 : vector<1x16xf32> to vector<16xf32>
        %swap3A_2169 = vector.shape_cast %mul3A_2164 : vector<16xf32> to vector<1x16xf32>
        tpu.vector_store %arg14[%swap3A_2165, %swap3A_2166], %swap3A_2169 {strides = array<i32>} : memref<40x144xf32, #tpu.memory_space<vmem>>, vector<1x16xf32>,
        %eq3A_2170 = arith.constant 3 : i32
        %eq3A_2171 = vector.broadcast %eq3A_2170 : i32 to vector<16xi32>
        %eq3A_2172 = arith.cmpi eq, %iota3A, %eq3A_2171 : vector<16xi32>
        %select_n3A_2173 = arith.select %eq3A_2172, %exp3A_2147, %select_n3A_1998 : vector<16xi1>, vector<16xf32>
        %lt3A_2174 = arith.constant 4 : i32
        %lt3A_2175 = vector.broadcast %lt3A_2174 : i32 to vector<16xi32>
        %lt3A_2176 = arith.cmpi slt, %iota3A, %lt3A_2175 : vector<16xi32>
        %jit3A_2177 = arith.constant 0.000000e+00 : f32
        %broadcast_in_dim3A_2178 = vector.broadcast %jit3A_2177 : f32 to vector<16xf32>
        %select_n3A_2179 = arith.select %lt3A_2176, %select_n3A_2173, %broadcast_in_dim3A_2178 : vector<16xi1>, vector<16xf32>
        %swap3A_2180 = arith.index_cast %scan3A_1471 : i32 to index
        %swap3A_2181 = arith.constant 128 : index
        %swap3A_2182 = tpu.vector_load %arg14[%swap3A_2180, %swap3A_2181] {strides = array<i32>} : memref<40x144xf32, #tpu.memory_space<vmem>>, vector<1x16xf32>,
        %swap3A_2183 = vector.shape_cast %swap3A_2182 : vector<1x16xf32> to vector<16xf32>
        %swap3A_2184 = vector.shape_cast %select_n3A_2179 : vector<16xf32> to vector<1x16xf32>
        tpu.vector_store %arg14[%swap3A_2180, %swap3A_2181], %swap3A_2184 {strides = array<i32>} : memref<40x144xf32, #tpu.memory_space<vmem>>, vector<1x16xf32>,
        %scan3A_2185 = arith.constant 0 : i32
        %scan3A_2186 = arith.constant 3 : i32
        %scan3A_2187 = arith.addi %scan3A_51, %scan3A_2186 : i32
        %broadcast_in_dim3A_2188 = arith.constant 0.000000e+00 : f32
        %broadcast_in_dim3A_2189 = vector.broadcast %broadcast_in_dim3A_2188 : f32 to vector<16xf32>
        %get3A_2190 = arith.index_cast %scan3A_2187 : i32 to index
        %get3A_2191 = arith.constant 0 : index
        %get3A_2192 = tpu.vector_load %arg11[%get3A_2190, %get3A_2191] {strides = array<i32>} : memref<40x128xf32, #tpu.memory_space<vmem>>, vector<1x16xf32>,
        %get3A_2193 = vector.shape_cast %get3A_2192 : vector<1x16xf32> to vector<16xf32>
        %get3A_2194 = arith.index_cast %scan3A_2187 : i32 to index
        %get3A_2195 = arith.constant 16 : index
        %get3A_2196 = tpu.vector_load %arg11[%get3A_2194, %get3A_2195] {strides = array<i32>} : memref<40x128xf32, #tpu.memory_space<vmem>>, vector<1x16xf32>,
        %get3A_2197 = vector.shape_cast %get3A_2196 : vector<1x16xf32> to vector<16xf32>
        %get3A_2198 = arith.index_cast %scan3A_2187 : i32 to index
        %get3A_2199 = arith.constant 0 : index
        %get3A_2200 = tpu.vector_load %arg13[%get3A_2198, %get3A_2199] {strides = array<i32>} : memref<40x128xf32, #tpu.memory_space<vmem>>, vector<1x16xf32>,
        %get3A_2201 = vector.shape_cast %get3A_2200 : vector<1x16xf32> to vector<16xf32>
        %get3A_2202 = arith.index_cast %scan3A_2187 : i32 to index
        %get3A_2203 = arith.constant 16 : index
        %get3A_2204 = tpu.vector_load %arg13[%get3A_2202, %get3A_2203] {strides = array<i32>} : memref<40x128xf32, #tpu.memory_space<vmem>>, vector<1x16xf32>,
        %get3A_2205 = vector.shape_cast %get3A_2204 : vector<1x16xf32> to vector<16xf32>
        %get3A_2206 = arith.index_cast %scan3A_2187 : i32 to index
        %get3A_2207 = arith.constant 0 : index
        %get3A_2208 = tpu.vector_load %arg12[%get3A_2206, %get3A_2207] {strides = array<i32>} : memref<40x256xf32, #tpu.memory_space<vmem>>, vector<1x16xf32>,
        %get3A_2209 = vector.shape_cast %get3A_2208 : vector<1x16xf32> to vector<16xf32>
        %get3A_2210 = arith.index_cast %scan3A_2187 : i32 to index
        %get3A_2211 = arith.constant 16 : index
        %get3A_2212 = tpu.vector_load %arg12[%get3A_2210, %get3A_2211] {strides = array<i32>} : memref<40x256xf32, #tpu.memory_space<vmem>>, vector<1x16xf32>,
        %get3A_2213 = vector.shape_cast %get3A_2212 : vector<1x16xf32> to vector<16xf32>
        %add3A_2214 = arith.addf %get3A_2209, %get3A_2193 : vector<16xf32>
        %mul3A_2215 = arith.mulf %get3A_2201, %add3A_2214 : vector<16xf32>
        %add3A_2216 = arith.addf %get3A_2213, %get3A_2197 : vector<16xf32>
        %mul3A_2217 = arith.mulf %get3A_2205, %add3A_2216 : vector<16xf32>
        %add3A_2218 = arith.addf %mul3A_2215, %mul3A_2217 : vector<16xf32>
        %add3A_2219 = arith.constant 8 : i32
        %add3A_2220 = vector.broadcast %add3A_2219 : i32 to vector<16xi32>
        %add3A_2221 = arith.addi %iota3A, %add3A_2220 : vector<16xi32>
        %jit3A_2222 = arith.constant 16 : i32
        %eq3A_2223 = arith.constant 0 : i32
        %eq3A_2224 = arith.cmpi eq, %jit3A_2222, %eq3A_2223 : i32
        %jit3A_2225 = arith.constant 1 : i32
        %select_n3A_2226 = arith.select %eq3A_2224, %jit3A_2225, %jit3A_2222 : i32
        %rem3A_2227 = vector.broadcast %select_n3A_2226 : i32 to vector<16xi32>
        %rem3A_2228 = arith.remsi %add3A_2221, %rem3A_2227 : vector<16xi32>
        %ne3A_2229 = arith.constant 0 : i32
        %ne3A_2230 = vector.broadcast %ne3A_2229 : i32 to vector<16xi32>
        %ne3A_2231 = arith.cmpi ne, %rem3A_2228, %ne3A_2230 : vector<16xi32>
        %lt3A_2232 = arith.constant 0 : i32
        %lt3A_2233 = vector.broadcast %lt3A_2232 : i32 to vector<16xi32>
        %lt3A_2234 = arith.cmpi slt, %rem3A_2228, %lt3A_2233 : vector<16xi32>
        %lt3A_2235 = arith.constant 0 : i32
        %lt3A_2236 = arith.cmpi slt, %select_n3A_2226, %lt3A_2235 : i32
        %ne3A_2237 = vector.broadcast %lt3A_2236 : i1 to vector<16xi1>
        %ne3A_2238 = vector.broadcast %ne3A_2237 : vector<16xi1> to vector<16xi1>
        %ne3A_2239 = arith.xori %lt3A_2234, %ne3A_2238 : vector<16xi1>
        %and3A_2240 = arith.andi %ne3A_2239, %ne3A_2231 : vector<16xi1>
        %add3A_2241 = vector.broadcast %select_n3A_2226 : i32 to vector<16xi32>
        %add3A_2242 = arith.addi %rem3A_2228, %add3A_2241 : vector<16xi32>
        %select_n3A_2243 = arith.select %and3A_2240, %add3A_2242, %rem3A_2228 : vector<16xi1>, vector<16xi32>
        %broadcast_in_dim3A_2244 = vector.shape_cast %select_n3A_2243 : vector<16xi32> to vector<16x1xi32>
        %gather3A_2245 = vector.shape_cast %broadcast_in_dim3A_2244 : vector<16x1xi32> to vector<16xi32>
        %gather3A_2246 = tpu.dynamic_gather %add3A_2218[%gather3A_2245] in [0] : vector<16xf32>, vector<16xi32> -> vector<16xf32>
        %add3A_2247 = arith.addf %add3A_2218, %gather3A_2246 : vector<16xf32>
        %add3A_2248 = arith.constant 4 : i32
        %add3A_2249 = vector.broadcast %add3A_2248 : i32 to vector<16xi32>
        %add3A_2250 = arith.addi %iota3A, %add3A_2249 : vector<16xi32>
        %jit3A_2251 = arith.constant 16 : i32
        %eq3A_2252 = arith.constant 0 : i32
        %eq3A_2253 = arith.cmpi eq, %jit3A_2251, %eq3A_2252 : i32
        %jit3A_2254 = arith.constant 1 : i32
        %select_n3A_2255 = arith.select %eq3A_2253, %jit3A_2254, %jit3A_2251 : i32
        %rem3A_2256 = vector.broadcast %select_n3A_2255 : i32 to vector<16xi32>
        %rem3A_2257 = arith.remsi %add3A_2250, %rem3A_2256 : vector<16xi32>
        %ne3A_2258 = arith.constant 0 : i32
        %ne3A_2259 = vector.broadcast %ne3A_2258 : i32 to vector<16xi32>
        %ne3A_2260 = arith.cmpi ne, %rem3A_2257, %ne3A_2259 : vector<16xi32>
        %lt3A_2261 = arith.constant 0 : i32
        %lt3A_2262 = vector.broadcast %lt3A_2261 : i32 to vector<16xi32>
        %lt3A_2263 = arith.cmpi slt, %rem3A_2257, %lt3A_2262 : vector<16xi32>
        %lt3A_2264 = arith.constant 0 : i32
        %lt3A_2265 = arith.cmpi slt, %select_n3A_2255, %lt3A_2264 : i32
        %ne3A_2266 = vector.broadcast %lt3A_2265 : i1 to vector<16xi1>
        %ne3A_2267 = vector.broadcast %ne3A_2266 : vector<16xi1> to vector<16xi1>
        %ne3A_2268 = arith.xori %lt3A_2263, %ne3A_2267 : vector<16xi1>
        %and3A_2269 = arith.andi %ne3A_2268, %ne3A_2260 : vector<16xi1>
        %add3A_2270 = vector.broadcast %select_n3A_2255 : i32 to vector<16xi32>
        %add3A_2271 = arith.addi %rem3A_2257, %add3A_2270 : vector<16xi32>
        %select_n3A_2272 = arith.select %and3A_2269, %add3A_2271, %rem3A_2257 : vector<16xi1>, vector<16xi32>
        %broadcast_in_dim3A_2273 = vector.shape_cast %select_n3A_2272 : vector<16xi32> to vector<16x1xi32>
        %gather3A_2274 = vector.shape_cast %broadcast_in_dim3A_2273 : vector<16x1xi32> to vector<16xi32>
        %gather3A_2275 = tpu.dynamic_gather %add3A_2247[%gather3A_2274] in [0] : vector<16xf32>, vector<16xi32> -> vector<16xf32>
        %add3A_2276 = arith.addf %add3A_2247, %gather3A_2275 : vector<16xf32>
        %add3A_2277 = arith.constant 2 : i32
        %add3A_2278 = vector.broadcast %add3A_2277 : i32 to vector<16xi32>
        %add3A_2279 = arith.addi %iota3A, %add3A_2278 : vector<16xi32>
        %jit3A_2280 = arith.constant 16 : i32
        %eq3A_2281 = arith.constant 0 : i32
        %eq3A_2282 = arith.cmpi eq, %jit3A_2280, %eq3A_2281 : i32
        %jit3A_2283 = arith.constant 1 : i32
        %select_n3A_2284 = arith.select %eq3A_2282, %jit3A_2283, %jit3A_2280 : i32
        %rem3A_2285 = vector.broadcast %select_n3A_2284 : i32 to vector<16xi32>
        %rem3A_2286 = arith.remsi %add3A_2279, %rem3A_2285 : vector<16xi32>
        %ne3A_2287 = arith.constant 0 : i32
        %ne3A_2288 = vector.broadcast %ne3A_2287 : i32 to vector<16xi32>
        %ne3A_2289 = arith.cmpi ne, %rem3A_2286, %ne3A_2288 : vector<16xi32>
        %lt3A_2290 = arith.constant 0 : i32
        %lt3A_2291 = vector.broadcast %lt3A_2290 : i32 to vector<16xi32>
        %lt3A_2292 = arith.cmpi slt, %rem3A_2286, %lt3A_2291 : vector<16xi32>
        %lt3A_2293 = arith.constant 0 : i32
        %lt3A_2294 = arith.cmpi slt, %select_n3A_2284, %lt3A_2293 : i32
        %ne3A_2295 = vector.broadcast %lt3A_2294 : i1 to vector<16xi1>
        %ne3A_2296 = vector.broadcast %ne3A_2295 : vector<16xi1> to vector<16xi1>
        %ne3A_2297 = arith.xori %lt3A_2292, %ne3A_2296 : vector<16xi1>
        %and3A_2298 = arith.andi %ne3A_2297, %ne3A_2289 : vector<16xi1>
        %add3A_2299 = vector.broadcast %select_n3A_2284 : i32 to vector<16xi32>
        %add3A_2300 = arith.addi %rem3A_2286, %add3A_2299 : vector<16xi32>
        %select_n3A_2301 = arith.select %and3A_2298, %add3A_2300, %rem3A_2286 : vector<16xi1>, vector<16xi32>
        %broadcast_in_dim3A_2302 = vector.shape_cast %select_n3A_2301 : vector<16xi32> to vector<16x1xi32>
        %gather3A_2303 = vector.shape_cast %broadcast_in_dim3A_2302 : vector<16x1xi32> to vector<16xi32>
        %gather3A_2304 = tpu.dynamic_gather %add3A_2276[%gather3A_2303] in [0] : vector<16xf32>, vector<16xi32> -> vector<16xf32>
        %add3A_2305 = arith.addf %add3A_2276, %gather3A_2304 : vector<16xf32>
        %add3A_2306 = arith.constant 1 : i32
        %add3A_2307 = vector.broadcast %add3A_2306 : i32 to vector<16xi32>
        %add3A_2308 = arith.addi %iota3A, %add3A_2307 : vector<16xi32>
        %jit3A_2309 = arith.constant 16 : i32
        %eq3A_2310 = arith.constant 0 : i32
        %eq3A_2311 = arith.cmpi eq, %jit3A_2309, %eq3A_2310 : i32
        %jit3A_2312 = arith.constant 1 : i32
        %select_n3A_2313 = arith.select %eq3A_2311, %jit3A_2312, %jit3A_2309 : i32
        %rem3A_2314 = vector.broadcast %select_n3A_2313 : i32 to vector<16xi32>
        %rem3A_2315 = arith.remsi %add3A_2308, %rem3A_2314 : vector<16xi32>
        %ne3A_2316 = arith.constant 0 : i32
        %ne3A_2317 = vector.broadcast %ne3A_2316 : i32 to vector<16xi32>
        %ne3A_2318 = arith.cmpi ne, %rem3A_2315, %ne3A_2317 : vector<16xi32>
        %lt3A_2319 = arith.constant 0 : i32
        %lt3A_2320 = vector.broadcast %lt3A_2319 : i32 to vector<16xi32>
        %lt3A_2321 = arith.cmpi slt, %rem3A_2315, %lt3A_2320 : vector<16xi32>
        %lt3A_2322 = arith.constant 0 : i32
        %lt3A_2323 = arith.cmpi slt, %select_n3A_2313, %lt3A_2322 : i32
        %ne3A_2324 = vector.broadcast %lt3A_2323 : i1 to vector<16xi1>
        %ne3A_2325 = vector.broadcast %ne3A_2324 : vector<16xi1> to vector<16xi1>
        %ne3A_2326 = arith.xori %lt3A_2321, %ne3A_2325 : vector<16xi1>
        %and3A_2327 = arith.andi %ne3A_2326, %ne3A_2318 : vector<16xi1>
        %add3A_2328 = vector.broadcast %select_n3A_2313 : i32 to vector<16xi32>
        %add3A_2329 = arith.addi %rem3A_2315, %add3A_2328 : vector<16xi32>
        %select_n3A_2330 = arith.select %and3A_2327, %add3A_2329, %rem3A_2315 : vector<16xi1>, vector<16xi32>
        %broadcast_in_dim3A_2331 = vector.shape_cast %select_n3A_2330 : vector<16xi32> to vector<16x1xi32>
        %gather3A_2332 = vector.shape_cast %broadcast_in_dim3A_2331 : vector<16x1xi32> to vector<16xi32>
        %gather3A_2333 = tpu.dynamic_gather %add3A_2305[%gather3A_2332] in [0] : vector<16xf32>, vector<16xi32> -> vector<16xf32>
        %add3A_2334 = arith.addf %add3A_2305, %gather3A_2333 : vector<16xf32>
        %min3A_2335 = arith.constant 6.000000e+01 : f32
        %min3A_2336 = vector.broadcast %min3A_2335 : f32 to vector<16xf32>
        %min3A_2337 = arith.minimumf %add3A_2334, %min3A_2336 : vector<16xf32>
        %exp3A_2338 = math.exp %min3A_2337 : vector<16xf32>
        %get3A_2339 = arith.index_cast %scan3A_2187 : i32 to index
        %get3A_2340 = arith.constant 128 : index
        %get3A_2341 = tpu.vector_load %arg12[%get3A_2339, %get3A_2340] {strides = array<i32>} : memref<40x256xf32, #tpu.memory_space<vmem>>, vector<1x16xf32>,
        %get3A_2342 = vector.shape_cast %get3A_2341 : vector<1x16xf32> to vector<16xf32>
        %get3A_2343 = arith.index_cast %scan3A_2187 : i32 to index
        %get3A_2344 = arith.constant 144 : index
        %get3A_2345 = tpu.vector_load %arg12[%get3A_2343, %get3A_2344] {strides = array<i32>} : memref<40x256xf32, #tpu.memory_space<vmem>>, vector<1x16xf32>,
        %get3A_2346 = vector.shape_cast %get3A_2345 : vector<1x16xf32> to vector<16xf32>
        %add3A_2347 = arith.addf %get3A_2342, %get3A_2193 : vector<16xf32>
        %mul3A_2348 = arith.mulf %exp3A_2338, %add3A_2347 : vector<16xf32>
        %swap3A_2349 = arith.index_cast %scan3A_2187 : i32 to index
        %swap3A_2350 = arith.constant 0 : index
        %swap3A_2351 = tpu.vector_load %arg14[%swap3A_2349, %swap3A_2350] {strides = array<i32>} : memref<40x144xf32, #tpu.memory_space<vmem>>, vector<1x16xf32>,
        %swap3A_2352 = vector.shape_cast %swap3A_2351 : vector<1x16xf32> to vector<16xf32>
        %swap3A_2353 = vector.shape_cast %mul3A_2348 : vector<16xf32> to vector<1x16xf32>
        tpu.vector_store %arg14[%swap3A_2349, %swap3A_2350], %swap3A_2353 {strides = array<i32>} : memref<40x144xf32, #tpu.memory_space<vmem>>, vector<1x16xf32>,
        %add3A_2354 = arith.addf %get3A_2346, %get3A_2197 : vector<16xf32>
        %mul3A_2355 = arith.mulf %exp3A_2338, %add3A_2354 : vector<16xf32>
        %swap3A_2356 = arith.index_cast %scan3A_2187 : i32 to index
        %swap3A_2357 = arith.constant 16 : index
        %swap3A_2358 = tpu.vector_load %arg14[%swap3A_2356, %swap3A_2357] {strides = array<i32>} : memref<40x144xf32, #tpu.memory_space<vmem>>, vector<1x16xf32>,
        %swap3A_2359 = vector.shape_cast %swap3A_2358 : vector<1x16xf32> to vector<16xf32>
        %swap3A_2360 = vector.shape_cast %mul3A_2355 : vector<16xf32> to vector<1x16xf32>
        tpu.vector_store %arg14[%swap3A_2356, %swap3A_2357], %swap3A_2360 {strides = array<i32>} : memref<40x144xf32, #tpu.memory_space<vmem>>, vector<1x16xf32>,
        %eq3A_2361 = arith.constant 0 : i32
        %eq3A_2362 = vector.broadcast %eq3A_2361 : i32 to vector<16xi32>
        %eq3A_2363 = arith.cmpi eq, %iota3A, %eq3A_2362 : vector<16xi32>
        %select_n3A_2364 = arith.select %eq3A_2363, %exp3A_2338, %broadcast_in_dim3A_2189 : vector<16xi1>, vector<16xf32>
        %get3A_2365 = arith.index_cast %scan3A_2187 : i32 to index
        %get3A_2366 = arith.constant 32 : index
        %get3A_2367 = tpu.vector_load %arg11[%get3A_2365, %get3A_2366] {strides = array<i32>} : memref<40x128xf32, #tpu.memory_space<vmem>>, vector<1x16xf32>,
        %get3A_2368 = vector.shape_cast %get3A_2367 : vector<1x16xf32> to vector<16xf32>
        %get3A_2369 = arith.index_cast %scan3A_2187 : i32 to index
        %get3A_2370 = arith.constant 48 : index
        %get3A_2371 = tpu.vector_load %arg11[%get3A_2369, %get3A_2370] {strides = array<i32>} : memref<40x128xf32, #tpu.memory_space<vmem>>, vector<1x16xf32>,
        %get3A_2372 = vector.shape_cast %get3A_2371 : vector<1x16xf32> to vector<16xf32>
        %get3A_2373 = arith.index_cast %scan3A_2187 : i32 to index
        %get3A_2374 = arith.constant 32 : index
        %get3A_2375 = tpu.vector_load %arg13[%get3A_2373, %get3A_2374] {strides = array<i32>} : memref<40x128xf32, #tpu.memory_space<vmem>>, vector<1x16xf32>,
        %get3A_2376 = vector.shape_cast %get3A_2375 : vector<1x16xf32> to vector<16xf32>
        %get3A_2377 = arith.index_cast %scan3A_2187 : i32 to index
        %get3A_2378 = arith.constant 48 : index
        %get3A_2379 = tpu.vector_load %arg13[%get3A_2377, %get3A_2378] {strides = array<i32>} : memref<40x128xf32, #tpu.memory_space<vmem>>, vector<1x16xf32>,
        %get3A_2380 = vector.shape_cast %get3A_2379 : vector<1x16xf32> to vector<16xf32>
        %get3A_2381 = arith.index_cast %scan3A_2187 : i32 to index
        %get3A_2382 = arith.constant 32 : index
        %get3A_2383 = tpu.vector_load %arg12[%get3A_2381, %get3A_2382] {strides = array<i32>} : memref<40x256xf32, #tpu.memory_space<vmem>>, vector<1x16xf32>,
        %get3A_2384 = vector.shape_cast %get3A_2383 : vector<1x16xf32> to vector<16xf32>
        %get3A_2385 = arith.index_cast %scan3A_2187 : i32 to index
        %get3A_2386 = arith.constant 48 : index
        %get3A_2387 = tpu.vector_load %arg12[%get3A_2385, %get3A_2386] {strides = array<i32>} : memref<40x256xf32, #tpu.memory_space<vmem>>, vector<1x16xf32>,
        %get3A_2388 = vector.shape_cast %get3A_2387 : vector<1x16xf32> to vector<16xf32>
        %add3A_2389 = arith.addf %get3A_2384, %get3A_2368 : vector<16xf32>
        %mul3A_2390 = arith.mulf %get3A_2376, %add3A_2389 : vector<16xf32>
        %add3A_2391 = arith.addf %get3A_2388, %get3A_2372 : vector<16xf32>
        %mul3A_2392 = arith.mulf %get3A_2380, %add3A_2391 : vector<16xf32>
        %add3A_2393 = arith.addf %mul3A_2390, %mul3A_2392 : vector<16xf32>
        %add3A_2394 = arith.constant 8 : i32
        %add3A_2395 = vector.broadcast %add3A_2394 : i32 to vector<16xi32>
        %add3A_2396 = arith.addi %iota3A, %add3A_2395 : vector<16xi32>
        %jit3A_2397 = arith.constant 16 : i32
        %eq3A_2398 = arith.constant 0 : i32
        %eq3A_2399 = arith.cmpi eq, %jit3A_2397, %eq3A_2398 : i32
        %jit3A_2400 = arith.constant 1 : i32
        %select_n3A_2401 = arith.select %eq3A_2399, %jit3A_2400, %jit3A_2397 : i32
        %rem3A_2402 = vector.broadcast %select_n3A_2401 : i32 to vector<16xi32>
        %rem3A_2403 = arith.remsi %add3A_2396, %rem3A_2402 : vector<16xi32>
        %ne3A_2404 = arith.constant 0 : i32
        %ne3A_2405 = vector.broadcast %ne3A_2404 : i32 to vector<16xi32>
        %ne3A_2406 = arith.cmpi ne, %rem3A_2403, %ne3A_2405 : vector<16xi32>
        %lt3A_2407 = arith.constant 0 : i32
        %lt3A_2408 = vector.broadcast %lt3A_2407 : i32 to vector<16xi32>
        %lt3A_2409 = arith.cmpi slt, %rem3A_2403, %lt3A_2408 : vector<16xi32>
        %lt3A_2410 = arith.constant 0 : i32
        %lt3A_2411 = arith.cmpi slt, %select_n3A_2401, %lt3A_2410 : i32
        %ne3A_2412 = vector.broadcast %lt3A_2411 : i1 to vector<16xi1>
        %ne3A_2413 = vector.broadcast %ne3A_2412 : vector<16xi1> to vector<16xi1>
        %ne3A_2414 = arith.xori %lt3A_2409, %ne3A_2413 : vector<16xi1>
        %and3A_2415 = arith.andi %ne3A_2414, %ne3A_2406 : vector<16xi1>
        %add3A_2416 = vector.broadcast %select_n3A_2401 : i32 to vector<16xi32>
        %add3A_2417 = arith.addi %rem3A_2403, %add3A_2416 : vector<16xi32>
        %select_n3A_2418 = arith.select %and3A_2415, %add3A_2417, %rem3A_2403 : vector<16xi1>, vector<16xi32>
        %broadcast_in_dim3A_2419 = vector.shape_cast %select_n3A_2418 : vector<16xi32> to vector<16x1xi32>
        %gather3A_2420 = vector.shape_cast %broadcast_in_dim3A_2419 : vector<16x1xi32> to vector<16xi32>
        %gather3A_2421 = tpu.dynamic_gather %add3A_2393[%gather3A_2420] in [0] : vector<16xf32>, vector<16xi32> -> vector<16xf32>
        %add3A_2422 = arith.addf %add3A_2393, %gather3A_2421 : vector<16xf32>
        %add3A_2423 = arith.constant 4 : i32
        %add3A_2424 = vector.broadcast %add3A_2423 : i32 to vector<16xi32>
        %add3A_2425 = arith.addi %iota3A, %add3A_2424 : vector<16xi32>
        %jit3A_2426 = arith.constant 16 : i32
        %eq3A_2427 = arith.constant 0 : i32
        %eq3A_2428 = arith.cmpi eq, %jit3A_2426, %eq3A_2427 : i32
        %jit3A_2429 = arith.constant 1 : i32
        %select_n3A_2430 = arith.select %eq3A_2428, %jit3A_2429, %jit3A_2426 : i32
        %rem3A_2431 = vector.broadcast %select_n3A_2430 : i32 to vector<16xi32>
        %rem3A_2432 = arith.remsi %add3A_2425, %rem3A_2431 : vector<16xi32>
        %ne3A_2433 = arith.constant 0 : i32
        %ne3A_2434 = vector.broadcast %ne3A_2433 : i32 to vector<16xi32>
        %ne3A_2435 = arith.cmpi ne, %rem3A_2432, %ne3A_2434 : vector<16xi32>
        %lt3A_2436 = arith.constant 0 : i32
        %lt3A_2437 = vector.broadcast %lt3A_2436 : i32 to vector<16xi32>
        %lt3A_2438 = arith.cmpi slt, %rem3A_2432, %lt3A_2437 : vector<16xi32>
        %lt3A_2439 = arith.constant 0 : i32
        %lt3A_2440 = arith.cmpi slt, %select_n3A_2430, %lt3A_2439 : i32
        %ne3A_2441 = vector.broadcast %lt3A_2440 : i1 to vector<16xi1>
        %ne3A_2442 = vector.broadcast %ne3A_2441 : vector<16xi1> to vector<16xi1>
        %ne3A_2443 = arith.xori %lt3A_2438, %ne3A_2442 : vector<16xi1>
        %and3A_2444 = arith.andi %ne3A_2443, %ne3A_2435 : vector<16xi1>
        %add3A_2445 = vector.broadcast %select_n3A_2430 : i32 to vector<16xi32>
        %add3A_2446 = arith.addi %rem3A_2432, %add3A_2445 : vector<16xi32>
        %select_n3A_2447 = arith.select %and3A_2444, %add3A_2446, %rem3A_2432 : vector<16xi1>, vector<16xi32>
        %broadcast_in_dim3A_2448 = vector.shape_cast %select_n3A_2447 : vector<16xi32> to vector<16x1xi32>
        %gather3A_2449 = vector.shape_cast %broadcast_in_dim3A_2448 : vector<16x1xi32> to vector<16xi32>
        %gather3A_2450 = tpu.dynamic_gather %add3A_2422[%gather3A_2449] in [0] : vector<16xf32>, vector<16xi32> -> vector<16xf32>
        %add3A_2451 = arith.addf %add3A_2422, %gather3A_2450 : vector<16xf32>
        %add3A_2452 = arith.constant 2 : i32
        %add3A_2453 = vector.broadcast %add3A_2452 : i32 to vector<16xi32>
        %add3A_2454 = arith.addi %iota3A, %add3A_2453 : vector<16xi32>
        %jit3A_2455 = arith.constant 16 : i32
        %eq3A_2456 = arith.constant 0 : i32
        %eq3A_2457 = arith.cmpi eq, %jit3A_2455, %eq3A_2456 : i32
        %jit3A_2458 = arith.constant 1 : i32
        %select_n3A_2459 = arith.select %eq3A_2457, %jit3A_2458, %jit3A_2455 : i32
        %rem3A_2460 = vector.broadcast %select_n3A_2459 : i32 to vector<16xi32>
        %rem3A_2461 = arith.remsi %add3A_2454, %rem3A_2460 : vector<16xi32>
        %ne3A_2462 = arith.constant 0 : i32
        %ne3A_2463 = vector.broadcast %ne3A_2462 : i32 to vector<16xi32>
        %ne3A_2464 = arith.cmpi ne, %rem3A_2461, %ne3A_2463 : vector<16xi32>
        %lt3A_2465 = arith.constant 0 : i32
        %lt3A_2466 = vector.broadcast %lt3A_2465 : i32 to vector<16xi32>
        %lt3A_2467 = arith.cmpi slt, %rem3A_2461, %lt3A_2466 : vector<16xi32>
        %lt3A_2468 = arith.constant 0 : i32
        %lt3A_2469 = arith.cmpi slt, %select_n3A_2459, %lt3A_2468 : i32
        %ne3A_2470 = vector.broadcast %lt3A_2469 : i1 to vector<16xi1>
        %ne3A_2471 = vector.broadcast %ne3A_2470 : vector<16xi1> to vector<16xi1>
        %ne3A_2472 = arith.xori %lt3A_2467, %ne3A_2471 : vector<16xi1>
        %and3A_2473 = arith.andi %ne3A_2472, %ne3A_2464 : vector<16xi1>
        %add3A_2474 = vector.broadcast %select_n3A_2459 : i32 to vector<16xi32>
        %add3A_2475 = arith.addi %rem3A_2461, %add3A_2474 : vector<16xi32>
        %select_n3A_2476 = arith.select %and3A_2473, %add3A_2475, %rem3A_2461 : vector<16xi1>, vector<16xi32>
        %broadcast_in_dim3A_2477 = vector.shape_cast %select_n3A_2476 : vector<16xi32> to vector<16x1xi32>
        %gather3A_2478 = vector.shape_cast %broadcast_in_dim3A_2477 : vector<16x1xi32> to vector<16xi32>
        %gather3A_2479 = tpu.dynamic_gather %add3A_2451[%gather3A_2478] in [0] : vector<16xf32>, vector<16xi32> -> vector<16xf32>
        %add3A_2480 = arith.addf %add3A_2451, %gather3A_2479 : vector<16xf32>
        %add3A_2481 = arith.constant 1 : i32
        %add3A_2482 = vector.broadcast %add3A_2481 : i32 to vector<16xi32>
        %add3A_2483 = arith.addi %iota3A, %add3A_2482 : vector<16xi32>
        %jit3A_2484 = arith.constant 16 : i32
        %eq3A_2485 = arith.constant 0 : i32
        %eq3A_2486 = arith.cmpi eq, %jit3A_2484, %eq3A_2485 : i32
        %jit3A_2487 = arith.constant 1 : i32
        %select_n3A_2488 = arith.select %eq3A_2486, %jit3A_2487, %jit3A_2484 : i32
        %rem3A_2489 = vector.broadcast %select_n3A_2488 : i32 to vector<16xi32>
        %rem3A_2490 = arith.remsi %add3A_2483, %rem3A_2489 : vector<16xi32>
        %ne3A_2491 = arith.constant 0 : i32
        %ne3A_2492 = vector.broadcast %ne3A_2491 : i32 to vector<16xi32>
        %ne3A_2493 = arith.cmpi ne, %rem3A_2490, %ne3A_2492 : vector<16xi32>
        %lt3A_2494 = arith.constant 0 : i32
        %lt3A_2495 = vector.broadcast %lt3A_2494 : i32 to vector<16xi32>
        %lt3A_2496 = arith.cmpi slt, %rem3A_2490, %lt3A_2495 : vector<16xi32>
        %lt3A_2497 = arith.constant 0 : i32
        %lt3A_2498 = arith.cmpi slt, %select_n3A_2488, %lt3A_2497 : i32
        %ne3A_2499 = vector.broadcast %lt3A_2498 : i1 to vector<16xi1>
        %ne3A_2500 = vector.broadcast %ne3A_2499 : vector<16xi1> to vector<16xi1>
        %ne3A_2501 = arith.xori %lt3A_2496, %ne3A_2500 : vector<16xi1>
        %and3A_2502 = arith.andi %ne3A_2501, %ne3A_2493 : vector<16xi1>
        %add3A_2503 = vector.broadcast %select_n3A_2488 : i32 to vector<16xi32>
        %add3A_2504 = arith.addi %rem3A_2490, %add3A_2503 : vector<16xi32>
        %select_n3A_2505 = arith.select %and3A_2502, %add3A_2504, %rem3A_2490 : vector<16xi1>, vector<16xi32>
        %broadcast_in_dim3A_2506 = vector.shape_cast %select_n3A_2505 : vector<16xi32> to vector<16x1xi32>
        %gather3A_2507 = vector.shape_cast %broadcast_in_dim3A_2506 : vector<16x1xi32> to vector<16xi32>
        %gather3A_2508 = tpu.dynamic_gather %add3A_2480[%gather3A_2507] in [0] : vector<16xf32>, vector<16xi32> -> vector<16xf32>
        %add3A_2509 = arith.addf %add3A_2480, %gather3A_2508 : vector<16xf32>
        %min3A_2510 = arith.constant 6.000000e+01 : f32
        %min3A_2511 = vector.broadcast %min3A_2510 : f32 to vector<16xf32>
        %min3A_2512 = arith.minimumf %add3A_2509, %min3A_2511 : vector<16xf32>
        %exp3A_2513 = math.exp %min3A_2512 : vector<16xf32>
        %get3A_2514 = arith.index_cast %scan3A_2187 : i32 to index
        %get3A_2515 = arith.constant 160 : index
        %get3A_2516 = tpu.vector_load %arg12[%get3A_2514, %get3A_2515] {strides = array<i32>} : memref<40x256xf32, #tpu.memory_space<vmem>>, vector<1x16xf32>,
        %get3A_2517 = vector.shape_cast %get3A_2516 : vector<1x16xf32> to vector<16xf32>
        %get3A_2518 = arith.index_cast %scan3A_2187 : i32 to index
        %get3A_2519 = arith.constant 176 : index
        %get3A_2520 = tpu.vector_load %arg12[%get3A_2518, %get3A_2519] {strides = array<i32>} : memref<40x256xf32, #tpu.memory_space<vmem>>, vector<1x16xf32>,
        %get3A_2521 = vector.shape_cast %get3A_2520 : vector<1x16xf32> to vector<16xf32>
        %add3A_2522 = arith.addf %get3A_2517, %get3A_2368 : vector<16xf32>
        %mul3A_2523 = arith.mulf %exp3A_2513, %add3A_2522 : vector<16xf32>
        %swap3A_2524 = arith.index_cast %scan3A_2187 : i32 to index
        %swap3A_2525 = arith.constant 32 : index
        %swap3A_2526 = tpu.vector_load %arg14[%swap3A_2524, %swap3A_2525] {strides = array<i32>} : memref<40x144xf32, #tpu.memory_space<vmem>>, vector<1x16xf32>,
        %swap3A_2527 = vector.shape_cast %swap3A_2526 : vector<1x16xf32> to vector<16xf32>
        %swap3A_2528 = vector.shape_cast %mul3A_2523 : vector<16xf32> to vector<1x16xf32>
        tpu.vector_store %arg14[%swap3A_2524, %swap3A_2525], %swap3A_2528 {strides = array<i32>} : memref<40x144xf32, #tpu.memory_space<vmem>>, vector<1x16xf32>,
        %add3A_2529 = arith.addf %get3A_2521, %get3A_2372 : vector<16xf32>
        %mul3A_2530 = arith.mulf %exp3A_2513, %add3A_2529 : vector<16xf32>
        %swap3A_2531 = arith.index_cast %scan3A_2187 : i32 to index
        %swap3A_2532 = arith.constant 48 : index
        %swap3A_2533 = tpu.vector_load %arg14[%swap3A_2531, %swap3A_2532] {strides = array<i32>} : memref<40x144xf32, #tpu.memory_space<vmem>>, vector<1x16xf32>,
        %swap3A_2534 = vector.shape_cast %swap3A_2533 : vector<1x16xf32> to vector<16xf32>
        %swap3A_2535 = vector.shape_cast %mul3A_2530 : vector<16xf32> to vector<1x16xf32>
        tpu.vector_store %arg14[%swap3A_2531, %swap3A_2532], %swap3A_2535 {strides = array<i32>} : memref<40x144xf32, #tpu.memory_space<vmem>>, vector<1x16xf32>,
        %eq3A_2536 = arith.constant 1 : i32
        %eq3A_2537 = vector.broadcast %eq3A_2536 : i32 to vector<16xi32>
        %eq3A_2538 = arith.cmpi eq, %iota3A, %eq3A_2537 : vector<16xi32>
        %select_n3A_2539 = arith.select %eq3A_2538, %exp3A_2513, %select_n3A_2364 : vector<16xi1>, vector<16xf32>
        %get3A_2540 = arith.index_cast %scan3A_2187 : i32 to index
        %get3A_2541 = arith.constant 64 : index
        %get3A_2542 = tpu.vector_load %arg11[%get3A_2540, %get3A_2541] {strides = array<i32>} : memref<40x128xf32, #tpu.memory_space<vmem>>, vector<1x16xf32>,
        %get3A_2543 = vector.shape_cast %get3A_2542 : vector<1x16xf32> to vector<16xf32>
        %get3A_2544 = arith.index_cast %scan3A_2187 : i32 to index
        %get3A_2545 = arith.constant 80 : index
        %get3A_2546 = tpu.vector_load %arg11[%get3A_2544, %get3A_2545] {strides = array<i32>} : memref<40x128xf32, #tpu.memory_space<vmem>>, vector<1x16xf32>,
        %get3A_2547 = vector.shape_cast %get3A_2546 : vector<1x16xf32> to vector<16xf32>
        %get3A_2548 = arith.index_cast %scan3A_2187 : i32 to index
        %get3A_2549 = arith.constant 64 : index
        %get3A_2550 = tpu.vector_load %arg13[%get3A_2548, %get3A_2549] {strides = array<i32>} : memref<40x128xf32, #tpu.memory_space<vmem>>, vector<1x16xf32>,
        %get3A_2551 = vector.shape_cast %get3A_2550 : vector<1x16xf32> to vector<16xf32>
        %get3A_2552 = arith.index_cast %scan3A_2187 : i32 to index
        %get3A_2553 = arith.constant 80 : index
        %get3A_2554 = tpu.vector_load %arg13[%get3A_2552, %get3A_2553] {strides = array<i32>} : memref<40x128xf32, #tpu.memory_space<vmem>>, vector<1x16xf32>,
        %get3A_2555 = vector.shape_cast %get3A_2554 : vector<1x16xf32> to vector<16xf32>
        %get3A_2556 = arith.index_cast %scan3A_2187 : i32 to index
        %get3A_2557 = arith.constant 64 : index
        %get3A_2558 = tpu.vector_load %arg12[%get3A_2556, %get3A_2557] {strides = array<i32>} : memref<40x256xf32, #tpu.memory_space<vmem>>, vector<1x16xf32>,
        %get3A_2559 = vector.shape_cast %get3A_2558 : vector<1x16xf32> to vector<16xf32>
        %get3A_2560 = arith.index_cast %scan3A_2187 : i32 to index
        %get3A_2561 = arith.constant 80 : index
        %get3A_2562 = tpu.vector_load %arg12[%get3A_2560, %get3A_2561] {strides = array<i32>} : memref<40x256xf32, #tpu.memory_space<vmem>>, vector<1x16xf32>,
        %get3A_2563 = vector.shape_cast %get3A_2562 : vector<1x16xf32> to vector<16xf32>
        %add3A_2564 = arith.addf %get3A_2559, %get3A_2543 : vector<16xf32>
        %mul3A_2565 = arith.mulf %get3A_2551, %add3A_2564 : vector<16xf32>
        %add3A_2566 = arith.addf %get3A_2563, %get3A_2547 : vector<16xf32>
        %mul3A_2567 = arith.mulf %get3A_2555, %add3A_2566 : vector<16xf32>
        %add3A_2568 = arith.addf %mul3A_2565, %mul3A_2567 : vector<16xf32>
        %add3A_2569 = arith.constant 8 : i32
        %add3A_2570 = vector.broadcast %add3A_2569 : i32 to vector<16xi32>
        %add3A_2571 = arith.addi %iota3A, %add3A_2570 : vector<16xi32>
        %jit3A_2572 = arith.constant 16 : i32
        %eq3A_2573 = arith.constant 0 : i32
        %eq3A_2574 = arith.cmpi eq, %jit3A_2572, %eq3A_2573 : i32
        %jit3A_2575 = arith.constant 1 : i32
        %select_n3A_2576 = arith.select %eq3A_2574, %jit3A_2575, %jit3A_2572 : i32
        %rem3A_2577 = vector.broadcast %select_n3A_2576 : i32 to vector<16xi32>
        %rem3A_2578 = arith.remsi %add3A_2571, %rem3A_2577 : vector<16xi32>
        %ne3A_2579 = arith.constant 0 : i32
        %ne3A_2580 = vector.broadcast %ne3A_2579 : i32 to vector<16xi32>
        %ne3A_2581 = arith.cmpi ne, %rem3A_2578, %ne3A_2580 : vector<16xi32>
        %lt3A_2582 = arith.constant 0 : i32
        %lt3A_2583 = vector.broadcast %lt3A_2582 : i32 to vector<16xi32>
        %lt3A_2584 = arith.cmpi slt, %rem3A_2578, %lt3A_2583 : vector<16xi32>
        %lt3A_2585 = arith.constant 0 : i32
        %lt3A_2586 = arith.cmpi slt, %select_n3A_2576, %lt3A_2585 : i32
        %ne3A_2587 = vector.broadcast %lt3A_2586 : i1 to vector<16xi1>
        %ne3A_2588 = vector.broadcast %ne3A_2587 : vector<16xi1> to vector<16xi1>
        %ne3A_2589 = arith.xori %lt3A_2584, %ne3A_2588 : vector<16xi1>
        %and3A_2590 = arith.andi %ne3A_2589, %ne3A_2581 : vector<16xi1>
        %add3A_2591 = vector.broadcast %select_n3A_2576 : i32 to vector<16xi32>
        %add3A_2592 = arith.addi %rem3A_2578, %add3A_2591 : vector<16xi32>
        %select_n3A_2593 = arith.select %and3A_2590, %add3A_2592, %rem3A_2578 : vector<16xi1>, vector<16xi32>
        %broadcast_in_dim3A_2594 = vector.shape_cast %select_n3A_2593 : vector<16xi32> to vector<16x1xi32>
        %gather3A_2595 = vector.shape_cast %broadcast_in_dim3A_2594 : vector<16x1xi32> to vector<16xi32>
        %gather3A_2596 = tpu.dynamic_gather %add3A_2568[%gather3A_2595] in [0] : vector<16xf32>, vector<16xi32> -> vector<16xf32>
        %add3A_2597 = arith.addf %add3A_2568, %gather3A_2596 : vector<16xf32>
        %add3A_2598 = arith.constant 4 : i32
        %add3A_2599 = vector.broadcast %add3A_2598 : i32 to vector<16xi32>
        %add3A_2600 = arith.addi %iota3A, %add3A_2599 : vector<16xi32>
        %jit3A_2601 = arith.constant 16 : i32
        %eq3A_2602 = arith.constant 0 : i32
        %eq3A_2603 = arith.cmpi eq, %jit3A_2601, %eq3A_2602 : i32
        %jit3A_2604 = arith.constant 1 : i32
        %select_n3A_2605 = arith.select %eq3A_2603, %jit3A_2604, %jit3A_2601 : i32
        %rem3A_2606 = vector.broadcast %select_n3A_2605 : i32 to vector<16xi32>
        %rem3A_2607 = arith.remsi %add3A_2600, %rem3A_2606 : vector<16xi32>
        %ne3A_2608 = arith.constant 0 : i32
        %ne3A_2609 = vector.broadcast %ne3A_2608 : i32 to vector<16xi32>
        %ne3A_2610 = arith.cmpi ne, %rem3A_2607, %ne3A_2609 : vector<16xi32>
        %lt3A_2611 = arith.constant 0 : i32
        %lt3A_2612 = vector.broadcast %lt3A_2611 : i32 to vector<16xi32>
        %lt3A_2613 = arith.cmpi slt, %rem3A_2607, %lt3A_2612 : vector<16xi32>
        %lt3A_2614 = arith.constant 0 : i32
        %lt3A_2615 = arith.cmpi slt, %select_n3A_2605, %lt3A_2614 : i32
        %ne3A_2616 = vector.broadcast %lt3A_2615 : i1 to vector<16xi1>
        %ne3A_2617 = vector.broadcast %ne3A_2616 : vector<16xi1> to vector<16xi1>
        %ne3A_2618 = arith.xori %lt3A_2613, %ne3A_2617 : vector<16xi1>
        %and3A_2619 = arith.andi %ne3A_2618, %ne3A_2610 : vector<16xi1>
        %add3A_2620 = vector.broadcast %select_n3A_2605 : i32 to vector<16xi32>
        %add3A_2621 = arith.addi %rem3A_2607, %add3A_2620 : vector<16xi32>
        %select_n3A_2622 = arith.select %and3A_2619, %add3A_2621, %rem3A_2607 : vector<16xi1>, vector<16xi32>
        %broadcast_in_dim3A_2623 = vector.shape_cast %select_n3A_2622 : vector<16xi32> to vector<16x1xi32>
        %gather3A_2624 = vector.shape_cast %broadcast_in_dim3A_2623 : vector<16x1xi32> to vector<16xi32>
        %gather3A_2625 = tpu.dynamic_gather %add3A_2597[%gather3A_2624] in [0] : vector<16xf32>, vector<16xi32> -> vector<16xf32>
        %add3A_2626 = arith.addf %add3A_2597, %gather3A_2625 : vector<16xf32>
        %add3A_2627 = arith.constant 2 : i32
        %add3A_2628 = vector.broadcast %add3A_2627 : i32 to vector<16xi32>
        %add3A_2629 = arith.addi %iota3A, %add3A_2628 : vector<16xi32>
        %jit3A_2630 = arith.constant 16 : i32
        %eq3A_2631 = arith.constant 0 : i32
        %eq3A_2632 = arith.cmpi eq, %jit3A_2630, %eq3A_2631 : i32
        %jit3A_2633 = arith.constant 1 : i32
        %select_n3A_2634 = arith.select %eq3A_2632, %jit3A_2633, %jit3A_2630 : i32
        %rem3A_2635 = vector.broadcast %select_n3A_2634 : i32 to vector<16xi32>
        %rem3A_2636 = arith.remsi %add3A_2629, %rem3A_2635 : vector<16xi32>
        %ne3A_2637 = arith.constant 0 : i32
        %ne3A_2638 = vector.broadcast %ne3A_2637 : i32 to vector<16xi32>
        %ne3A_2639 = arith.cmpi ne, %rem3A_2636, %ne3A_2638 : vector<16xi32>
        %lt3A_2640 = arith.constant 0 : i32
        %lt3A_2641 = vector.broadcast %lt3A_2640 : i32 to vector<16xi32>
        %lt3A_2642 = arith.cmpi slt, %rem3A_2636, %lt3A_2641 : vector<16xi32>
        %lt3A_2643 = arith.constant 0 : i32
        %lt3A_2644 = arith.cmpi slt, %select_n3A_2634, %lt3A_2643 : i32
        %ne3A_2645 = vector.broadcast %lt3A_2644 : i1 to vector<16xi1>
        %ne3A_2646 = vector.broadcast %ne3A_2645 : vector<16xi1> to vector<16xi1>
        %ne3A_2647 = arith.xori %lt3A_2642, %ne3A_2646 : vector<16xi1>
        %and3A_2648 = arith.andi %ne3A_2647, %ne3A_2639 : vector<16xi1>
        %add3A_2649 = vector.broadcast %select_n3A_2634 : i32 to vector<16xi32>
        %add3A_2650 = arith.addi %rem3A_2636, %add3A_2649 : vector<16xi32>
        %select_n3A_2651 = arith.select %and3A_2648, %add3A_2650, %rem3A_2636 : vector<16xi1>, vector<16xi32>
        %broadcast_in_dim3A_2652 = vector.shape_cast %select_n3A_2651 : vector<16xi32> to vector<16x1xi32>
        %gather3A_2653 = vector.shape_cast %broadcast_in_dim3A_2652 : vector<16x1xi32> to vector<16xi32>
        %gather3A_2654 = tpu.dynamic_gather %add3A_2626[%gather3A_2653] in [0] : vector<16xf32>, vector<16xi32> -> vector<16xf32>
        %add3A_2655 = arith.addf %add3A_2626, %gather3A_2654 : vector<16xf32>
        %add3A_2656 = arith.constant 1 : i32
        %add3A_2657 = vector.broadcast %add3A_2656 : i32 to vector<16xi32>
        %add3A_2658 = arith.addi %iota3A, %add3A_2657 : vector<16xi32>
        %jit3A_2659 = arith.constant 16 : i32
        %eq3A_2660 = arith.constant 0 : i32
        %eq3A_2661 = arith.cmpi eq, %jit3A_2659, %eq3A_2660 : i32
        %jit3A_2662 = arith.constant 1 : i32
        %select_n3A_2663 = arith.select %eq3A_2661, %jit3A_2662, %jit3A_2659 : i32
        %rem3A_2664 = vector.broadcast %select_n3A_2663 : i32 to vector<16xi32>
        %rem3A_2665 = arith.remsi %add3A_2658, %rem3A_2664 : vector<16xi32>
        %ne3A_2666 = arith.constant 0 : i32
        %ne3A_2667 = vector.broadcast %ne3A_2666 : i32 to vector<16xi32>
        %ne3A_2668 = arith.cmpi ne, %rem3A_2665, %ne3A_2667 : vector<16xi32>
        %lt3A_2669 = arith.constant 0 : i32
        %lt3A_2670 = vector.broadcast %lt3A_2669 : i32 to vector<16xi32>
        %lt3A_2671 = arith.cmpi slt, %rem3A_2665, %lt3A_2670 : vector<16xi32>
        %lt3A_2672 = arith.constant 0 : i32
        %lt3A_2673 = arith.cmpi slt, %select_n3A_2663, %lt3A_2672 : i32
        %ne3A_2674 = vector.broadcast %lt3A_2673 : i1 to vector<16xi1>
        %ne3A_2675 = vector.broadcast %ne3A_2674 : vector<16xi1> to vector<16xi1>
        %ne3A_2676 = arith.xori %lt3A_2671, %ne3A_2675 : vector<16xi1>
        %and3A_2677 = arith.andi %ne3A_2676, %ne3A_2668 : vector<16xi1>
        %add3A_2678 = vector.broadcast %select_n3A_2663 : i32 to vector<16xi32>
        %add3A_2679 = arith.addi %rem3A_2665, %add3A_2678 : vector<16xi32>
        %select_n3A_2680 = arith.select %and3A_2677, %add3A_2679, %rem3A_2665 : vector<16xi1>, vector<16xi32>
        %broadcast_in_dim3A_2681 = vector.shape_cast %select_n3A_2680 : vector<16xi32> to vector<16x1xi32>
        %gather3A_2682 = vector.shape_cast %broadcast_in_dim3A_2681 : vector<16x1xi32> to vector<16xi32>
        %gather3A_2683 = tpu.dynamic_gather %add3A_2655[%gather3A_2682] in [0] : vector<16xf32>, vector<16xi32> -> vector<16xf32>
        %add3A_2684 = arith.addf %add3A_2655, %gather3A_2683 : vector<16xf32>
        %min3A_2685 = arith.constant 6.000000e+01 : f32
        %min3A_2686 = vector.broadcast %min3A_2685 : f32 to vector<16xf32>
        %min3A_2687 = arith.minimumf %add3A_2684, %min3A_2686 : vector<16xf32>
        %exp3A_2688 = math.exp %min3A_2687 : vector<16xf32>
        %get3A_2689 = arith.index_cast %scan3A_2187 : i32 to index
        %get3A_2690 = arith.constant 192 : index
        %get3A_2691 = tpu.vector_load %arg12[%get3A_2689, %get3A_2690] {strides = array<i32>} : memref<40x256xf32, #tpu.memory_space<vmem>>, vector<1x16xf32>,
        %get3A_2692 = vector.shape_cast %get3A_2691 : vector<1x16xf32> to vector<16xf32>
        %get3A_2693 = arith.index_cast %scan3A_2187 : i32 to index
        %get3A_2694 = arith.constant 208 : index
        %get3A_2695 = tpu.vector_load %arg12[%get3A_2693, %get3A_2694] {strides = array<i32>} : memref<40x256xf32, #tpu.memory_space<vmem>>, vector<1x16xf32>,
        %get3A_2696 = vector.shape_cast %get3A_2695 : vector<1x16xf32> to vector<16xf32>
        %add3A_2697 = arith.addf %get3A_2692, %get3A_2543 : vector<16xf32>
        %mul3A_2698 = arith.mulf %exp3A_2688, %add3A_2697 : vector<16xf32>
        %swap3A_2699 = arith.index_cast %scan3A_2187 : i32 to index
        %swap3A_2700 = arith.constant 64 : index
        %swap3A_2701 = tpu.vector_load %arg14[%swap3A_2699, %swap3A_2700] {strides = array<i32>} : memref<40x144xf32, #tpu.memory_space<vmem>>, vector<1x16xf32>,
        %swap3A_2702 = vector.shape_cast %swap3A_2701 : vector<1x16xf32> to vector<16xf32>
        %swap3A_2703 = vector.shape_cast %mul3A_2698 : vector<16xf32> to vector<1x16xf32>
        tpu.vector_store %arg14[%swap3A_2699, %swap3A_2700], %swap3A_2703 {strides = array<i32>} : memref<40x144xf32, #tpu.memory_space<vmem>>, vector<1x16xf32>,
        %add3A_2704 = arith.addf %get3A_2696, %get3A_2547 : vector<16xf32>
        %mul3A_2705 = arith.mulf %exp3A_2688, %add3A_2704 : vector<16xf32>
        %swap3A_2706 = arith.index_cast %scan3A_2187 : i32 to index
        %swap3A_2707 = arith.constant 80 : index
        %swap3A_2708 = tpu.vector_load %arg14[%swap3A_2706, %swap3A_2707] {strides = array<i32>} : memref<40x144xf32, #tpu.memory_space<vmem>>, vector<1x16xf32>,
        %swap3A_2709 = vector.shape_cast %swap3A_2708 : vector<1x16xf32> to vector<16xf32>
        %swap3A_2710 = vector.shape_cast %mul3A_2705 : vector<16xf32> to vector<1x16xf32>
        tpu.vector_store %arg14[%swap3A_2706, %swap3A_2707], %swap3A_2710 {strides = array<i32>} : memref<40x144xf32, #tpu.memory_space<vmem>>, vector<1x16xf32>,
        %eq3A_2711 = arith.constant 2 : i32
        %eq3A_2712 = vector.broadcast %eq3A_2711 : i32 to vector<16xi32>
        %eq3A_2713 = arith.cmpi eq, %iota3A, %eq3A_2712 : vector<16xi32>
        %select_n3A_2714 = arith.select %eq3A_2713, %exp3A_2688, %select_n3A_2539 : vector<16xi1>, vector<16xf32>
        %get3A_2715 = arith.index_cast %scan3A_2187 : i32 to index
        %get3A_2716 = arith.constant 96 : index
        %get3A_2717 = tpu.vector_load %arg11[%get3A_2715, %get3A_2716] {strides = array<i32>} : memref<40x128xf32, #tpu.memory_space<vmem>>, vector<1x16xf32>,
        %get3A_2718 = vector.shape_cast %get3A_2717 : vector<1x16xf32> to vector<16xf32>
        %get3A_2719 = arith.index_cast %scan3A_2187 : i32 to index
        %get3A_2720 = arith.constant 112 : index
        %get3A_2721 = tpu.vector_load %arg11[%get3A_2719, %get3A_2720] {strides = array<i32>} : memref<40x128xf32, #tpu.memory_space<vmem>>, vector<1x16xf32>,
        %get3A_2722 = vector.shape_cast %get3A_2721 : vector<1x16xf32> to vector<16xf32>
        %get3A_2723 = arith.index_cast %scan3A_2187 : i32 to index
        %get3A_2724 = arith.constant 96 : index
        %get3A_2725 = tpu.vector_load %arg13[%get3A_2723, %get3A_2724] {strides = array<i32>} : memref<40x128xf32, #tpu.memory_space<vmem>>, vector<1x16xf32>,
        %get3A_2726 = vector.shape_cast %get3A_2725 : vector<1x16xf32> to vector<16xf32>
        %get3A_2727 = arith.index_cast %scan3A_2187 : i32 to index
        %get3A_2728 = arith.constant 112 : index
        %get3A_2729 = tpu.vector_load %arg13[%get3A_2727, %get3A_2728] {strides = array<i32>} : memref<40x128xf32, #tpu.memory_space<vmem>>, vector<1x16xf32>,
        %get3A_2730 = vector.shape_cast %get3A_2729 : vector<1x16xf32> to vector<16xf32>
        %get3A_2731 = arith.index_cast %scan3A_2187 : i32 to index
        %get3A_2732 = arith.constant 96 : index
        %get3A_2733 = tpu.vector_load %arg12[%get3A_2731, %get3A_2732] {strides = array<i32>} : memref<40x256xf32, #tpu.memory_space<vmem>>, vector<1x16xf32>,
        %get3A_2734 = vector.shape_cast %get3A_2733 : vector<1x16xf32> to vector<16xf32>
        %get3A_2735 = arith.index_cast %scan3A_2187 : i32 to index
        %get3A_2736 = arith.constant 112 : index
        %get3A_2737 = tpu.vector_load %arg12[%get3A_2735, %get3A_2736] {strides = array<i32>} : memref<40x256xf32, #tpu.memory_space<vmem>>, vector<1x16xf32>,
        %get3A_2738 = vector.shape_cast %get3A_2737 : vector<1x16xf32> to vector<16xf32>
        %add3A_2739 = arith.addf %get3A_2734, %get3A_2718 : vector<16xf32>
        %mul3A_2740 = arith.mulf %get3A_2726, %add3A_2739 : vector<16xf32>
        %add3A_2741 = arith.addf %get3A_2738, %get3A_2722 : vector<16xf32>
        %mul3A_2742 = arith.mulf %get3A_2730, %add3A_2741 : vector<16xf32>
        %add3A_2743 = arith.addf %mul3A_2740, %mul3A_2742 : vector<16xf32>
        %add3A_2744 = arith.constant 8 : i32
        %add3A_2745 = vector.broadcast %add3A_2744 : i32 to vector<16xi32>
        %add3A_2746 = arith.addi %iota3A, %add3A_2745 : vector<16xi32>
        %jit3A_2747 = arith.constant 16 : i32
        %eq3A_2748 = arith.constant 0 : i32
        %eq3A_2749 = arith.cmpi eq, %jit3A_2747, %eq3A_2748 : i32
        %jit3A_2750 = arith.constant 1 : i32
        %select_n3A_2751 = arith.select %eq3A_2749, %jit3A_2750, %jit3A_2747 : i32
        %rem3A_2752 = vector.broadcast %select_n3A_2751 : i32 to vector<16xi32>
        %rem3A_2753 = arith.remsi %add3A_2746, %rem3A_2752 : vector<16xi32>
        %ne3A_2754 = arith.constant 0 : i32
        %ne3A_2755 = vector.broadcast %ne3A_2754 : i32 to vector<16xi32>
        %ne3A_2756 = arith.cmpi ne, %rem3A_2753, %ne3A_2755 : vector<16xi32>
        %lt3A_2757 = arith.constant 0 : i32
        %lt3A_2758 = vector.broadcast %lt3A_2757 : i32 to vector<16xi32>
        %lt3A_2759 = arith.cmpi slt, %rem3A_2753, %lt3A_2758 : vector<16xi32>
        %lt3A_2760 = arith.constant 0 : i32
        %lt3A_2761 = arith.cmpi slt, %select_n3A_2751, %lt3A_2760 : i32
        %ne3A_2762 = vector.broadcast %lt3A_2761 : i1 to vector<16xi1>
        %ne3A_2763 = vector.broadcast %ne3A_2762 : vector<16xi1> to vector<16xi1>
        %ne3A_2764 = arith.xori %lt3A_2759, %ne3A_2763 : vector<16xi1>
        %and3A_2765 = arith.andi %ne3A_2764, %ne3A_2756 : vector<16xi1>
        %add3A_2766 = vector.broadcast %select_n3A_2751 : i32 to vector<16xi32>
        %add3A_2767 = arith.addi %rem3A_2753, %add3A_2766 : vector<16xi32>
        %select_n3A_2768 = arith.select %and3A_2765, %add3A_2767, %rem3A_2753 : vector<16xi1>, vector<16xi32>
        %broadcast_in_dim3A_2769 = vector.shape_cast %select_n3A_2768 : vector<16xi32> to vector<16x1xi32>
        %gather3A_2770 = vector.shape_cast %broadcast_in_dim3A_2769 : vector<16x1xi32> to vector<16xi32>
        %gather3A_2771 = tpu.dynamic_gather %add3A_2743[%gather3A_2770] in [0] : vector<16xf32>, vector<16xi32> -> vector<16xf32>
        %add3A_2772 = arith.addf %add3A_2743, %gather3A_2771 : vector<16xf32>
        %add3A_2773 = arith.constant 4 : i32
        %add3A_2774 = vector.broadcast %add3A_2773 : i32 to vector<16xi32>
        %add3A_2775 = arith.addi %iota3A, %add3A_2774 : vector<16xi32>
        %jit3A_2776 = arith.constant 16 : i32
        %eq3A_2777 = arith.constant 0 : i32
        %eq3A_2778 = arith.cmpi eq, %jit3A_2776, %eq3A_2777 : i32
        %jit3A_2779 = arith.constant 1 : i32
        %select_n3A_2780 = arith.select %eq3A_2778, %jit3A_2779, %jit3A_2776 : i32
        %rem3A_2781 = vector.broadcast %select_n3A_2780 : i32 to vector<16xi32>
        %rem3A_2782 = arith.remsi %add3A_2775, %rem3A_2781 : vector<16xi32>
        %ne3A_2783 = arith.constant 0 : i32
        %ne3A_2784 = vector.broadcast %ne3A_2783 : i32 to vector<16xi32>
        %ne3A_2785 = arith.cmpi ne, %rem3A_2782, %ne3A_2784 : vector<16xi32>
        %lt3A_2786 = arith.constant 0 : i32
        %lt3A_2787 = vector.broadcast %lt3A_2786 : i32 to vector<16xi32>
        %lt3A_2788 = arith.cmpi slt, %rem3A_2782, %lt3A_2787 : vector<16xi32>
        %lt3A_2789 = arith.constant 0 : i32
        %lt3A_2790 = arith.cmpi slt, %select_n3A_2780, %lt3A_2789 : i32
        %ne3A_2791 = vector.broadcast %lt3A_2790 : i1 to vector<16xi1>
        %ne3A_2792 = vector.broadcast %ne3A_2791 : vector<16xi1> to vector<16xi1>
        %ne3A_2793 = arith.xori %lt3A_2788, %ne3A_2792 : vector<16xi1>
        %and3A_2794 = arith.andi %ne3A_2793, %ne3A_2785 : vector<16xi1>
        %add3A_2795 = vector.broadcast %select_n3A_2780 : i32 to vector<16xi32>
        %add3A_2796 = arith.addi %rem3A_2782, %add3A_2795 : vector<16xi32>
        %select_n3A_2797 = arith.select %and3A_2794, %add3A_2796, %rem3A_2782 : vector<16xi1>, vector<16xi32>
        %broadcast_in_dim3A_2798 = vector.shape_cast %select_n3A_2797 : vector<16xi32> to vector<16x1xi32>
        %gather3A_2799 = vector.shape_cast %broadcast_in_dim3A_2798 : vector<16x1xi32> to vector<16xi32>
        %gather3A_2800 = tpu.dynamic_gather %add3A_2772[%gather3A_2799] in [0] : vector<16xf32>, vector<16xi32> -> vector<16xf32>
        %add3A_2801 = arith.addf %add3A_2772, %gather3A_2800 : vector<16xf32>
        %add3A_2802 = arith.constant 2 : i32
        %add3A_2803 = vector.broadcast %add3A_2802 : i32 to vector<16xi32>
        %add3A_2804 = arith.addi %iota3A, %add3A_2803 : vector<16xi32>
        %jit3A_2805 = arith.constant 16 : i32
        %eq3A_2806 = arith.constant 0 : i32
        %eq3A_2807 = arith.cmpi eq, %jit3A_2805, %eq3A_2806 : i32
        %jit3A_2808 = arith.constant 1 : i32
        %select_n3A_2809 = arith.select %eq3A_2807, %jit3A_2808, %jit3A_2805 : i32
        %rem3A_2810 = vector.broadcast %select_n3A_2809 : i32 to vector<16xi32>
        %rem3A_2811 = arith.remsi %add3A_2804, %rem3A_2810 : vector<16xi32>
        %ne3A_2812 = arith.constant 0 : i32
        %ne3A_2813 = vector.broadcast %ne3A_2812 : i32 to vector<16xi32>
        %ne3A_2814 = arith.cmpi ne, %rem3A_2811, %ne3A_2813 : vector<16xi32>
        %lt3A_2815 = arith.constant 0 : i32
        %lt3A_2816 = vector.broadcast %lt3A_2815 : i32 to vector<16xi32>
        %lt3A_2817 = arith.cmpi slt, %rem3A_2811, %lt3A_2816 : vector<16xi32>
        %lt3A_2818 = arith.constant 0 : i32
        %lt3A_2819 = arith.cmpi slt, %select_n3A_2809, %lt3A_2818 : i32
        %ne3A_2820 = vector.broadcast %lt3A_2819 : i1 to vector<16xi1>
        %ne3A_2821 = vector.broadcast %ne3A_2820 : vector<16xi1> to vector<16xi1>
        %ne3A_2822 = arith.xori %lt3A_2817, %ne3A_2821 : vector<16xi1>
        %and3A_2823 = arith.andi %ne3A_2822, %ne3A_2814 : vector<16xi1>
        %add3A_2824 = vector.broadcast %select_n3A_2809 : i32 to vector<16xi32>
        %add3A_2825 = arith.addi %rem3A_2811, %add3A_2824 : vector<16xi32>
        %select_n3A_2826 = arith.select %and3A_2823, %add3A_2825, %rem3A_2811 : vector<16xi1>, vector<16xi32>
        %broadcast_in_dim3A_2827 = vector.shape_cast %select_n3A_2826 : vector<16xi32> to vector<16x1xi32>
        %gather3A_2828 = vector.shape_cast %broadcast_in_dim3A_2827 : vector<16x1xi32> to vector<16xi32>
        %gather3A_2829 = tpu.dynamic_gather %add3A_2801[%gather3A_2828] in [0] : vector<16xf32>, vector<16xi32> -> vector<16xf32>
        %add3A_2830 = arith.addf %add3A_2801, %gather3A_2829 : vector<16xf32>
        %add3A_2831 = arith.constant 1 : i32
        %add3A_2832 = vector.broadcast %add3A_2831 : i32 to vector<16xi32>
        %add3A_2833 = arith.addi %iota3A, %add3A_2832 : vector<16xi32>
        %jit3A_2834 = arith.constant 16 : i32
        %eq3A_2835 = arith.constant 0 : i32
        %eq3A_2836 = arith.cmpi eq, %jit3A_2834, %eq3A_2835 : i32
        %jit3A_2837 = arith.constant 1 : i32
        %select_n3A_2838 = arith.select %eq3A_2836, %jit3A_2837, %jit3A_2834 : i32
        %rem3A_2839 = vector.broadcast %select_n3A_2838 : i32 to vector<16xi32>
        %rem3A_2840 = arith.remsi %add3A_2833, %rem3A_2839 : vector<16xi32>
        %ne3A_2841 = arith.constant 0 : i32
        %ne3A_2842 = vector.broadcast %ne3A_2841 : i32 to vector<16xi32>
        %ne3A_2843 = arith.cmpi ne, %rem3A_2840, %ne3A_2842 : vector<16xi32>
        %lt3A_2844 = arith.constant 0 : i32
        %lt3A_2845 = vector.broadcast %lt3A_2844 : i32 to vector<16xi32>
        %lt3A_2846 = arith.cmpi slt, %rem3A_2840, %lt3A_2845 : vector<16xi32>
        %lt3A_2847 = arith.constant 0 : i32
        %lt3A_2848 = arith.cmpi slt, %select_n3A_2838, %lt3A_2847 : i32
        %ne3A_2849 = vector.broadcast %lt3A_2848 : i1 to vector<16xi1>
        %ne3A_2850 = vector.broadcast %ne3A_2849 : vector<16xi1> to vector<16xi1>
        %ne3A_2851 = arith.xori %lt3A_2846, %ne3A_2850 : vector<16xi1>
        %and3A_2852 = arith.andi %ne3A_2851, %ne3A_2843 : vector<16xi1>
        %add3A_2853 = vector.broadcast %select_n3A_2838 : i32 to vector<16xi32>
        %add3A_2854 = arith.addi %rem3A_2840, %add3A_2853 : vector<16xi32>
        %select_n3A_2855 = arith.select %and3A_2852, %add3A_2854, %rem3A_2840 : vector<16xi1>, vector<16xi32>
        %broadcast_in_dim3A_2856 = vector.shape_cast %select_n3A_2855 : vector<16xi32> to vector<16x1xi32>
        %gather3A_2857 = vector.shape_cast %broadcast_in_dim3A_2856 : vector<16x1xi32> to vector<16xi32>
        %gather3A_2858 = tpu.dynamic_gather %add3A_2830[%gather3A_2857] in [0] : vector<16xf32>, vector<16xi32> -> vector<16xf32>
        %add3A_2859 = arith.addf %add3A_2830, %gather3A_2858 : vector<16xf32>
        %min3A_2860 = arith.constant 6.000000e+01 : f32
        %min3A_2861 = vector.broadcast %min3A_2860 : f32 to vector<16xf32>
        %min3A_2862 = arith.minimumf %add3A_2859, %min3A_2861 : vector<16xf32>
        %exp3A_2863 = math.exp %min3A_2862 : vector<16xf32>
        %get3A_2864 = arith.index_cast %scan3A_2187 : i32 to index
        %get3A_2865 = arith.constant 224 : index
        %get3A_2866 = tpu.vector_load %arg12[%get3A_2864, %get3A_2865] {strides = array<i32>} : memref<40x256xf32, #tpu.memory_space<vmem>>, vector<1x16xf32>,
        %get3A_2867 = vector.shape_cast %get3A_2866 : vector<1x16xf32> to vector<16xf32>
        %get3A_2868 = arith.index_cast %scan3A_2187 : i32 to index
        %get3A_2869 = arith.constant 240 : index
        %get3A_2870 = tpu.vector_load %arg12[%get3A_2868, %get3A_2869] {strides = array<i32>} : memref<40x256xf32, #tpu.memory_space<vmem>>, vector<1x16xf32>,
        %get3A_2871 = vector.shape_cast %get3A_2870 : vector<1x16xf32> to vector<16xf32>
        %add3A_2872 = arith.addf %get3A_2867, %get3A_2718 : vector<16xf32>
        %mul3A_2873 = arith.mulf %exp3A_2863, %add3A_2872 : vector<16xf32>
        %swap3A_2874 = arith.index_cast %scan3A_2187 : i32 to index
        %swap3A_2875 = arith.constant 96 : index
        %swap3A_2876 = tpu.vector_load %arg14[%swap3A_2874, %swap3A_2875] {strides = array<i32>} : memref<40x144xf32, #tpu.memory_space<vmem>>, vector<1x16xf32>,
        %swap3A_2877 = vector.shape_cast %swap3A_2876 : vector<1x16xf32> to vector<16xf32>
        %swap3A_2878 = vector.shape_cast %mul3A_2873 : vector<16xf32> to vector<1x16xf32>
        tpu.vector_store %arg14[%swap3A_2874, %swap3A_2875], %swap3A_2878 {strides = array<i32>} : memref<40x144xf32, #tpu.memory_space<vmem>>, vector<1x16xf32>,
        %add3A_2879 = arith.addf %get3A_2871, %get3A_2722 : vector<16xf32>
        %mul3A_2880 = arith.mulf %exp3A_2863, %add3A_2879 : vector<16xf32>
        %swap3A_2881 = arith.index_cast %scan3A_2187 : i32 to index
        %swap3A_2882 = arith.constant 112 : index
        %swap3A_2883 = tpu.vector_load %arg14[%swap3A_2881, %swap3A_2882] {strides = array<i32>} : memref<40x144xf32, #tpu.memory_space<vmem>>, vector<1x16xf32>,
        %swap3A_2884 = vector.shape_cast %swap3A_2883 : vector<1x16xf32> to vector<16xf32>
        %swap3A_2885 = vector.shape_cast %mul3A_2880 : vector<16xf32> to vector<1x16xf32>
        tpu.vector_store %arg14[%swap3A_2881, %swap3A_2882], %swap3A_2885 {strides = array<i32>} : memref<40x144xf32, #tpu.memory_space<vmem>>, vector<1x16xf32>,
        %eq3A_2886 = arith.constant 3 : i32
        %eq3A_2887 = vector.broadcast %eq3A_2886 : i32 to vector<16xi32>
        %eq3A_2888 = arith.cmpi eq, %iota3A, %eq3A_2887 : vector<16xi32>
        %select_n3A_2889 = arith.select %eq3A_2888, %exp3A_2863, %select_n3A_2714 : vector<16xi1>, vector<16xf32>
        %lt3A_2890 = arith.constant 4 : i32
        %lt3A_2891 = vector.broadcast %lt3A_2890 : i32 to vector<16xi32>
        %lt3A_2892 = arith.cmpi slt, %iota3A, %lt3A_2891 : vector<16xi32>
        %jit3A_2893 = arith.constant 0.000000e+00 : f32
        %broadcast_in_dim3A_2894 = vector.broadcast %jit3A_2893 : f32 to vector<16xf32>
        %select_n3A_2895 = arith.select %lt3A_2892, %select_n3A_2889, %broadcast_in_dim3A_2894 : vector<16xi1>, vector<16xf32>
        %swap3A_2896 = arith.index_cast %scan3A_2187 : i32 to index
        %swap3A_2897 = arith.constant 128 : index
        %swap3A_2898 = tpu.vector_load %arg14[%swap3A_2896, %swap3A_2897] {strides = array<i32>} : memref<40x144xf32, #tpu.memory_space<vmem>>, vector<1x16xf32>,
        %swap3A_2899 = vector.shape_cast %swap3A_2898 : vector<1x16xf32> to vector<16xf32>
        %swap3A_2900 = vector.shape_cast %select_n3A_2895 : vector<16xf32> to vector<1x16xf32>
        tpu.vector_store %arg14[%swap3A_2896, %swap3A_2897], %swap3A_2900 {strides = array<i32>} : memref<40x144xf32, #tpu.memory_space<vmem>>, vector<1x16xf32>,
        %scan3A_2901 = arith.constant 0 : i32
        scf.yield %scan3A_2901 : i32
      }
      %scan3A_49 = arith.constant 40 : i32
      "tpu.region"() ({
        %run_scoped3A_51 = tpu.sem_alloc : memref<!tpu.dma_semaphore, #tpu.memory_space<semaphore_mem>>
        %dma_start3A_52 = arith.constant 0 : i32
        %dma_start3A_53 = arith.constant 0 : i32
        %dma_start3A_54 = tpu.memref_slice %arg8[%dma_start3A_52, %dma_start3A_53] : memref<10000x144xf32, #tpu.memory_space<vmem_shared>> -> memref<10000x144xf32, #tpu.memory_space<vmem_shared>>
        tpu.enqueue_indirect_dma source(%arg14 : memref<40x144xf32, #tpu.memory_space<vmem>>) target(%dma_start3A_54 : memref<10000x144xf32, #tpu.memory_space<vmem_shared>>) offsets(%arg10 : memref<40xi32, #tpu.memory_space<vmem>>) semaphore(%run_scoped3A_51 : memref<!tpu.dma_semaphore, #tpu.memory_space<semaphore_mem>>) {add = true}
        %dma_wait3A_55 = arith.constant 0 : i32
        %dma_wait3A_56 = arith.constant 0 : i32
        %dma_wait3A_57 = tpu.memref_slice %arg8[%dma_wait3A_55, %dma_wait3A_56] : memref<10000x144xf32, #tpu.memory_space<vmem_shared>> -> memref<10000x144xf32, #tpu.memory_space<vmem_shared>>
        tpu.wait_indirect_dma semaphore(%run_scoped3A_51 : memref<!tpu.dma_semaphore, #tpu.memory_space<semaphore_mem>>) src(%arg14 : memref<40x144xf32, #tpu.memory_space<vmem>>) dst(%dma_wait3A_57 : memref<10000x144xf32, #tpu.memory_space<vmem_shared>>)
        tpu.yield
      }) : () -> ()
      %scan3A_50 = arith.constant 0 : i32
      scf.yield %scan3A_50 : i32
    }
    %scan3A_8 = arith.constant 250 : i32
    %barrier3A_9 = arith.constant 0 : index
    tpu.barrier barrier_id(%barrier3A_9)
    %mul3A_10 = arith.constant 625 : i32
    %mul3A_11 = arith.muli %arg1, %mul3A_10 : i32
    %mul3A_12 = arith.constant 10000 : i32
    %mul3A_13 = arith.muli %arg0, %mul3A_12 : i32
    %mul3A_14 = arith.constant 625 : i32
    %mul3A_15 = arith.muli %arg1, %mul3A_14 : i32
    %add3A_16 = arith.addi %mul3A_13, %mul3A_15 : i32
    "tpu.region"() ({
      %run_scoped3A = tpu.sem_alloc : memref<!tpu.dma_semaphore, #tpu.memory_space<semaphore_mem>>
      %dma_start3A = arith.constant 0 : i32
      %dma_start3A_17 = tpu.memref_slice %arg7[%add3A_16, %dma_start3A] : memref<20000x144xf32, #tpu.memory_space<hbm>> -> memref<625x144xf32, #tpu.memory_space<hbm>>
      %dma_start3A_18 = arith.constant 0 : i32
      %dma_start3A_19 = tpu.memref_slice %arg8[%mul3A_11, %dma_start3A_18] : memref<10000x144xf32, #tpu.memory_space<vmem_shared>> -> memref<625x144xf32, #tpu.memory_space<vmem_shared>>
      tpu.enqueue_dma source(%dma_start3A_19 : memref<625x144xf32, #tpu.memory_space<vmem_shared>>) target(%dma_start3A_17 : memref<625x144xf32, #tpu.memory_space<hbm>>) target_semaphore(%run_scoped3A : memref<!tpu.dma_semaphore, #tpu.memory_space<semaphore_mem>>)
      %dma_wait3A = arith.constant 0 : i32
      %dma_wait3A_20 = tpu.memref_slice %arg7[%add3A_16, %dma_wait3A] : memref<20000x144xf32, #tpu.memory_space<hbm>> -> memref<625x144xf32, #tpu.memory_space<hbm>>
      %dma_wait3A_21 = arith.constant 0 : i32
      %dma_wait3A_22 = tpu.memref_slice %arg8[%mul3A_11, %dma_wait3A_21] : memref<10000x144xf32, #tpu.memory_space<vmem_shared>> -> memref<625x144xf32, #tpu.memory_space<vmem_shared>>
      tpu.wait_dma2 semaphore(%run_scoped3A : memref<!tpu.dma_semaphore, #tpu.memory_space<semaphore_mem>>) src(%dma_wait3A_22 : memref<625x144xf32, #tpu.memory_space<vmem_shared>>) dst(%dma_wait3A_20 : memref<625x144xf32, #tpu.memory_space<hbm>>)
      tpu.yield
    }) : () -> ()
    return
  }
}

module attributes {stable_mosaic.version = 14 : i64} {
  func.func @_pre_body(%arg0: i32, %arg1: memref<1000x128xf32, #tpu.memory_space<vmem>>, %arg2: memref<128x512xf32, #tpu.memory_space<vmem>>, %arg3: memref<1x512xf32, #tpu.memory_space<vmem>>, %arg4: memref<1x128xf32, #tpu.memory_space<vmem>>, %arg5: memref<1x128xf32, #tpu.memory_space<vmem>>, %arg6: memref<1000x256xf32, #tpu.memory_space<vmem>>, %arg7: memref<1000x128xf32, #tpu.memory_space<vmem>>, %arg8: memref<1000x128xf32, #tpu.memory_space<vmem>>) attributes {dimension_semantics = [#tpu.dimension_semantics<arbitrary>], iteration_bounds = array<i64: 10>, scalar_prefetch = 0 : i64, scratch_operands = 0 : i64, tpu.core_type = #tpu.core_type<tc>, window_params = [{transform_indices = @transform_0, window_bounds = array<i64: 1000, 128>}, {pipeline_mode = #tpu.pipeline_mode<synchronous>, transform_indices = @transform_1, window_bounds = array<i64: 128, 512>}, {pipeline_mode = #tpu.pipeline_mode<synchronous>, transform_indices = @transform_2, window_bounds = array<i64: 1, 512>}, {pipeline_mode = #tpu.pipeline_mode<synchronous>, transform_indices = @transform_3, window_bounds = array<i64: 1, 128>}, {pipeline_mode = #tpu.pipeline_mode<synchronous>, transform_indices = @transform_4, window_bounds = array<i64: 1, 128>}, {transform_indices = @transform_5, window_bounds = array<i64: 1000, 256>}, {transform_indices = @transform_6, window_bounds = array<i64: 1000, 128>}, {transform_indices = @transform_7, window_bounds = array<i64: 1000, 128>}]} {
    %get3A = arith.constant 0 : index
    %get3A_0 = arith.constant 0 : index
    %get3A_1 = vector.load %arg1[%get3A, %get3A_0] : memref<1000x128xf32, #tpu.memory_space<vmem>>, vector<1000x128xf32>
    %reduce_sum3A = arith.constant dense<0.000000e+00> : vector<1000xf32>
    %reduce_sum3A_2 = vector.multi_reduction <add>, %get3A_1, %reduce_sum3A [1] : vector<1000x128xf32> to vector<1000xf32>
    %broadcast_in_dim3A = vector.shape_cast %reduce_sum3A_2 : vector<1000xf32> to vector<1000x1xf32>
    %div3A = arith.constant 1.280000e+02 : f32
    %div3A_3 = vector.broadcast %div3A : f32 to vector<1000x1xf32>
    %div3A_4 = arith.divf %broadcast_in_dim3A, %div3A_3 : vector<1000x1xf32>
    %sub3A = vector.broadcast %div3A_4 : vector<1000x1xf32> to vector<1000x128xf32>
    %sub3A_5 = arith.subf %get3A_1, %sub3A : vector<1000x128xf32>
    %integer_pow3A = arith.mulf %sub3A_5, %sub3A_5 : vector<1000x128xf32>
    %reduce_sum3A_6 = arith.constant dense<0.000000e+00> : vector<1000xf32>
    %reduce_sum3A_7 = vector.multi_reduction <add>, %integer_pow3A, %reduce_sum3A_6 [1] : vector<1000x128xf32> to vector<1000xf32>
    %broadcast_in_dim3A_8 = vector.shape_cast %reduce_sum3A_7 : vector<1000xf32> to vector<1000x1xf32>
    %div3A_9 = arith.constant 1.280000e+02 : f32
    %div3A_10 = vector.broadcast %div3A_9 : f32 to vector<1000x1xf32>
    %div3A_11 = arith.divf %broadcast_in_dim3A_8, %div3A_10 : vector<1000x1xf32>
    %sub3A_12 = vector.broadcast %div3A_4 : vector<1000x1xf32> to vector<1000x128xf32>
    %sub3A_13 = arith.subf %get3A_1, %sub3A_12 : vector<1000x128xf32>
    %add3A = arith.constant 9.99999974E-6 : f32
    %add3A_14 = vector.broadcast %add3A : f32 to vector<1000x1xf32>
    %add3A_15 = arith.addf %div3A_11, %add3A_14 : vector<1000x1xf32>
    %rsqrt3A = math.rsqrt %add3A_15 : vector<1000x1xf32>
    %mul3A = vector.broadcast %rsqrt3A : vector<1000x1xf32> to vector<1000x128xf32>
    %mul3A_16 = arith.mulf %sub3A_13, %mul3A : vector<1000x128xf32>
    %get3A_17 = arith.constant 0 : index
    %get3A_18 = arith.constant 0 : index
    %get3A_19 = vector.load %arg4[%get3A_17, %get3A_18] : memref<1x128xf32, #tpu.memory_space<vmem>>, vector<1x128xf32>
    %mul3A_20 = vector.broadcast %get3A_19 : vector<1x128xf32> to vector<1000x128xf32>
    %mul3A_21 = arith.mulf %mul3A_16, %mul3A_20 : vector<1000x128xf32>
    %get3A_22 = arith.constant 0 : index
    %get3A_23 = arith.constant 0 : index
    %get3A_24 = vector.load %arg5[%get3A_22, %get3A_23] : memref<1x128xf32, #tpu.memory_space<vmem>>, vector<1x128xf32>
    %add3A_25 = vector.broadcast %get3A_24 : vector<1x128xf32> to vector<1000x128xf32>
    %add3A_26 = arith.addf %mul3A_21, %add3A_25 : vector<1000x128xf32>
    %get3A_27 = arith.constant 0 : index
    %get3A_28 = arith.constant 0 : index
    %get3A_29 = vector.load %arg2[%get3A_27, %get3A_28] : memref<128x512xf32, #tpu.memory_space<vmem>>, vector<128x512xf32>
    %dot_general3A = arith.constant dense<0.000000e+00> : vector<1000x512xf32>
    %dot_general3A_30 = tpu.matmul %add3A_26, %get3A_29, %dot_general3A {dimension_numbers = #tpu.dot_dimension_numbers<[1], [0], [0], [1], [0, 0, 1, 1], [], []>, transpose_lhs_hint = false} : vector<1000x128xf32>, vector<128x512xf32>, vector<1000x512xf32> -> vector<1000x512xf32>
    %get3A_31 = arith.constant 0 : index
    %get3A_32 = arith.constant 0 : index
    %get3A_33 = vector.load %arg3[%get3A_31, %get3A_32] : memref<1x512xf32, #tpu.memory_space<vmem>>, vector<1x512xf32>
    %add3A_34 = vector.broadcast %get3A_33 : vector<1x512xf32> to vector<1000x512xf32>
    %add3A_35 = arith.addf %dot_general3A_30, %add3A_34 : vector<1000x512xf32>
    %slice3A = vector.extract_strided_slice %add3A_35 {offsets = [0, 0], sizes = [1000, 128], strides = [1, 1]} : vector<1000x512xf32> to vector<1000x128xf32>
    %swap3A = arith.constant 0 : index
    %swap3A_36 = arith.constant 0 : index
    %swap3A_37 = vector.load %arg7[%swap3A, %swap3A_36] : memref<1000x128xf32, #tpu.memory_space<vmem>>, vector<1000x128xf32>
    tpu.vector_store %arg7[%swap3A, %swap3A_36], %slice3A {strides = array<i32>} : memref<1000x128xf32, #tpu.memory_space<vmem>>, vector<1000x128xf32>,
    %slice3A_38 = vector.extract_strided_slice %add3A_35 {offsets = [0, 128], sizes = [1000, 256], strides = [1, 1]} : vector<1000x512xf32> to vector<1000x256xf32>
    %swap3A_39 = arith.constant 0 : index
    %swap3A_40 = arith.constant 0 : index
    %swap3A_41 = vector.load %arg6[%swap3A_39, %swap3A_40] : memref<1000x256xf32, #tpu.memory_space<vmem>>, vector<1000x256xf32>
    tpu.vector_store %arg6[%swap3A_39, %swap3A_40], %slice3A_38 {strides = array<i32>} : memref<1000x256xf32, #tpu.memory_space<vmem>>, vector<1000x256xf32>,
    %slice3A_42 = vector.extract_strided_slice %add3A_35 {offsets = [0, 384], sizes = [1000, 128], strides = [1, 1]} : vector<1000x512xf32> to vector<1000x128xf32>
    %swap3A_43 = arith.constant 0 : index
    %swap3A_44 = arith.constant 0 : index
    %swap3A_45 = vector.load %arg8[%swap3A_43, %swap3A_44] : memref<1000x128xf32, #tpu.memory_space<vmem>>, vector<1000x128xf32>
    tpu.vector_store %arg8[%swap3A_43, %swap3A_44], %slice3A_42 {strides = array<i32>} : memref<1000x128xf32, #tpu.memory_space<vmem>>, vector<1000x128xf32>,
    return
  }
  func.func @transform_0(%arg0: i32) -> (i32, i32) {
    %c0_i32 = arith.constant 0 : i32
    %c0_i32_0 = arith.constant 0 : i32
    return %arg0, %c0_i32 : i32, i32
  }
  func.func @transform_1(%arg0: i32) -> (i32, i32) {
    %c0_i32 = arith.constant 0 : i32
    %c0_i32_0 = arith.constant 0 : i32
    %c0_i32_1 = arith.constant 0 : i32
    return %c0_i32, %c0_i32_0 : i32, i32
  }
  func.func @transform_2(%arg0: i32) -> (i32, i32) {
    %c0_i32 = arith.constant 0 : i32
    %c0_i32_0 = arith.constant 0 : i32
    %c0_i32_1 = arith.constant 0 : i32
    return %c0_i32, %c0_i32_0 : i32, i32
  }
  func.func @transform_3(%arg0: i32) -> (i32, i32) {
    %c0_i32 = arith.constant 0 : i32
    %c0_i32_0 = arith.constant 0 : i32
    %c0_i32_1 = arith.constant 0 : i32
    return %c0_i32, %c0_i32_0 : i32, i32
  }
  func.func @transform_4(%arg0: i32) -> (i32, i32) {
    %c0_i32 = arith.constant 0 : i32
    %c0_i32_0 = arith.constant 0 : i32
    %c0_i32_1 = arith.constant 0 : i32
    return %c0_i32, %c0_i32_0 : i32, i32
  }
  func.func @transform_5(%arg0: i32) -> (i32, i32) {
    %c0_i32 = arith.constant 0 : i32
    %c0_i32_0 = arith.constant 0 : i32
    return %arg0, %c0_i32 : i32, i32
  }
  func.func @transform_6(%arg0: i32) -> (i32, i32) {
    %c0_i32 = arith.constant 0 : i32
    %c0_i32_0 = arith.constant 0 : i32
    return %arg0, %c0_i32 : i32, i32
  }
  func.func @transform_7(%arg0: i32) -> (i32, i32) {
    %c0_i32 = arith.constant 0 : i32
    %c0_i32_0 = arith.constant 0 : i32
    return %arg0, %c0_i32 : i32, i32
  }
}

module attributes {stable_mosaic.version = 14 : i64} {
  func.func @_eemb_body(%arg0: i32, %arg1: memref<4000x16xf32, #tpu.memory_space<vmem>>, %arg2: memref<16x128xf32, #tpu.memory_space<vmem>>, %arg3: memref<4000x128xf32, #tpu.memory_space<vmem>>) attributes {dimension_semantics = [#tpu.dimension_semantics<arbitrary>], iteration_bounds = array<i64: 80>, scalar_prefetch = 0 : i64, scratch_operands = 0 : i64, tpu.core_type = #tpu.core_type<tc>, window_params = [{transform_indices = @transform_0, window_bounds = array<i64: 4000, 16>}, {pipeline_mode = #tpu.pipeline_mode<synchronous>, transform_indices = @transform_1, window_bounds = array<i64: 16, 128>}, {transform_indices = @transform_2, window_bounds = array<i64: 4000, 128>}]} {
    %get3A = arith.constant 0 : index
    %get3A_0 = arith.constant 0 : index
    %get3A_1 = vector.load %arg1[%get3A, %get3A_0] : memref<4000x16xf32, #tpu.memory_space<vmem>>, vector<4000x16xf32>
    %get3A_2 = arith.constant 0 : index
    %get3A_3 = arith.constant 0 : index
    %get3A_4 = vector.load %arg2[%get3A_2, %get3A_3] : memref<16x128xf32, #tpu.memory_space<vmem>>, vector<16x128xf32>
    %dot_general3A = arith.constant dense<0.000000e+00> : vector<4000x128xf32>
    %dot_general3A_5 = tpu.matmul %get3A_1, %get3A_4, %dot_general3A {dimension_numbers = #tpu.dot_dimension_numbers<[1], [0], [0], [1], [0, 0, 1, 1], [], []>, transpose_lhs_hint = false} : vector<4000x16xf32>, vector<16x128xf32>, vector<4000x128xf32> -> vector<4000x128xf32>
    %swap3A = arith.constant 0 : index
    %swap3A_6 = arith.constant 0 : index
    %swap3A_7 = vector.load %arg3[%swap3A, %swap3A_6] : memref<4000x128xf32, #tpu.memory_space<vmem>>, vector<4000x128xf32>
    tpu.vector_store %arg3[%swap3A, %swap3A_6], %dot_general3A_5 {strides = array<i32>} : memref<4000x128xf32, #tpu.memory_space<vmem>>, vector<4000x128xf32>,
    return
  }
  func.func @transform_0(%arg0: i32) -> (i32, i32) {
    %c0_i32 = arith.constant 0 : i32
    %c0_i32_0 = arith.constant 0 : i32
    return %arg0, %c0_i32 : i32, i32
  }
  func.func @transform_1(%arg0: i32) -> (i32, i32) {
    %c0_i32 = arith.constant 0 : i32
    %c0_i32_0 = arith.constant 0 : i32
    %c0_i32_1 = arith.constant 0 : i32
    return %c0_i32, %c0_i32_0 : i32, i32
  }
  func.func @transform_2(%arg0: i32) -> (i32, i32) {
    %c0_i32 = arith.constant 0 : i32
    %c0_i32_0 = arith.constant 0 : i32
    return %arg0, %c0_i32 : i32, i32
  }
}

module attributes {stable_mosaic.version = 14 : i64} {
  func.func @_post_body(%arg0: i32, %arg1: memref<2x1000x144xf32, #tpu.memory_space<vmem>>, %arg2: memref<1000x128xf32, #tpu.memory_space<vmem>>, %arg3: memref<1000x128xf32, #tpu.memory_space<vmem>>, %arg4: memref<128x512xf32, #tpu.memory_space<vmem>>, %arg5: memref<1x512xf32, #tpu.memory_space<vmem>>, %arg6: memref<512x128xf32, #tpu.memory_space<vmem>>, %arg7: memref<1x128xf32, #tpu.memory_space<vmem>>, %arg8: memref<1x128xf32, #tpu.memory_space<vmem>>, %arg9: memref<1x128xf32, #tpu.memory_space<vmem>>, %arg10: memref<1000x128xf32, #tpu.memory_space<vmem>>) attributes {dimension_semantics = [#tpu.dimension_semantics<arbitrary>], iteration_bounds = array<i64: 10>, scalar_prefetch = 0 : i64, scratch_operands = 0 : i64, tpu.core_type = #tpu.core_type<tc>, window_params = [{transform_indices = @transform_0, window_bounds = array<i64: 2, 1000, 144>}, {transform_indices = @transform_1, window_bounds = array<i64: 1000, 128>}, {transform_indices = @transform_2, window_bounds = array<i64: 1000, 128>}, {pipeline_mode = #tpu.pipeline_mode<synchronous>, transform_indices = @transform_3, window_bounds = array<i64: 128, 512>}, {pipeline_mode = #tpu.pipeline_mode<synchronous>, transform_indices = @transform_4, window_bounds = array<i64: 1, 512>}, {pipeline_mode = #tpu.pipeline_mode<synchronous>, transform_indices = @transform_5, window_bounds = array<i64: 512, 128>}, {pipeline_mode = #tpu.pipeline_mode<synchronous>, transform_indices = @transform_6, window_bounds = array<i64: 1, 128>}, {pipeline_mode = #tpu.pipeline_mode<synchronous>, transform_indices = @transform_7, window_bounds = array<i64: 1, 128>}, {pipeline_mode = #tpu.pipeline_mode<synchronous>, transform_indices = @transform_8, window_bounds = array<i64: 1, 128>}, {transform_indices = @transform_9, window_bounds = array<i64: 1000, 128>}]} {
    %get3A = arith.constant 0 : index
    %get3A_0 = arith.constant 0 : index
    %get3A_1 = arith.constant 0 : index
    %get3A_2 = vector.load %arg1[%get3A, %get3A_0, %get3A_1] : memref<2x1000x144xf32, #tpu.memory_space<vmem>>, vector<1x1000x144xf32>
    %get3A_3 = vector.shape_cast %get3A_2 : vector<1x1000x144xf32> to vector<1000x144xf32>
    %get3A_4 = arith.constant 1 : index
    %get3A_5 = arith.constant 0 : index
    %get3A_6 = arith.constant 0 : index
    %get3A_7 = vector.load %arg1[%get3A_4, %get3A_5, %get3A_6] : memref<2x1000x144xf32, #tpu.memory_space<vmem>>, vector<1x1000x144xf32>
    %get3A_8 = vector.shape_cast %get3A_7 : vector<1x1000x144xf32> to vector<1000x144xf32>
    %add3A = arith.addf %get3A_3, %get3A_8 : vector<1000x144xf32>
    %slice3A = vector.extract_strided_slice %add3A {offsets = [0, 0], sizes = [1000, 128], strides = [1, 1]} : vector<1000x144xf32> to vector<1000x128xf32>
    %slice3A_9 = vector.extract_strided_slice %add3A {offsets = [0, 128], sizes = [1000, 4], strides = [1, 1]} : vector<1000x144xf32> to vector<1000x4xf32>
    %iota3A = tpu.iota {dimensions = array<i32: 1>} : vector<4x128xi32>
    %jit3A = arith.constant 32 : i32
    %div3A = vector.broadcast %jit3A : i32 to vector<4x128xi32>
    %div3A_10 = arith.divsi %iota3A, %div3A : vector<4x128xi32>
    %sign3A = arith.constant 0 : i32
    %sign3A_11 = vector.broadcast %sign3A : i32 to vector<4x128xi32>
    %sign3A_12 = arith.cmpi sgt, %iota3A, %sign3A_11 : vector<4x128xi32>
    %sign3A_13 = arith.extui %sign3A_12 : vector<4x128xi1> to vector<4x128xi32>
    %sign3A_14 = arith.constant 0 : i32
    %sign3A_15 = vector.broadcast %sign3A_14 : i32 to vector<4x128xi32>
    %sign3A_16 = arith.cmpi slt, %iota3A, %sign3A_15 : vector<4x128xi32>
    %sign3A_17 = arith.extui %sign3A_16 : vector<4x128xi1> to vector<4x128xi32>
    %sign3A_18 = arith.subi %sign3A_13, %sign3A_17 : vector<4x128xi32>
    %sign3A_19 = arith.constant 0 : i32
    %sign3A_20 = arith.cmpi sgt, %jit3A, %sign3A_19 : i32
    %sign3A_21 = arith.extui %sign3A_20 : i1 to i32
    %sign3A_22 = arith.constant 0 : i32
    %sign3A_23 = arith.cmpi slt, %jit3A, %sign3A_22 : i32
    %sign3A_24 = arith.extui %sign3A_23 : i1 to i32
    %sign3A_25 = arith.subi %sign3A_21, %sign3A_24 : i32
    %ne3A = vector.broadcast %sign3A_25 : i32 to vector<4x128xi32>
    %ne3A_26 = arith.cmpi ne, %sign3A_18, %ne3A : vector<4x128xi32>
    %rem3A = vector.broadcast %jit3A : i32 to vector<4x128xi32>
    %rem3A_27 = arith.remsi %iota3A, %rem3A : vector<4x128xi32>
    %ne3A_28 = arith.constant 0 : i32
    %ne3A_29 = vector.broadcast %ne3A_28 : i32 to vector<4x128xi32>
    %ne3A_30 = arith.cmpi ne, %rem3A_27, %ne3A_29 : vector<4x128xi32>
    %and3A = arith.andi %ne3A_26, %ne3A_30 : vector<4x128xi1>
    %sub3A = arith.constant 1 : i32
    %sub3A_31 = vector.broadcast %sub3A : i32 to vector<4x128xi32>
    %sub3A_32 = arith.subi %div3A_10, %sub3A_31 : vector<4x128xi32>
    %select_n3A = arith.select %and3A, %sub3A_32, %div3A_10 : vector<4x128xi1>, vector<4x128xi32>
    %iota3A_33 = tpu.iota {dimensions = array<i32: 0>} : vector<4x128xi32>
    %eq3A = arith.cmpi eq, %select_n3A, %iota3A_33 : vector<4x128xi32>
    %convert_element_type3A = arith.extui %eq3A : vector<4x128xi1> to vector<4x128xi32>
    %convert_element_type3A_34 = arith.sitofp %convert_element_type3A : vector<4x128xi32> to vector<4x128xf32>
    %dot_general3A = arith.constant dense<0.000000e+00> : vector<1000x128xf32>
    %dot_general3A_35 = tpu.matmul %slice3A_9, %convert_element_type3A_34, %dot_general3A {dimension_numbers = #tpu.dot_dimension_numbers<[1], [0], [0], [1], [0, 0, 1, 1], [], []>, transpose_lhs_hint = false} : vector<1000x4xf32>, vector<4x128xf32>, vector<1000x128xf32> -> vector<1000x128xf32>
    %add3A_36 = arith.constant 1.000000e-16 : f32
    %add3A_37 = vector.broadcast %add3A_36 : f32 to vector<1000x128xf32>
    %add3A_38 = arith.addf %dot_general3A_35, %add3A_37 : vector<1000x128xf32>
    %get3A_39 = arith.constant 0 : index
    %get3A_40 = arith.constant 0 : index
    %get3A_41 = vector.load %arg2[%get3A_39, %get3A_40] : memref<1000x128xf32, #tpu.memory_space<vmem>>, vector<1000x128xf32>
    %div3A_42 = arith.divf %slice3A, %add3A_38 : vector<1000x128xf32>
    %add3A_43 = arith.addf %get3A_41, %div3A_42 : vector<1000x128xf32>
    %get3A_44 = arith.constant 0 : index
    %get3A_45 = arith.constant 0 : index
    %get3A_46 = vector.load %arg3[%get3A_44, %get3A_45] : memref<1000x128xf32, #tpu.memory_space<vmem>>, vector<1000x128xf32>
    %add3A_47 = arith.addf %add3A_43, %get3A_46 : vector<1000x128xf32>
    %reduce_sum3A = arith.constant dense<0.000000e+00> : vector<1000xf32>
    %reduce_sum3A_48 = vector.multi_reduction <add>, %add3A_47, %reduce_sum3A [1] : vector<1000x128xf32> to vector<1000xf32>
    %broadcast_in_dim3A = vector.shape_cast %reduce_sum3A_48 : vector<1000xf32> to vector<1000x1xf32>
    %div3A_49 = arith.constant 1.280000e+02 : f32
    %div3A_50 = vector.broadcast %div3A_49 : f32 to vector<1000x1xf32>
    %div3A_51 = arith.divf %broadcast_in_dim3A, %div3A_50 : vector<1000x1xf32>
    %sub3A_52 = vector.broadcast %div3A_51 : vector<1000x1xf32> to vector<1000x128xf32>
    %sub3A_53 = arith.subf %add3A_47, %sub3A_52 : vector<1000x128xf32>
    %integer_pow3A = arith.mulf %sub3A_53, %sub3A_53 : vector<1000x128xf32>
    %reduce_sum3A_54 = arith.constant dense<0.000000e+00> : vector<1000xf32>
    %reduce_sum3A_55 = vector.multi_reduction <add>, %integer_pow3A, %reduce_sum3A_54 [1] : vector<1000x128xf32> to vector<1000xf32>
    %broadcast_in_dim3A_56 = vector.shape_cast %reduce_sum3A_55 : vector<1000xf32> to vector<1000x1xf32>
    %div3A_57 = arith.constant 1.280000e+02 : f32
    %div3A_58 = vector.broadcast %div3A_57 : f32 to vector<1000x1xf32>
    %div3A_59 = arith.divf %broadcast_in_dim3A_56, %div3A_58 : vector<1000x1xf32>
    %sub3A_60 = vector.broadcast %div3A_51 : vector<1000x1xf32> to vector<1000x128xf32>
    %sub3A_61 = arith.subf %add3A_47, %sub3A_60 : vector<1000x128xf32>
    %add3A_62 = arith.constant 9.99999974E-6 : f32
    %add3A_63 = vector.broadcast %add3A_62 : f32 to vector<1000x1xf32>
    %add3A_64 = arith.addf %div3A_59, %add3A_63 : vector<1000x1xf32>
    %rsqrt3A = math.rsqrt %add3A_64 : vector<1000x1xf32>
    %mul3A = vector.broadcast %rsqrt3A : vector<1000x1xf32> to vector<1000x128xf32>
    %mul3A_65 = arith.mulf %sub3A_61, %mul3A : vector<1000x128xf32>
    %get3A_66 = arith.constant 0 : index
    %get3A_67 = arith.constant 0 : index
    %get3A_68 = vector.load %arg8[%get3A_66, %get3A_67] : memref<1x128xf32, #tpu.memory_space<vmem>>, vector<1x128xf32>
    %mul3A_69 = vector.broadcast %get3A_68 : vector<1x128xf32> to vector<1000x128xf32>
    %mul3A_70 = arith.mulf %mul3A_65, %mul3A_69 : vector<1000x128xf32>
    %get3A_71 = arith.constant 0 : index
    %get3A_72 = arith.constant 0 : index
    %get3A_73 = vector.load %arg9[%get3A_71, %get3A_72] : memref<1x128xf32, #tpu.memory_space<vmem>>, vector<1x128xf32>
    %add3A_74 = vector.broadcast %get3A_73 : vector<1x128xf32> to vector<1000x128xf32>
    %add3A_75 = arith.addf %mul3A_70, %add3A_74 : vector<1000x128xf32>
    %get3A_76 = arith.constant 0 : index
    %get3A_77 = arith.constant 0 : index
    %get3A_78 = vector.load %arg4[%get3A_76, %get3A_77] : memref<128x512xf32, #tpu.memory_space<vmem>>, vector<128x512xf32>
    %dot_general3A_79 = arith.constant dense<0.000000e+00> : vector<1000x512xf32>
    %dot_general3A_80 = tpu.matmul %add3A_75, %get3A_78, %dot_general3A_79 {dimension_numbers = #tpu.dot_dimension_numbers<[1], [0], [0], [1], [0, 0, 1, 1], [], []>, transpose_lhs_hint = false} : vector<1000x128xf32>, vector<128x512xf32>, vector<1000x512xf32> -> vector<1000x512xf32>
    %get3A_81 = arith.constant 0 : index
    %get3A_82 = arith.constant 0 : index
    %get3A_83 = vector.load %arg5[%get3A_81, %get3A_82] : memref<1x512xf32, #tpu.memory_space<vmem>>, vector<1x512xf32>
    %add3A_84 = vector.broadcast %get3A_83 : vector<1x512xf32> to vector<1000x512xf32>
    %add3A_85 = arith.addf %dot_general3A_80, %add3A_84 : vector<1000x512xf32>
    %mul3A_86 = arith.constant 5.000000e-01 : f32
    %mul3A_87 = vector.broadcast %mul3A_86 : f32 to vector<1000x512xf32>
    %mul3A_88 = arith.mulf %mul3A_87, %add3A_85 : vector<1000x512xf32>
    %mul3A_89 = arith.constant 0.707106769 : f32
    %mul3A_90 = vector.broadcast %mul3A_89 : f32 to vector<1000x512xf32>
    %mul3A_91 = arith.mulf %add3A_85, %mul3A_90 : vector<1000x512xf32>
    %erf3A = math.erf %mul3A_91 : vector<1000x512xf32>
    %add3A_92 = arith.constant 1.000000e+00 : f32
    %add3A_93 = vector.broadcast %add3A_92 : f32 to vector<1000x512xf32>
    %add3A_94 = arith.addf %add3A_93, %erf3A : vector<1000x512xf32>
    %mul3A_95 = arith.mulf %mul3A_88, %add3A_94 : vector<1000x512xf32>
    %get3A_96 = arith.constant 0 : index
    %get3A_97 = arith.constant 0 : index
    %get3A_98 = vector.load %arg6[%get3A_96, %get3A_97] : memref<512x128xf32, #tpu.memory_space<vmem>>, vector<512x128xf32>
    %dot_general3A_99 = arith.constant dense<0.000000e+00> : vector<1000x128xf32>
    %dot_general3A_100 = tpu.matmul %mul3A_95, %get3A_98, %dot_general3A_99 {dimension_numbers = #tpu.dot_dimension_numbers<[1], [0], [0], [1], [0, 0, 1, 1], [], []>, transpose_lhs_hint = false} : vector<1000x512xf32>, vector<512x128xf32>, vector<1000x128xf32> -> vector<1000x128xf32>
    %add3A_101 = arith.addf %add3A_47, %dot_general3A_100 : vector<1000x128xf32>
    %get3A_102 = arith.constant 0 : index
    %get3A_103 = arith.constant 0 : index
    %get3A_104 = vector.load %arg7[%get3A_102, %get3A_103] : memref<1x128xf32, #tpu.memory_space<vmem>>, vector<1x128xf32>
    %add3A_105 = vector.broadcast %get3A_104 : vector<1x128xf32> to vector<1000x128xf32>
    %add3A_106 = arith.addf %add3A_101, %add3A_105 : vector<1000x128xf32>
    %swap3A = arith.constant 0 : index
    %swap3A_107 = arith.constant 0 : index
    %swap3A_108 = vector.load %arg10[%swap3A, %swap3A_107] : memref<1000x128xf32, #tpu.memory_space<vmem>>, vector<1000x128xf32>
    tpu.vector_store %arg10[%swap3A, %swap3A_107], %add3A_106 {strides = array<i32>} : memref<1000x128xf32, #tpu.memory_space<vmem>>, vector<1000x128xf32>,
    return
  }
  func.func @transform_0(%arg0: i32) -> (i32, i32, i32) {
    %c0_i32 = arith.constant 0 : i32
    %c0_i32_0 = arith.constant 0 : i32
    %c0_i32_1 = arith.constant 0 : i32
    return %c0_i32, %arg0, %c0_i32_0 : i32, i32, i32
  }
  func.func @transform_1(%arg0: i32) -> (i32, i32) {
    %c0_i32 = arith.constant 0 : i32
    %c0_i32_0 = arith.constant 0 : i32
    return %arg0, %c0_i32 : i32, i32
  }
  func.func @transform_2(%arg0: i32) -> (i32, i32) {
    %c0_i32 = arith.constant 0 : i32
    %c0_i32_0 = arith.constant 0 : i32
    return %arg0, %c0_i32 : i32, i32
  }
  func.func @transform_3(%arg0: i32) -> (i32, i32) {
    %c0_i32 = arith.constant 0 : i32
    %c0_i32_0 = arith.constant 0 : i32
    %c0_i32_1 = arith.constant 0 : i32
    return %c0_i32, %c0_i32_0 : i32, i32
  }
  func.func @transform_4(%arg0: i32) -> (i32, i32) {
    %c0_i32 = arith.constant 0 : i32
    %c0_i32_0 = arith.constant 0 : i32
    %c0_i32_1 = arith.constant 0 : i32
    return %c0_i32, %c0_i32_0 : i32, i32
  }
  func.func @transform_5(%arg0: i32) -> (i32, i32) {
    %c0_i32 = arith.constant 0 : i32
    %c0_i32_0 = arith.constant 0 : i32
    %c0_i32_1 = arith.constant 0 : i32
    return %c0_i32, %c0_i32_0 : i32, i32
  }
  func.func @transform_6(%arg0: i32) -> (i32, i32) {
    %c0_i32 = arith.constant 0 : i32
    %c0_i32_0 = arith.constant 0 : i32
    %c0_i32_1 = arith.constant 0 : i32
    return %c0_i32, %c0_i32_0 : i32, i32
  }
  func.func @transform_7(%arg0: i32) -> (i32, i32) {
    %c0_i32 = arith.constant 0 : i32
    %c0_i32_0 = arith.constant 0 : i32
    %c0_i32_1 = arith.constant 0 : i32
    return %c0_i32, %c0_i32_0 : i32, i32
  }
  func.func @transform_8(%arg0: i32) -> (i32, i32) {
    %c0_i32 = arith.constant 0 : i32
    %c0_i32_0 = arith.constant 0 : i32
    %c0_i32_1 = arith.constant 0 : i32
    return %c0_i32, %c0_i32_0 : i32, i32
  }
  func.func @transform_9(%arg0: i32) -> (i32, i32) {
    %c0_i32 = arith.constant 0 : i32
    %c0_i32_0 = arith.constant 0 : i32
    return %arg0, %c0_i32 : i32, i32
  }
}

</mosaic_0001>

<sc_bundles>
// kernel: kernel.6.cloned.1.call-start
scs
__scs_entry_jumppad:
0x0: {  	(pc) =	sbr.rel $0x88, $3  }
0x1: {  	(tag) =	ssettag $0x0;
	lr =	simm.s32 $0x1  }
0x2: {  	[smem:$0x3F8D] =	sst lr;
	_ =	strace $0xD0000000  }
0x3: {  	_ = 	snop  }
0x4: {  	_ = 	snop  }
0x5: {  	_ = 	snop  }
0x6: {  	_ = 	snop  }
0x7: {  	_ = 	snop  }
__scs_overlays_trampoline_lowered:
0x8: {  	[smem:$0x3F9C] =	sst s0  }
0x9: {  	[smem:$0x3F9D] =	sst s1  }
0xa: {  	[smem:$0x3F9E] =	sst s2  }
0xb: {  	[smem:$0x3F9F] =	sst s3  }
0xc: {  	[smem:$0x3FA0] =	sst s4  }
0xd: {  	[smem:$0x3FA1] =	sst s5  }
0xe: {  	[smem:$0x3FA2] =	sst s6  }
0xf: {  	[smem:$0x3FA3] =	sst s7  }
0x10: {  	[smem:$0x3FA4] =	sst s8  }
0x11: {  	[smem:$0x3FA5] =	sst s9;
	s0 =	simm.s32 @!p0 $0x0  }
0x12: {  	s1 =	sld [smem:$0x3F8B];
	s0 =	simm.s32 @p0 $0x1  }
0x13: {  	[smem:$0x3FA6] =	sst s0;
	s0 =	simm.s32 @!p1 $0x0  }
0x14: {  	s2 =	sld [smem:$0x3F8A];
	s0 =	simm.s32 @p1 $0x1  }
0x15: {  	[smem:$0x3FA7] =	sst s0;
	s0 =	simm.s32 @!p2 $0x0  }
0x16: {  	s3 =	sld [smem:$0x3FDB];
	s0 =	simm.s32 @p2 $0x1  }
0x17: {  	s4 =	simm.s32 $0x1BF5;
	[smem:$0x3FA9] =	sst s0  }
0x18: {  	s0 =	sld [smem:$0x3F8C];
	_ =	swait.ge [sflag:s4], $0x0  }
0x19: {  	s7 =	sld [smem:$0x3F8D]  }
0x1a: {  	s8 =	sadd.s32 $0xFFFFE003, lr  }
0x1b: {  	s9 =	sadd.s32 $0xFFFFFEF7, lr;
	s5 =	simm.s32 $0xFFFFFFFF;
	p2 =	slt.u32 s8, $0xFFFFF086  }
0x1c: {  	p1 =	slt.u32 s9, $0xF7A;
	s5 =	simm.s32 @!p2 $0x0  }
0x1d: {  	s5 =	simm.s32 @p1 $0x1;
	p0 =	seq.s32 s7, s2  }
0x1e: {  	s7 =	smul.u32 @!p0 $0xF7A, s2;
	p2 =	seq.s32 @!p0 s5, $0x0  }
0x1f: {  	s9 =	smul.u32 $0xF7A, s1;
	s8 =	simm.s32 @!p0 $0x1BF5;
	p2 =	por !p2, p0  }
0x20: {  	[sflag:s8] =	ssyncset.s32 @!p0 $0xFFFFF086;
	s6 =	sadd.s32 @!p0 s3, s7;
	s7 =	simm.s32 @!p0 $0x108  }
0x21: {  	s3 =	sadd.s32 s3, s9;
	s6 =	sadd.s32 @!p0 $0x88, s6;
	s7 =	simm.s32 @p2 $0x1082  }
0x22: {  	[simem:s7], [sflag:s8] =	dma.local @!p0 [hbm:s6], $0xF7A  }
0x23: {  	s9 =	sor.u32 $0xD0000000, s2;
	s6 =	simm.s32 $0x108;
	_ =	swait.ge @!p0 [sflag:s8], $0x0  }
0x24: {  	s3 =	sadd.s32 $0x88, s3;
	s6 =	simm.s32 @!p1 $0x1082;
	[sflag:s4] =	ssyncset.s32 $0xFFFFF086  }
0x25: {  	[simem:s6], [sflag:s4] =	dma.local [hbm:s3], $0xF7A  }
0x26: {  	[smem:$0x3F8D] =	sst s1;
	(tag) =	ssettag s2;
	_ =	strace s9  }
0x27: {  	s1 =	sld [smem:$0x3F9D]  }
0x28: {  	s2 =	sld [smem:$0x3F9E]  }
0x29: {  	s4 =	sld [smem:$0x3FA0]  }
0x2a: {  	p0 =	seq.s32 s5, $0x0;
	s5 =	sld [smem:$0x3FA1]  }
0x2b: {  	s6 =	sld [smem:$0x3FA2]  }
0x2c: {  	s7 =	sld [smem:$0x3FA3]  }
0x2d: {  	s3 =	simm.s32 $0x108;
	s8 =	sld [smem:$0x3FA4]  }
0x2e: {  	s3 =	simm.s32 @!p0 $0x1082;
	s9 =	sld [smem:$0x3FA5]  }
0x2f: {  	lr =	sadd.s32 s0, s3;
	s0 =	sld [smem:$0x3F9C]  }
0x30: {  	s3 =	sld [smem:$0x3F9F]  }
0x31: {  	[smem:$0x3FA8] =	sst s10  }
0x32: {  	s10 =	sld [smem:$0x3FA6];
	_ =	sdelay $0x3  }
0x33: {  	p0 =	seq.s32 s10, $0x1;
	s10 =	sld [smem:$0x3FA8];
	_ =	sdelay $0x3  }
0x34: {  	[smem:$0x3FA8] =	sst s10  }
0x35: {  	s10 =	sld [smem:$0x3FA7];
	_ =	sdelay $0x3  }
0x36: {  	p1 =	seq.s32 s10, $0x1;
	s10 =	sld [smem:$0x3FA8];
	_ =	sdelay $0x3  }
0x37: {  	[smem:$0x3FA8] =	sst s10  }
0x38: {  	s10 =	sld [smem:$0x3FA9]  }
0x39: {  	_ = 	snop;
	(pc) =	sbr.ind lr, $3  }
0x3a: {  	_ = 	snop  }
0x3b: {  	_ = 	snop  }
0x3c: {  	p2 =	seq.s32 s10, $0x1;
	s10 =	sld [smem:$0x3FA8]  }
0x3d: {  	_ =	shalt  }
0x3e: {  	_ =	shalt  }
0x3f: {  	_ =	shalt  }
0x40: {  	_ =	shalt  }
0x41: {  	_ =	shalt  }
0x42: {  	_ =	shalt  }
0x43: {  	_ =	shalt  }
0x44: {  	_ =	shalt  }
0x45: {  	_ =	shalt  }
0x46: {  	_ =	shalt  }
0x47: {  	_ =	shalt  }
0x48: {  	_ =	shalt  }
0x49: {  	_ =	shalt  }
0x4a: {  	_ =	shalt  }
0x4b: {  	_ =	shalt  }
0x4c: {  	_ =	shalt  }
0x4d: {  	_ =	shalt  }
0x4e: {  	_ =	shalt  }
0x4f: {  	_ =	shalt  }
0x50: {  	_ =	shalt  }
0x51: {  	_ =	shalt  }
0x52: {  	_ =	shalt  }
0x53: {  	_ =	shalt  }
0x54: {  	_ =	shalt  }
0x55: {  	_ =	shalt  }
0x56: {  	_ =	shalt  }
0x57: {  	_ =	shalt  }
0x58: {  	_ =	shalt  }
0x59: {  	_ =	shalt  }
0x5a: {  	_ =	shalt  }
0x5b: {  	_ =	shalt  }
0x5c: {  	_ =	shalt  }
0x5d: {  	_ =	shalt  }
0x5e: {  	_ =	shalt  }
0x5f: {  	_ =	shalt  }
0x60: {  	_ =	shalt  }
0x61: {  	_ =	shalt  }
0x62: {  	_ =	shalt  }
0x63: {  	_ =	shalt  }
0x64: {  	_ =	shalt  }
0x65: {  	_ =	shalt  }
0x66: {  	_ =	shalt  }
0x67: {  	_ =	shalt  }
0x68: {  	_ =	shalt  }
0x69: {  	_ =	shalt  }
0x6a: {  	_ =	shalt  }
0x6b: {  	_ =	shalt  }
0x6c: {  	_ =	shalt  }
0x6d: {  	_ =	shalt  }
0x6e: {  	_ =	shalt  }
0x6f: {  	_ =	shalt  }
0x70: {  	_ =	shalt  }
0x71: {  	_ =	shalt  }
0x72: {  	_ =	shalt  }
0x73: {  	_ =	shalt  }
0x74: {  	_ =	shalt  }
0x75: {  	_ =	shalt  }
0x76: {  	_ =	shalt  }
0x77: {  	_ =	shalt  }
0x78: {  	_ =	shalt  }
0x79: {  	_ =	shalt  }
0x7a: {  	_ =	shalt  }
0x7b: {  	_ =	shalt  }
0x7c: {  	_ =	shalt  }
0x7d: {  	_ =	shalt  }
0x7e: {  	_ =	shalt  }
0x7f: {  	_ =	shalt  }
0x80: {  	_ =	shalt  }
0x81: {  	_ =	shalt  }
0x82: {  	_ =	shalt  }
0x83: {  	_ =	shalt  }
0x84: {  	_ =	shalt  }
0x85: {  	_ =	shalt  }
0x86: {  	_ =	shalt  }
0x87: {  	_ =	shalt  }
.Lfunc_end0:
.L_simem_size_0:
called_computation_lowered:
.L_overlay_start_0:
0x88: {  	s2 =	sld [smem:$0x3FD9]  }
0x89: {  	s3 =	sld [smem:$0x3FFE];
	_ =	sdelay $0x1  }
0x8a: {  	s1 =	srdreg.scid  }
0x8b: {  	s0 =	sand.u32 $0x1, s1  }
0x8c: {  	s17 =	sshll.u32 s0, $0xA;
	s2 =	sadd.s32 s3, s2  }
0x8d: {  	s2 =	sadd.s32 s2, s17  }
0x8e: {  	[smem:$0x3FB4] =	sst s2  }
0x8f: {  	_ = 	snop  }
0x90: {  	s2 =	sld [smem:$0x3FD0];
	(tm) =	ssettm $0x1  }
0x91: {  	s18 =	sld [smem:$0x3FFB];
	_ =	sdelay $0x3  }
0x92: {  	_ =	strace s18  }
0x93: {  	s3 =	sld [smem:$0x3FFC];
	_ =	sdelay $0x3  }
0x94: {  	_ =	strace s3  }
0x95: {  	s3 =	sld [smem:$0x3FFD];
	_ =	sdelay $0x3  }
0x96: {  	_ =	strace s3  }
0x97: {  	_ =	strace $0x8FFFFFFF  }
0x98: {  	s19 =	sld [smem:$0x3FDB];
	_ =	sdelay $0x1  }
0x99: {  	s4 =	simm.s32 $_scs_section_size  }
0x9a: {  	s5 =	simm.s32 $_size__tile_overlayer_lowered;
	s6 =	simm.s32 $_tile_overlayer_lowered  }
0x9b: {  	s22 =	simm.s32 $0x1BFF;
	s21 =	sshll.u32 s6, $0x1;
	s3 =	sadd.s32 s4, s19  }
0x9c: {  	s7 =	simm.s32 $0x0;
	s20 =	sshll.u32 s5, $0x1;
	s5 =	sadd.s32 s21, s3  }
0x9d: {  	[timem:s7], [sflag:s22] =	dma.local [hbm:s5], s20  }
0x9e: {  	_ =	swait.ge [sflag:s22], s20  }
0x9f: {  	s4 =	ssub.s32 $0x0, s20;
	[sflag:s22] =	ssyncset.done $0x0  }
0xa0: {  	[sflag:s22] =	ssyncadd.s32 s4;
	_ =	sdelay $0x1  }
0xa1: {  	s23 =	simm.s32 $0x1B8B  }
0xa2: {  	_ =	swait.ge [sflag:s23], $0x1  }
0xa3: {  	[sflag:s23] =	ssyncset.done $0x0  }
0xa4: {  	s25 =	simm.s32 $0x1B8E;
	s24 =	sld [smem:$0x3FFE];
	[sflag:s23] =	ssyncadd.s32 $0xFFFFFFFF  }
0xa5: {  	s26 =	simm.s32 $execute0_lowered;
	[smem:$0x3FD2] =	sst s25  }
0xa6: {  	s5 =	sshll.u32 s26, $0x1;
	_ =	strace $0x80000046;
	[dreg:$0x1] =	wrdreg $0xFFFFFFFF  }
0xa7: {  	s28 =	simm.s32 $_size_execute0_lowered;
	s3 =	sadd.s32 s3, s5;
	[dreg:$0x0] =	wrdreg $0x0  }
0xa8: {  	s5 =	sshll.u32 s28, $0x1;
	[dreg:$0x2] =	wrdreg s3  }
0xa9: {  	[dreg:$0x3] =	wrdreg s5  }
0xaa: {  	[dreg:$0x4] =	wrdreg $0xC0  }
0xab: {  	_ =	task [dreg:s7], $0x5FFFF  }
0xac: {  	[dreg:$0x1] =	wrdreg $0xFFFFFFFF  }
0xad: {  	[dreg:$0x0] =	wrdreg $0x60  }
0xae: {  	[dreg:$0x2] =	wrdreg s24  }
0xaf: {  	[dreg:$0x3] =	wrdreg s2  }
0xb0: {  	[dreg:$0x4] =	wrdreg $0x0  }
0xb1: {  	[dreg:$0x5] =	wrdreg $0x9  }
0xb2: {  	_ =	task.clear_ibuf [dreg:s7], $0x6FFFF;
	_ =	strace $0x90000046  }
0xb3: {  	s29 =	simm.s32 $0x9;
	_ =	strace $0x80000048  }
0xb4: {  	_ =	swait.ge [sflag:s29], $0x1  }
0xb5: {  	[sflag:s29] =	ssyncadd.s32 $0xFFFFFFFF  }
0xb6: {  	_ =	strace $0x90000048  }
0xb7: {  	_ =	sfence  }
0xb8: {  	s30 =	sld [smem:$0x0];
	_ =	sdelay $0x2  }
0xb9: {  	s31 =	sshll.u32 s1, $0xD;
	s1 =	sshrl.u32 s1, $0x2  }
0xba: {  	s3 =	sand.u32 $0x4000, s31;
	s1 =	sadd.s32 s1, s30  }
0xbb: {  	s0 =	sor.u32 s3, s0;
	s1 =	sshll.u32 s1, $0x11  }
0xbc: {  	s0 =	sor.u32 s1, s0  }
0xbd: {  	s0 =	sadd.s32 $0x8F2B, s0  }
0xbe: {  	[sflag:s0] =	ssyncadd.remote.s32 $0x1  }
0xbf: {  	_ =	sfence.sel $0xFFFF  }
0xc0: {  	[dreg:$0x0] =	wrdreg $0xFFFFFFFF;
	(pc) =	sbr.abs _section_cstart, $3  }
0xc1: {  	[dreg:$0x1] =	wrdreg $0xFFFFFFFF  }
0xc2: {  	_ =	task.clear_ibuf [dreg:s7], $0x2FFFF;
	_ =	strace $0x9FFFFFFF  }
0xc3: {  	(tm) =	ssettm $0x7FFFFFFF  }
tec
execute0_lowered:
.L_overlay_start_1:
0x0: {  	(tag) =	ssettag $0x1  }
0x1: {  	s9 =	rddreg [dreg:$0x0]  }
0x2: {  	s1 =	rddreg [dreg:$0x1]  }
0x3: {  	s2 =	rddreg [dreg:$0x2]  }
0x4: {  	s0 =	rddreg [dreg:$0x3]  }
0x5: {  	s4 =	simm.s32 $0x0;
	v0 =	vimm.s32 $0xFEDCBA98;
	s5 =	srdreg.scid;
	s3 =	stileid.u32;
	v1 =	vimm.s32 $0x76543210;
	v2 =	vimm.s32 $0x3210FEDC  }
0x6: {  	v3 =	vimm.s32 $0xBA987654;
	s15 =	simm.s32 $0x15F90;
	s16 =	simm.s32 $0x15FB8;
	s17 =	simm.s32 $0x15FE0  }
0x7: {  	v4 =	vimm.s32 $0x10FEDCBA;
	v5 =	vimm.s32 $0x98765432;
	s18 =	simm.s32 $0x28;
	s19 =	simm.s32 $0x173E0;
	s20 =	simm.s32 $0x1  }
0x8: {  	v6 =	vimm.s32 $0xFEDCBA9;
	v7 =	vimm.s32 $0x87654321;
	s21 =	simm.s32 $0x2;
	vm0 =	vmmov $0x1;
	s22 =	simm.s32 $0x19BE0;
	s23 =	simm.s32 $0x1AFE0  }
0x9: {  	s24 =	simm.s32 $0x0;
	[smem:$0x7FF] =	sst s4;
	v0 =	vunpack.c.l.s4.s8 v0;
	s10 =	sand.u32 $0x1, s5;
	v1 =	vunpack.c.l.s4.s8 v1;
	v2 =	vunpack.c.l.s4.s8 v2  }
0xa: {  	s8 =	smul.u32 $0x2BF2, s3;
	s5 =	sadd.s32 $0x77800, s9;
	s6 =	sadd.s32 $0x2400, s9;
	v3 =	vunpack.c.l.s4.s8 v3;
	v4 =	vunpack.c.l.s4.s8 v4;
	v5 =	vunpack.c.l.s4.s8 v5  }
0xb: {  	s7 =	sadd.s32 $0x5A7A00, s9;
	s13 =	smul.u32 $0x57E40, s3;
	v6 =	vunpack.c.l.s4.s8 v6;
	v7 =	vunpack.c.l.s4.s8 v7;
	s30 =	sshll.u32 s3, $0x1;
	v0 =	vunpack.c.0.s8.s32 v0  }
0xc: {  	s31 =	sshll.u32 s3, $0x6;
	s11 =	smul.u32 $0x2BF20, s10;
	s12 =	ssub.s32 $0x2, s10;
	v2 =	vunpack.c.0.s8.s32 v2;
	v3 =	vunpack.c.0.s8.s32 v3;
	v4 =	vunpack.c.0.s8.s32 v4  }
0xd: {  	_ =	strace $0x80000047;
	s10 =	sor.u32 s10, s30;
	s14 =	sshrl.u32 s12, $0x1;
	v5 =	vunpack.c.0.s8.s32 v5;
	v6 =	vunpack.c.0.s8.s32 v6;
	v7 =	vunpack.c.0.s8.s32 v7  }
0xe: {  	vm1 =	vmmov $0x3;
	s13 =	sshrl.u32 s13, $0x2;
	s10 =	smul.u32 $0x2710, s10;
	v1 =	vunpack.c.0.s8.s32 v1;
	s11 =	sadd.s32 s8, s11;
	v2 =	vcombine.low v3, v2  }
0xf: {  	s8 =	sadd.s32 $0x15E00, s9;
	s12 =	ssub.s32 s12, s14;
	s13 =	sadd.s32 s13, s2;
	v3 =	vcombine.low v5, v4;
	v4 =	vcombine.low v7, v6;
	v0 =	vand.u32 $0xF, v0  }
0x10: {  	vm2 =	vmmov $0x7;
	vm3 =	vmmov $0xf;
	s14 =	simm.s32 $0x3;
	s11 =	sadd.s32 s11, s9;
	s9 =	sor.u32 $0x1C03, s31;
	v0 =	vcombine.low v0, v1  }
0x11: {  	s12 =	smax.u32 s12, $0x1;
	s13 =	sshrl.u32 s13, $0x3;
	s11 =	sadd.s32 $0xC5A00, s11;
	v1 =	vand.u32 $0xF, v2;
	v2 =	vand.u32 $0xF, v3;
	v3 =	vand.u32 $0xF, v4  }
.LBB2_1:
0x12: {  	[spmem:s13], [sflag:s9] =	dma.local [hbm:s8], $0x2BF2  }
0x13: {  	_ =	swait.ge [sflag:s14], $0x2BF2  }
0x14: {  	[sflag:s14] =	ssyncset.done $0x0  }
0x15: {  	[sflag:s14] =	ssyncadd.s32 $0xFFFFD40E  }
0x16: {  	s25 =	simm.s32 $0x0;
	[bflag:$0x0] =	sbarrier.arrive $0xFFFF  }
.LBB2_2:
0x17: {  	s26 =	smul.u32 $0x28, s25;
	_ =	sdelay $0x1  }
0x18: {  	s26 =	sadd.s32 s10, s26  }
0x19: {  	s28 =	sshrl.u32 s26, $0x3  }
0x1a: {  	s28 =	sadd.s32 s6, s28  }
0x1b: {  	[tilespmem:s15], [sflag:$0x3] =	stream.linear.gather [hbm4b:s28+s4], $0x28, $0x38;
	[tilespmem:$0x1C660] =	vst v63  }
0x1c: {  	_ =	swait.ge [sflag:s14], $0x28  }
0x1d: {  	[sflag:s14] =	ssyncset.done $0x0  }
0x1e: {  	s28 =	sadd.s32 $0x9C40, s28;
	[sflag:s14] =	ssyncadd.s32 $0xFFFFFFD8  }
0x1f: {  	[tilespmem:s16], [sflag:$0x3] =	stream.linear.gather [hbm4b:s28+s4], $0x28, $0x38;
	[tilespmem:$0x1C660] =	vst v63  }
0x20: {  	_ =	swait.ge [sflag:s14], $0x28  }
0x21: {  	s26 =	sshll.u32 s26, $0x4;
	[sflag:s14] =	ssyncset.done $0x0  }
0x22: {  	s26 =	sadd.s32 s7, s26;
	[sflag:s14] =	ssyncadd.s32 $0xFFFFFFD8  }
0x23: {  	[tilespmem:s17], [sflag:$0x1] =	stream.linear.gather [hbm4b:s26+s4], $0x1400, $0x38;
	[tilespmem:$0x1C660] =	vst v63  }
0x24: {  	_ = 	snop  }
0x25: {  	[tilespmem:s19], [sflag:$0x2] =	stream.indirect.gather [hbm4b:s5+s18], $0x100, s15, s18, $0xb8;
	[tilespmem:$0x1C660] =	vst v63  }
0x26: {  	_ =	swait.ge [sflag:s20], $0x1400  }
0x27: {  	[sflag:s20] =	ssyncset.done $0x0  }
0x28: {  	[sflag:s20] =	ssyncadd.s32 $0xFFFFEC00  }
0x29: {  	_ =	swait.ge [sflag:s21], $0x2800  }
0x2a: {  	[sflag:s21] =	ssyncset.done $0x0  }
0x2b: {  	[sflag:s21] =	ssyncadd.s32 $0xFFFFD800  }
0x2c: {  	[tilespmem:s22], [sflag:$0x1] =	stream.indirect.gather [hbm4b:s1+s18], $0x80, s16, s18, $0xb8;
	[tilespmem:$0x1C660] =	vst v63  }
0x2d: {  	s29 =	simm.s32 $0x160E0;
	_ =	swait.ge [sflag:s20], $0x1400  }
0x2e: {  	s30 =	simm.s32 $0x175E0;
	s31 =	simm.s32 $0x1B100;
	[sflag:s20] =	ssyncset.done $0x0  }
0x2f: {  	s28 =	simm.s32 $0x19CE0;
	s26 =	simm.s32 $0xFFFFFFFC;
	[sflag:s20] =	ssyncadd.s32 $0xFFFFEC00  }
.LBB2_3:
0x30: {  	v4 =	vld [tilespmem:s29+$0xFFFFFF00]  }
0x31: {  	v5 =	vld [tilespmem:s29+$0xFFFFFF10]  }
0x32: {  	v6 =	vld [tilespmem:s30+$0xFFFFFE00]  }
0x33: {  	v7 =	vld [tilespmem:s30+$0xFFFFFE10]  }
0x34: {  	v8 =	vld [tilespmem:s28+$0xFFFFFF00]  }
0x35: {  	v9 =	vld [tilespmem:s28+$0xFFFFFF10];
	_ =	sdelay $0x2  }
0x36: {  	v6 =	vadd.f32 v6, v4;
	v7 =	vadd.f32 v7, v5;
	_ =	sdelay $0x1  }
0x37: {  	v6 =	vmul.f32 v6, v8;
	v7 =	vmul.f32 v7, v9;
	_ =	sdelay $0x1  }
0x38: {  	v6 =	vadd.f32 v7, v6;
	_ =	sdelay $0x1  }
0x39: {  	v7 =	vperm.xlane v6, v0;
	_ =	sdelay $0x1  }
0x3a: {  	v6 =	vadd.f32 v6, v7;
	_ =	sdelay $0x1  }
0x3b: {  	v7 =	vperm.xlane v6, v1;
	_ =	sdelay $0x1  }
0x3c: {  	v6 =	vadd.f32 v6, v7;
	_ =	sdelay $0x1  }
0x3d: {  	v7 =	vperm.xlane v6, v2;
	_ =	sdelay $0x1  }
0x3e: {  	v6 =	vadd.f32 v6, v7;
	_ =	sdelay $0x1  }
0x3f: {  	v7 =	vperm.xlane v6, v3;
	_ =	sdelay $0x1  }
0x40: {  	v6 =	vadd.f32 v6, v7;
	_ =	sdelay $0x1  }
0x41: {  	v6 =	vmin.f32 v6, $6.000000000e+01  }
0x42: {  	v6 =	vmul.f32 $1.442695020e+00, v6;
	_ =	sdelay $0x1  }
0x43: {  	(erf) = vpow2.f32 v6;
	_ =	sdelay $0x2  }
0x44: {  	v60 =	vld [tilespmem:s30+$0xFFFFFE80]  }
0x45: {  	v61 =	vld [tilespmem:s30+$0xFFFFFE90];
	_ =	sdelay $0x3  }
0x46: {  	v4 =	vadd.f32 v60, v4  }
0x47: {  	v5 =	vadd.f32 v61, v5;
	v62 =	vpop (erf)  }
0x48: {  	v4 =	vmul.f32 v62, v4  }
0x49: {  	v5 =	vmul.f32 v62, v5  }
0x4a: {  	[tilespmem:s31+$0xFFFFFEE0] =	vst v4  }
0x4b: {  	[tilespmem:s31+$0xFFFFFEF0] =	vst v5  }
0x4c: {  	v4 =	vld [tilespmem:s29+$0xFFFFFF20]  }
0x4d: {  	v5 =	vld [tilespmem:s29+$0xFFFFFF30]  }
0x4e: {  	v63 =	vld [tilespmem:s30+$0xFFFFFE20]  }
0x4f: {  	v12 =	vld [tilespmem:s30+$0xFFFFFE30]  }
0x50: {  	v13 =	vld [tilespmem:s28+$0xFFFFFF20]  }
0x51: {  	v10 =	vld [tilespmem:s28+$0xFFFFFF30];
	_ =	sdelay $0x2  }
0x52: {  	v7 =	vadd.f32 v63, v4;
	v8 =	vadd.f32 v12, v5;
	_ =	sdelay $0x1  }
0x53: {  	v7 =	vmul.f32 v7, v13;
	v8 =	vmul.f32 v8, v10;
	_ =	sdelay $0x1  }
0x54: {  	v7 =	vadd.f32 v8, v7;
	_ =	sdelay $0x1  }
0x55: {  	v8 =	vperm.xlane v7, v0;
	_ =	sdelay $0x1  }
0x56: {  	v7 =	vadd.f32 v7, v8;
	_ =	sdelay $0x1  }
0x57: {  	v8 =	vperm.xlane v7, v1;
	_ =	sdelay $0x1  }
0x58: {  	v7 =	vadd.f32 v7, v8;
	_ =	sdelay $0x1  }
0x59: {  	v8 =	vperm.xlane v7, v2;
	_ =	sdelay $0x1  }
0x5a: {  	v7 =	vadd.f32 v7, v8;
	_ =	sdelay $0x1  }
0x5b: {  	v8 =	vperm.xlane v7, v3;
	_ =	sdelay $0x1  }
0x5c: {  	v7 =	vadd.f32 v7, v8;
	_ =	sdelay $0x1  }
0x5d: {  	v7 =	vmin.f32 v7, $6.000000000e+01  }
0x5e: {  	v7 =	vmul.f32 $1.442695020e+00, v7;
	_ =	sdelay $0x1  }
0x5f: {  	(erf) = vpow2.f32 v7;
	_ =	sdelay $0x2  }
0x60: {  	v14 =	vld [tilespmem:s30+$0xFFFFFEA0]  }
0x61: {  	v15 =	vld [tilespmem:s30+$0xFFFFFEB0];
	_ =	sdelay $0x3  }
0x62: {  	v4 =	vadd.f32 v14, v4  }
0x63: {  	v5 =	vadd.f32 v15, v5;
	v16 =	vpop (erf)  }
0x64: {  	v4 =	vmul.f32 v16, v4  }
0x65: {  	v5 =	vmul.f32 v16, v5  }
0x66: {  	[tilespmem:s31+$0xFFFFFF00] =	vst v4  }
0x67: {  	[tilespmem:s31+$0xFFFFFF10] =	vst v5  }
0x68: {  	v4 =	vld [tilespmem:s29+$0xFFFFFF40]  }
0x69: {  	v5 =	vld [tilespmem:s29+$0xFFFFFF50]  }
0x6a: {  	v17 =	vld [tilespmem:s30+$0xFFFFFE40]  }
0x6b: {  	v18 =	vld [tilespmem:s30+$0xFFFFFE50]  }
0x6c: {  	v19 =	vld [tilespmem:s28+$0xFFFFFF40]  }
0x6d: {  	v11 =	vld [tilespmem:s28+$0xFFFFFF50];
	_ =	sdelay $0x2  }
0x6e: {  	v8 =	vadd.f32 v17, v4;
	v9 =	vadd.f32 v18, v5;
	_ =	sdelay $0x1  }
0x6f: {  	v8 =	vmul.f32 v8, v19;
	v9 =	vmul.f32 v9, v11;
	_ =	sdelay $0x1  }
0x70: {  	v8 =	vadd.f32 v9, v8;
	_ =	sdelay $0x1  }
0x71: {  	v9 =	vperm.xlane v8, v0;
	_ =	sdelay $0x1  }
0x72: {  	v8 =	vadd.f32 v8, v9;
	_ =	sdelay $0x1  }
0x73: {  	v9 =	vperm.xlane v8, v1;
	_ =	sdelay $0x1  }
0x74: {  	v8 =	vadd.f32 v8, v9;
	_ =	sdelay $0x1  }
0x75: {  	v9 =	vperm.xlane v8, v2;
	_ =	sdelay $0x1  }
0x76: {  	v8 =	vadd.f32 v8, v9;
	_ =	sdelay $0x1  }
0x77: {  	v9 =	vperm.xlane v8, v3;
	_ =	sdelay $0x1  }
0x78: {  	v8 =	vadd.f32 v8, v9;
	_ =	sdelay $0x1  }
0x79: {  	v8 =	vmin.f32 v8, $6.000000000e+01  }
0x7a: {  	v8 =	vmul.f32 $1.442695020e+00, v8;
	_ =	sdelay $0x1  }
0x7b: {  	(erf) = vpow2.f32 v8;
	_ =	sdelay $0x2  }
0x7c: {  	v20 =	vld [tilespmem:s30+$0xFFFFFEC0]  }
0x7d: {  	v21 =	vld [tilespmem:s30+$0xFFFFFED0];
	_ =	sdelay $0x3  }
0x7e: {  	v4 =	vadd.f32 v20, v4  }
0x7f: {  	v5 =	vadd.f32 v21, v5;
	v22 =	vpop (erf)  }
0x80: {  	v4 =	vmul.f32 v22, v4  }
0x81: {  	v5 =	vmul.f32 v22, v5  }
0x82: {  	[tilespmem:s31+$0xFFFFFF20] =	vst v4  }
0x83: {  	[tilespmem:s31+$0xFFFFFF30] =	vst v5  }
0x84: {  	v4 =	vld [tilespmem:s29+$0xFFFFFF60]  }
0x85: {  	v5 =	vld [tilespmem:s29+$0xFFFFFF70]  }
0x86: {  	v23 =	vld [tilespmem:s30+$0xFFFFFE60]  }
0x87: {  	v24 =	vld [tilespmem:s30+$0xFFFFFE70]  }
0x88: {  	v25 =	vld [tilespmem:s28+$0xFFFFFF60]  }
0x89: {  	v12 =	vld [tilespmem:s28+$0xFFFFFF70];
	_ =	sdelay $0x2  }
0x8a: {  	v9 =	vadd.f32 v23, v4;
	v10 =	vadd.f32 v24, v5;
	_ =	sdelay $0x1  }
0x8b: {  	v9 =	vmul.f32 v9, v25;
	v10 =	vmul.f32 v10, v12;
	_ =	sdelay $0x1  }
0x8c: {  	v9 =	vadd.f32 v10, v9;
	_ =	sdelay $0x1  }
0x8d: {  	v10 =	vperm.xlane v9, v0;
	_ =	sdelay $0x1  }
0x8e: {  	v9 =	vadd.f32 v9, v10;
	_ =	sdelay $0x1  }
0x8f: {  	v10 =	vperm.xlane v9, v1;
	_ =	sdelay $0x1  }
0x90: {  	v9 =	vadd.f32 v9, v10;
	_ =	sdelay $0x1  }
0x91: {  	v10 =	vperm.xlane v9, v2;
	_ =	sdelay $0x1  }
0x92: {  	v9 =	vadd.f32 v9, v10;
	_ =	sdelay $0x1  }
0x93: {  	v10 =	vperm.xlane v9, v3;
	_ =	sdelay $0x1  }
0x94: {  	v9 =	vadd.f32 v9, v10;
	_ =	sdelay $0x1  }
0x95: {  	v9 =	vmin.f32 v9, $6.000000000e+01  }
0x96: {  	v9 =	vmul.f32 $1.442695020e+00, v9;
	_ =	sdelay $0x1  }
0x97: {  	(erf) = vpow2.f32 v9;
	_ =	sdelay $0x2  }
0x98: {  	v26 =	vld [tilespmem:s30+$0xFFFFFEE0]  }
0x99: {  	v27 =	vld [tilespmem:s30+$0xFFFFFEF0];
	_ =	sdelay $0x3  }
0x9a: {  	v4 =	vadd.f32 v26, v4  }
0x9b: {  	v5 =	vadd.f32 v27, v5;
	v28 =	vpop (erf)  }
0x9c: {  	v6 =	vsel vm0, v62, v16;
	v4 =	vmul.f32 v28, v4  }
0x9d: {  	v6 =	vsel vm1, v6, v22;
	v5 =	vmul.f32 v28, v5  }
0x9e: {  	[tilespmem:s31+$0xFFFFFF40] =	vst v4;
	v4 =	vsel vm2, v6, v28  }
0x9f: {  	[tilespmem:s31+$0xFFFFFF50] =	vst v5;
	v4 =	vnsel vm3, $0x0, v4  }
0xa0: {  	[tilespmem:s31+$0xFFFFFF60] =	vst v4  }
0xa1: {  	v4 =	vld [tilespmem:s29+$0xFFFFFF80]  }
0xa2: {  	v5 =	vld [tilespmem:s29+$0xFFFFFF90]  }
0xa3: {  	v29 =	vld [tilespmem:s30+$0xFFFFFF00]  }
0xa4: {  	v30 =	vld [tilespmem:s30+$0xFFFFFF10]  }
0xa5: {  	v31 =	vld [tilespmem:s28+$0xFFFFFF80]  }
0xa6: {  	v32 =	vld [tilespmem:s28+$0xFFFFFF90];
	_ =	sdelay $0x2  }
0xa7: {  	v6 =	vadd.f32 v29, v4;
	v7 =	vadd.f32 v30, v5;
	_ =	sdelay $0x1  }
0xa8: {  	v6 =	vmul.f32 v6, v31;
	v7 =	vmul.f32 v7, v32;
	_ =	sdelay $0x1  }
0xa9: {  	v6 =	vadd.f32 v7, v6;
	_ =	sdelay $0x1  }
0xaa: {  	v7 =	vperm.xlane v6, v0;
	_ =	sdelay $0x1  }
0xab: {  	v6 =	vadd.f32 v6, v7;
	_ =	sdelay $0x1  }
0xac: {  	v7 =	vperm.xlane v6, v1;
	_ =	sdelay $0x1  }
0xad: {  	v6 =	vadd.f32 v6, v7;
	_ =	sdelay $0x1  }
0xae: {  	v7 =	vperm.xlane v6, v2;
	_ =	sdelay $0x1  }
0xaf: {  	v6 =	vadd.f32 v6, v7;
	_ =	sdelay $0x1  }
0xb0: {  	v7 =	vperm.xlane v6, v3;
	_ =	sdelay $0x1  }
0xb1: {  	v6 =	vadd.f32 v6, v7;
	_ =	sdelay $0x1  }
0xb2: {  	v6 =	vmin.f32 v6, $6.000000000e+01  }
0xb3: {  	v6 =	vmul.f32 $1.442695020e+00, v6;
	_ =	sdelay $0x1  }
0xb4: {  	(erf) = vpow2.f32 v6;
	_ =	sdelay $0x2  }
0xb5: {  	v33 =	vld [tilespmem:s30+$0xFFFFFF80]  }
0xb6: {  	v34 =	vld [tilespmem:s30+$0xFFFFFF90];
	_ =	sdelay $0x3  }
0xb7: {  	v4 =	vadd.f32 v33, v4  }
0xb8: {  	v5 =	vadd.f32 v34, v5;
	v35 =	vpop (erf)  }
0xb9: {  	v4 =	vmul.f32 v35, v4  }
0xba: {  	v5 =	vmul.f32 v35, v5  }
0xbb: {  	[tilespmem:s31+$0xFFFFFF70] =	vst v4  }
0xbc: {  	[tilespmem:s31+$0xFFFFFF80] =	vst v5  }
0xbd: {  	v4 =	vld [tilespmem:s29+$0xFFFFFFA0]  }
0xbe: {  	v5 =	vld [tilespmem:s29+$0xFFFFFFB0]  }
0xbf: {  	v36 =	vld [tilespmem:s30+$0xFFFFFF20]  }
0xc0: {  	v37 =	vld [tilespmem:s30+$0xFFFFFF30]  }
0xc1: {  	v38 =	vld [tilespmem:s28+$0xFFFFFFA0]  }
0xc2: {  	v39 =	vld [tilespmem:s28+$0xFFFFFFB0];
	_ =	sdelay $0x2  }
0xc3: {  	v7 =	vadd.f32 v36, v4;
	v8 =	vadd.f32 v37, v5;
	_ =	sdelay $0x1  }
0xc4: {  	v7 =	vmul.f32 v7, v38;
	v8 =	vmul.f32 v8, v39;
	_ =	sdelay $0x1  }
0xc5: {  	v7 =	vadd.f32 v8, v7;
	_ =	sdelay $0x1  }
0xc6: {  	v8 =	vperm.xlane v7, v0;
	_ =	sdelay $0x1  }
0xc7: {  	v7 =	vadd.f32 v7, v8;
	_ =	sdelay $0x1  }
0xc8: {  	v8 =	vperm.xlane v7, v1;
	_ =	sdelay $0x1  }
0xc9: {  	v7 =	vadd.f32 v7, v8;
	_ =	sdelay $0x1  }
0xca: {  	v8 =	vperm.xlane v7, v2;
	_ =	sdelay $0x1  }
0xcb: {  	v7 =	vadd.f32 v7, v8;
	_ =	sdelay $0x1  }
0xcc: {  	v8 =	vperm.xlane v7, v3;
	_ =	sdelay $0x1  }
0xcd: {  	v7 =	vadd.f32 v7, v8;
	_ =	sdelay $0x1  }
0xce: {  	v7 =	vmin.f32 v7, $6.000000000e+01  }
0xcf: {  	v7 =	vmul.f32 $1.442695020e+00, v7;
	_ =	sdelay $0x1  }
0xd0: {  	(erf) = vpow2.f32 v7;
	_ =	sdelay $0x2  }
0xd1: {  	v40 =	vld [tilespmem:s30+$0xFFFFFFA0]  }
0xd2: {  	v41 =	vld [tilespmem:s30+$0xFFFFFFB0];
	_ =	sdelay $0x3  }
0xd3: {  	v4 =	vadd.f32 v40, v4  }
0xd4: {  	v5 =	vadd.f32 v41, v5;
	v42 =	vpop (erf)  }
0xd5: {  	v4 =	vmul.f32 v42, v4  }
0xd6: {  	v5 =	vmul.f32 v42, v5  }
0xd7: {  	[tilespmem:s31+$0xFFFFFF90] =	vst v4  }
0xd8: {  	[tilespmem:s31+$0xFFFFFFA0] =	vst v5  }
0xd9: {  	v4 =	vld [tilespmem:s29+$0xFFFFFFC0]  }
0xda: {  	v5 =	vld [tilespmem:s29+$0xFFFFFFD0]  }
0xdb: {  	v43 =	vld [tilespmem:s30+$0xFFFFFF40]  }
0xdc: {  	v44 =	vld [tilespmem:s30+$0xFFFFFF50]  }
0xdd: {  	v45 =	vld [tilespmem:s28+$0xFFFFFFC0]  }
0xde: {  	v46 =	vld [tilespmem:s28+$0xFFFFFFD0];
	_ =	sdelay $0x2  }
0xdf: {  	v8 =	vadd.f32 v43, v4;
	v9 =	vadd.f32 v44, v5;
	_ =	sdelay $0x1  }
0xe0: {  	v8 =	vmul.f32 v8, v45;
	v9 =	vmul.f32 v9, v46;
	_ =	sdelay $0x1  }
0xe1: {  	v8 =	vadd.f32 v9, v8;
	_ =	sdelay $0x1  }
0xe2: {  	v9 =	vperm.xlane v8, v0;
	_ =	sdelay $0x1  }
0xe3: {  	v8 =	vadd.f32 v8, v9;
	_ =	sdelay $0x1  }
0xe4: {  	v9 =	vperm.xlane v8, v1;
	_ =	sdelay $0x1  }
0xe5: {  	v8 =	vadd.f32 v8, v9;
	_ =	sdelay $0x1  }
0xe6: {  	v9 =	vperm.xlane v8, v2;
	_ =	sdelay $0x1  }
0xe7: {  	v8 =	vadd.f32 v8, v9;
	_ =	sdelay $0x1  }
0xe8: {  	v9 =	vperm.xlane v8, v3;
	_ =	sdelay $0x1  }
0xe9: {  	v8 =	vadd.f32 v8, v9;
	_ =	sdelay $0x1  }
0xea: {  	v8 =	vmin.f32 v8, $6.000000000e+01  }
0xeb: {  	v8 =	vmul.f32 $1.442695020e+00, v8;
	_ =	sdelay $0x1  }
0xec: {  	(erf) = vpow2.f32 v8;
	_ =	sdelay $0x2  }
0xed: {  	v47 =	vld [tilespmem:s30+$0xFFFFFFC0]  }
0xee: {  	v48 =	vld [tilespmem:s30+$0xFFFFFFD0];
	_ =	sdelay $0x3  }
0xef: {  	v4 =	vadd.f32 v47, v4  }
0xf0: {  	v5 =	vadd.f32 v48, v5;
	v49 =	vpop (erf)  }
0xf1: {  	v4 =	vmul.f32 v49, v4  }
0xf2: {  	v5 =	vmul.f32 v49, v5  }
0xf3: {  	[tilespmem:s31+$0xFFFFFFB0] =	vst v4  }
0xf4: {  	[tilespmem:s31+$0xFFFFFFC0] =	vst v5  }
0xf5: {  	v4 =	vld [tilespmem:s29+$0xFFFFFFE0]  }
0xf6: {  	v5 =	vld [tilespmem:s29+$0xFFFFFFF0]  }
0xf7: {  	v50 =	vld [tilespmem:s30+$0xFFFFFF60]  }
0xf8: {  	v51 =	vld [tilespmem:s30+$0xFFFFFF70]  }
0xf9: {  	v52 =	vld [tilespmem:s28+$0xFFFFFFE0]  }
0xfa: {  	v53 =	vld [tilespmem:s28+$0xFFFFFFF0];
	_ =	sdelay $0x2  }
0xfb: {  	v9 =	vadd.f32 v50, v4;
	v10 =	vadd.f32 v51, v5;
	_ =	sdelay $0x1  }
0xfc: {  	v9 =	vmul.f32 v9, v52;
	v10 =	vmul.f32 v10, v53;
	_ =	sdelay $0x1  }
0xfd: {  	v9 =	vadd.f32 v10, v9;
	_ =	sdelay $0x1  }
0xfe: {  	v10 =	vperm.xlane v9, v0;
	_ =	sdelay $0x1  }
0xff: {  	v9 =	vadd.f32 v9, v10;
	_ =	sdelay $0x1  }
0x100: {  	v10 =	vperm.xlane v9, v1;
	_ =	sdelay $0x1  }
0x101: {  	v9 =	vadd.f32 v9, v10;
	_ =	sdelay $0x1  }
0x102: {  	v10 =	vperm.xlane v9, v2;
	_ =	sdelay $0x1  }
0x103: {  	v9 =	vadd.f32 v9, v10;
	_ =	sdelay $0x1  }
0x104: {  	v10 =	vperm.xlane v9, v3;
	_ =	sdelay $0x1  }
0x105: {  	v9 =	vadd.f32 v9, v10;
	_ =	sdelay $0x1  }
0x106: {  	v9 =	vmin.f32 v9, $6.000000000e+01  }
0x107: {  	v9 =	vmul.f32 $1.442695020e+00, v9;
	_ =	sdelay $0x1  }
0x108: {  	(erf) = vpow2.f32 v9;
	_ =	sdelay $0x2  }
0x109: {  	v54 =	vld [tilespmem:s30+$0xFFFFFFE0]  }
0x10a: {  	v55 =	vld [tilespmem:s30+$0xFFFFFFF0];
	_ =	sdelay $0x3  }
0x10b: {  	v4 =	vadd.f32 v54, v4  }
0x10c: {  	v5 =	vadd.f32 v55, v5;
	v56 =	vpop (erf)  }
0x10d: {  	v6 =	vsel vm0, v35, v42;
	v4 =	vmul.f32 v56, v4  }
0x10e: {  	v6 =	vsel vm1, v6, v49;
	v5 =	vmul.f32 v56, v5  }
0x10f: {  	[tilespmem:s31+$0xFFFFFFD0] =	vst v4;
	v4 =	vsel vm2, v6, v56  }
0x110: {  	[tilespmem:s31+$0xFFFFFFE0] =	vst v5;
	v4 =	vnsel vm3, $0x0, v4  }
0x111: {  	[tilespmem:s31+$0xFFFFFFF0] =	vst v4  }
0x112: {  	v4 =	vld [tilespmem:s29+$0x0]  }
0x113: {  	v5 =	vld [tilespmem:s29+$0x10]  }
0x114: {  	v57 =	vld [tilespmem:s30+$0x0]  }
0x115: {  	v58 =	vld [tilespmem:s30+$0x10]  }
0x116: {  	v59 =	vld [tilespmem:s28+$0x0]  }
0x117: {  	v60 =	vld [tilespmem:s28+$0x10];
	_ =	sdelay $0x2  }
0x118: {  	v6 =	vadd.f32 v57, v4;
	v7 =	vadd.f32 v58, v5;
	_ =	sdelay $0x1  }
0x119: {  	v6 =	vmul.f32 v6, v59;
	v7 =	vmul.f32 v7, v60;
	_ =	sdelay $0x1  }
0x11a: {  	v6 =	vadd.f32 v7, v6;
	_ =	sdelay $0x1  }
0x11b: {  	v7 =	vperm.xlane v6, v0;
	_ =	sdelay $0x1  }
0x11c: {  	v6 =	vadd.f32 v6, v7;
	_ =	sdelay $0x1  }
0x11d: {  	v7 =	vperm.xlane v6, v1;
	_ =	sdelay $0x1  }
0x11e: {  	v6 =	vadd.f32 v6, v7;
	_ =	sdelay $0x1  }
0x11f: {  	v7 =	vperm.xlane v6, v2;
	_ =	sdelay $0x1  }
0x120: {  	v6 =	vadd.f32 v6, v7;
	_ =	sdelay $0x1  }
0x121: {  	v7 =	vperm.xlane v6, v3;
	_ =	sdelay $0x1  }
0x122: {  	v6 =	vadd.f32 v6, v7;
	_ =	sdelay $0x1  }
0x123: {  	v6 =	vmin.f32 v6, $6.000000000e+01  }
0x124: {  	v6 =	vmul.f32 $1.442695020e+00, v6;
	_ =	sdelay $0x1  }
0x125: {  	(erf) = vpow2.f32 v6;
	_ =	sdelay $0x2  }
0x126: {  	v61 =	vld [tilespmem:s30+$0x80]  }
0x127: {  	v62 =	vld [tilespmem:s30+$0x90];
	_ =	sdelay $0x3  }
0x128: {  	v4 =	vadd.f32 v61, v4  }
0x129: {  	v5 =	vadd.f32 v62, v5;
	v63 =	vpop (erf)  }
0x12a: {  	v4 =	vmul.f32 v63, v4  }
0x12b: {  	v5 =	vmul.f32 v63, v5  }
0x12c: {  	[tilespmem:s31+$0x0] =	vst v4  }
0x12d: {  	[tilespmem:s31+$0x10] =	vst v5  }
0x12e: {  	v4 =	vld [tilespmem:s29+$0x20]  }
0x12f: {  	v5 =	vld [tilespmem:s29+$0x30]  }
0x130: {  	v15 =	vld [tilespmem:s30+$0x20]  }
0x131: {  	v16 =	vld [tilespmem:s30+$0x30]  }
0x132: {  	v17 =	vld [tilespmem:s28+$0x20]  }
0x133: {  	v18 =	vld [tilespmem:s28+$0x30];
	_ =	sdelay $0x2  }
0x134: {  	v7 =	vadd.f32 v15, v4;
	v8 =	vadd.f32 v16, v5;
	_ =	sdelay $0x1  }
0x135: {  	v7 =	vmul.f32 v7, v17;
	v8 =	vmul.f32 v8, v18;
	_ =	sdelay $0x1  }
0x136: {  	v7 =	vadd.f32 v8, v7;
	_ =	sdelay $0x1  }
0x137: {  	v8 =	vperm.xlane v7, v0;
	_ =	sdelay $0x1  }
0x138: {  	v7 =	vadd.f32 v7, v8;
	_ =	sdelay $0x1  }
0x139: {  	v8 =	vperm.xlane v7, v1;
	_ =	sdelay $0x1  }
0x13a: {  	v7 =	vadd.f32 v7, v8;
	_ =	sdelay $0x1  }
0x13b: {  	v8 =	vperm.xlane v7, v2;
	_ =	sdelay $0x1  }
0x13c: {  	v7 =	vadd.f32 v7, v8;
	_ =	sdelay $0x1  }
0x13d: {  	v8 =	vperm.xlane v7, v3;
	_ =	sdelay $0x1  }
0x13e: {  	v7 =	vadd.f32 v7, v8;
	_ =	sdelay $0x1  }
0x13f: {  	v7 =	vmin.f32 v7, $6.000000000e+01  }
0x140: {  	v7 =	vmul.f32 $1.442695020e+00, v7;
	_ =	sdelay $0x1  }
0x141: {  	(erf) = vpow2.f32 v7;
	_ =	sdelay $0x2  }
0x142: {  	v19 =	vld [tilespmem:s30+$0xA0]  }
0x143: {  	v20 =	vld [tilespmem:s30+$0xB0];
	_ =	sdelay $0x3  }
0x144: {  	v4 =	vadd.f32 v19, v4  }
0x145: {  	v5 =	vadd.f32 v20, v5;
	v21 =	vpop (erf)  }
0x146: {  	v4 =	vmul.f32 v21, v4  }
0x147: {  	v5 =	vmul.f32 v21, v5  }
0x148: {  	[tilespmem:s31+$0x20] =	vst v4  }
0x149: {  	[tilespmem:s31+$0x30] =	vst v5  }
0x14a: {  	v4 =	vld [tilespmem:s29+$0x40]  }
0x14b: {  	v5 =	vld [tilespmem:s29+$0x50]  }
0x14c: {  	v22 =	vld [tilespmem:s30+$0x40]  }
0x14d: {  	v23 =	vld [tilespmem:s30+$0x50]  }
0x14e: {  	v24 =	vld [tilespmem:s28+$0x40]  }
0x14f: {  	v25 =	vld [tilespmem:s28+$0x50];
	_ =	sdelay $0x2  }
0x150: {  	v8 =	vadd.f32 v22, v4;
	v9 =	vadd.f32 v23, v5;
	_ =	sdelay $0x1  }
0x151: {  	v8 =	vmul.f32 v8, v24;
	v9 =	vmul.f32 v9, v25;
	_ =	sdelay $0x1  }
0x152: {  	v8 =	vadd.f32 v9, v8;
	_ =	sdelay $0x1  }
0x153: {  	v9 =	vperm.xlane v8, v0;
	_ =	sdelay $0x1  }
0x154: {  	v8 =	vadd.f32 v8, v9;
	_ =	sdelay $0x1  }
0x155: {  	v9 =	vperm.xlane v8, v1;
	_ =	sdelay $0x1  }
0x156: {  	v8 =	vadd.f32 v8, v9;
	_ =	sdelay $0x1  }
0x157: {  	v9 =	vperm.xlane v8, v2;
	_ =	sdelay $0x1  }
0x158: {  	v8 =	vadd.f32 v8, v9;
	_ =	sdelay $0x1  }
0x159: {  	v9 =	vperm.xlane v8, v3;
	_ =	sdelay $0x1  }
0x15a: {  	v8 =	vadd.f32 v8, v9;
	_ =	sdelay $0x1  }
0x15b: {  	v8 =	vmin.f32 v8, $6.000000000e+01  }
0x15c: {  	v8 =	vmul.f32 $1.442695020e+00, v8;
	_ =	sdelay $0x1  }
0x15d: {  	(erf) = vpow2.f32 v8;
	_ =	sdelay $0x2  }
0x15e: {  	v26 =	vld [tilespmem:s30+$0xC0]  }
0x15f: {  	v27 =	vld [tilespmem:s30+$0xD0];
	_ =	sdelay $0x3  }
0x160: {  	v4 =	vadd.f32 v26, v4  }
0x161: {  	v5 =	vadd.f32 v27, v5;
	v28 =	vpop (erf)  }
0x162: {  	v4 =	vmul.f32 v28, v4  }
0x163: {  	v5 =	vmul.f32 v28, v5  }
0x164: {  	[tilespmem:s31+$0x40] =	vst v4  }
0x165: {  	[tilespmem:s31+$0x50] =	vst v5  }
0x166: {  	v4 =	vld [tilespmem:s29+$0x60]  }
0x167: {  	v5 =	vld [tilespmem:s29+$0x70]  }
0x168: {  	v29 =	vld [tilespmem:s30+$0x60]  }
0x169: {  	v30 =	vld [tilespmem:s30+$0x70]  }
0x16a: {  	v31 =	vld [tilespmem:s28+$0x60]  }
0x16b: {  	v32 =	vld [tilespmem:s28+$0x70];
	_ =	sdelay $0x2  }
0x16c: {  	v9 =	vadd.f32 v29, v4;
	v10 =	vadd.f32 v30, v5;
	_ =	sdelay $0x1  }
0x16d: {  	v9 =	vmul.f32 v9, v31;
	v10 =	vmul.f32 v10, v32;
	_ =	sdelay $0x1  }
0x16e: {  	v9 =	vadd.f32 v10, v9;
	_ =	sdelay $0x1  }
0x16f: {  	v10 =	vperm.xlane v9, v0;
	_ =	sdelay $0x1  }
0x170: {  	v9 =	vadd.f32 v9, v10;
	_ =	sdelay $0x1  }
0x171: {  	v10 =	vperm.xlane v9, v1;
	_ =	sdelay $0x1  }
0x172: {  	v9 =	vadd.f32 v9, v10;
	_ =	sdelay $0x1  }
0x173: {  	v10 =	vperm.xlane v9, v2;
	_ =	sdelay $0x1  }
0x174: {  	v9 =	vadd.f32 v9, v10;
	_ =	sdelay $0x1  }
0x175: {  	v10 =	vperm.xlane v9, v3;
	_ =	sdelay $0x1  }
0x176: {  	v9 =	vadd.f32 v9, v10;
	_ =	sdelay $0x1  }
0x177: {  	v9 =	vmin.f32 v9, $6.000000000e+01  }
0x178: {  	v9 =	vmul.f32 $1.442695020e+00, v9;
	_ =	sdelay $0x1  }
0x179: {  	(erf) = vpow2.f32 v9;
	_ =	sdelay $0x2  }
0x17a: {  	v33 =	vld [tilespmem:s30+$0xE0]  }
0x17b: {  	v34 =	vld [tilespmem:s30+$0xF0];
	_ =	sdelay $0x3  }
0x17c: {  	v4 =	vadd.f32 v33, v4  }
0x17d: {  	v5 =	vadd.f32 v34, v5;
	v35 =	vpop (erf)  }
0x17e: {  	v6 =	vsel vm0, v63, v21;
	v4 =	vmul.f32 v35, v4  }
0x17f: {  	v6 =	vsel vm1, v6, v28;
	v5 =	vmul.f32 v35, v5  }
0x180: {  	[tilespmem:s31+$0x60] =	vst v4;
	v4 =	vsel vm2, v6, v35  }
0x181: {  	[tilespmem:s31+$0x70] =	vst v5;
	v4 =	vnsel vm3, $0x0, v4  }
0x182: {  	[tilespmem:s31+$0x80] =	vst v4  }
0x183: {  	v4 =	vld [tilespmem:s29+$0x80]  }
0x184: {  	v5 =	vld [tilespmem:s29+$0x90]  }
0x185: {  	v36 =	vld [tilespmem:s30+$0x100]  }
0x186: {  	v37 =	vld [tilespmem:s30+$0x110]  }
0x187: {  	v38 =	vld [tilespmem:s28+$0x80]  }
0x188: {  	v39 =	vld [tilespmem:s28+$0x90];
	_ =	sdelay $0x2  }
0x189: {  	v6 =	vadd.f32 v36, v4;
	v7 =	vadd.f32 v37, v5;
	_ =	sdelay $0x1  }
0x18a: {  	v6 =	vmul.f32 v6, v38;
	v7 =	vmul.f32 v7, v39;
	_ =	sdelay $0x1  }
0x18b: {  	v6 =	vadd.f32 v7, v6;
	_ =	sdelay $0x1  }
0x18c: {  	v7 =	vperm.xlane v6, v0;
	_ =	sdelay $0x1  }
0x18d: {  	v6 =	vadd.f32 v6, v7;
	_ =	sdelay $0x1  }
0x18e: {  	v7 =	vperm.xlane v6, v1;
	_ =	sdelay $0x1  }
0x18f: {  	v6 =	vadd.f32 v6, v7;
	_ =	sdelay $0x1  }
0x190: {  	v7 =	vperm.xlane v6, v2;
	_ =	sdelay $0x1  }
0x191: {  	v6 =	vadd.f32 v6, v7;
	_ =	sdelay $0x1  }
0x192: {  	v7 =	vperm.xlane v6, v3;
	_ =	sdelay $0x1  }
0x193: {  	v6 =	vadd.f32 v6, v7;
	_ =	sdelay $0x1  }
0x194: {  	v6 =	vmin.f32 v6, $6.000000000e+01  }
0x195: {  	v6 =	vmul.f32 $1.442695020e+00, v6;
	_ =	sdelay $0x1  }
0x196: {  	(erf) = vpow2.f32 v6;
	_ =	sdelay $0x2  }
0x197: {  	v40 =	vld [tilespmem:s30+$0x180]  }
0x198: {  	v41 =	vld [tilespmem:s30+$0x190];
	_ =	sdelay $0x3  }
0x199: {  	v4 =	vadd.f32 v40, v4  }
0x19a: {  	v5 =	vadd.f32 v41, v5;
	v42 =	vpop (erf)  }
0x19b: {  	v4 =	vmul.f32 v42, v4  }
0x19c: {  	v5 =	vmul.f32 v42, v5  }
0x19d: {  	[tilespmem:s31+$0x90] =	vst v4  }
0x19e: {  	[tilespmem:s31+$0xA0] =	vst v5  }
0x19f: {  	v4 =	vld [tilespmem:s29+$0xA0]  }
0x1a0: {  	v5 =	vld [tilespmem:s29+$0xB0]  }
0x1a1: {  	v43 =	vld [tilespmem:s30+$0x120]  }
0x1a2: {  	v44 =	vld [tilespmem:s30+$0x130]  }
0x1a3: {  	v45 =	vld [tilespmem:s28+$0xA0]  }
0x1a4: {  	v46 =	vld [tilespmem:s28+$0xB0];
	_ =	sdelay $0x2  }
0x1a5: {  	v7 =	vadd.f32 v43, v4;
	v8 =	vadd.f32 v44, v5;
	_ =	sdelay $0x1  }
0x1a6: {  	v7 =	vmul.f32 v7, v45;
	v8 =	vmul.f32 v8, v46;
	_ =	sdelay $0x1  }
0x1a7: {  	v7 =	vadd.f32 v8, v7;
	_ =	sdelay $0x1  }
0x1a8: {  	v8 =	vperm.xlane v7, v0;
	_ =	sdelay $0x1  }
0x1a9: {  	v7 =	vadd.f32 v7, v8;
	_ =	sdelay $0x1  }
0x1aa: {  	v8 =	vperm.xlane v7, v1;
	_ =	sdelay $0x1  }
0x1ab: {  	v7 =	vadd.f32 v7, v8;
	_ =	sdelay $0x1  }
0x1ac: {  	v8 =	vperm.xlane v7, v2;
	_ =	sdelay $0x1  }
0x1ad: {  	v7 =	vadd.f32 v7, v8;
	_ =	sdelay $0x1  }
0x1ae: {  	v8 =	vperm.xlane v7, v3;
	_ =	sdelay $0x1  }
0x1af: {  	v7 =	vadd.f32 v7, v8;
	_ =	sdelay $0x1  }
0x1b0: {  	v7 =	vmin.f32 v7, $6.000000000e+01  }
0x1b1: {  	v7 =	vmul.f32 $1.442695020e+00, v7;
	_ =	sdelay $0x1  }
0x1b2: {  	(erf) = vpow2.f32 v7;
	_ =	sdelay $0x2  }
0x1b3: {  	v47 =	vld [tilespmem:s30+$0x1A0]  }
0x1b4: {  	v48 =	vld [tilespmem:s30+$0x1B0];
	_ =	sdelay $0x3  }
0x1b5: {  	v4 =	vadd.f32 v47, v4  }
0x1b6: {  	v5 =	vadd.f32 v48, v5;
	v49 =	vpop (erf)  }
0x1b7: {  	v4 =	vmul.f32 v49, v4  }
0x1b8: {  	v5 =	vmul.f32 v49, v5  }
0x1b9: {  	[tilespmem:s31+$0xB0] =	vst v4  }
0x1ba: {  	[tilespmem:s31+$0xC0] =	vst v5  }
0x1bb: {  	v4 =	vld [tilespmem:s29+$0xC0]  }
0x1bc: {  	v5 =	vld [tilespmem:s29+$0xD0]  }
0x1bd: {  	v50 =	vld [tilespmem:s30+$0x140]  }
0x1be: {  	v51 =	vld [tilespmem:s30+$0x150]  }
0x1bf: {  	v52 =	vld [tilespmem:s28+$0xC0]  }
0x1c0: {  	v53 =	vld [tilespmem:s28+$0xD0];
	_ =	sdelay $0x2  }
0x1c1: {  	v8 =	vadd.f32 v50, v4;
	v9 =	vadd.f32 v51, v5;
	_ =	sdelay $0x1  }
0x1c2: {  	v8 =	vmul.f32 v8, v52;
	v9 =	vmul.f32 v9, v53;
	_ =	sdelay $0x1  }
0x1c3: {  	v8 =	vadd.f32 v9, v8;
	_ =	sdelay $0x1  }
0x1c4: {  	v9 =	vperm.xlane v8, v0;
	_ =	sdelay $0x1  }
0x1c5: {  	v8 =	vadd.f32 v8, v9;
	_ =	sdelay $0x1  }
0x1c6: {  	v9 =	vperm.xlane v8, v1;
	_ =	sdelay $0x1  }
0x1c7: {  	v8 =	vadd.f32 v8, v9;
	_ =	sdelay $0x1  }
0x1c8: {  	v9 =	vperm.xlane v8, v2;
	_ =	sdelay $0x1  }
0x1c9: {  	v8 =	vadd.f32 v8, v9;
	_ =	sdelay $0x1  }
0x1ca: {  	v9 =	vperm.xlane v8, v3;
	_ =	sdelay $0x1  }
0x1cb: {  	v8 =	vadd.f32 v8, v9;
	_ =	sdelay $0x1  }
0x1cc: {  	v8 =	vmin.f32 v8, $6.000000000e+01  }
0x1cd: {  	v8 =	vmul.f32 $1.442695020e+00, v8;
	_ =	sdelay $0x1  }
0x1ce: {  	(erf) = vpow2.f32 v8;
	_ =	sdelay $0x2  }
0x1cf: {  	v54 =	vld [tilespmem:s30+$0x1C0]  }
0x1d0: {  	v55 =	vld [tilespmem:s30+$0x1D0];
	_ =	sdelay $0x3  }
0x1d1: {  	v4 =	vadd.f32 v54, v4  }
0x1d2: {  	v5 =	vadd.f32 v55, v5;
	v56 =	vpop (erf)  }
0x1d3: {  	v4 =	vmul.f32 v56, v4  }
0x1d4: {  	v5 =	vmul.f32 v56, v5  }
0x1d5: {  	[tilespmem:s31+$0xD0] =	vst v4  }
0x1d6: {  	[tilespmem:s31+$0xE0] =	vst v5  }
0x1d7: {  	v4 =	vld [tilespmem:s29+$0xE0]  }
0x1d8: {  	v5 =	vld [tilespmem:s29+$0xF0]  }
0x1d9: {  	v57 =	vld [tilespmem:s30+$0x160]  }
0x1da: {  	v58 =	vld [tilespmem:s30+$0x170]  }
0x1db: {  	v59 =	vld [tilespmem:s28+$0xE0]  }
0x1dc: {  	v60 =	vld [tilespmem:s28+$0xF0];
	_ =	sdelay $0x2  }
0x1dd: {  	v9 =	vadd.f32 v57, v4;
	v10 =	vadd.f32 v58, v5;
	_ =	sdelay $0x1  }
0x1de: {  	v9 =	vmul.f32 v9, v59;
	v10 =	vmul.f32 v10, v60;
	_ =	sdelay $0x1  }
0x1df: {  	v9 =	vadd.f32 v10, v9;
	_ =	sdelay $0x1  }
0x1e0: {  	v10 =	vperm.xlane v9, v0;
	_ =	sdelay $0x1  }
0x1e1: {  	v9 =	vadd.f32 v9, v10;
	_ =	sdelay $0x1  }
0x1e2: {  	v10 =	vperm.xlane v9, v1;
	_ =	sdelay $0x1  }
0x1e3: {  	v9 =	vadd.f32 v9, v10;
	_ =	sdelay $0x1  }
0x1e4: {  	v10 =	vperm.xlane v9, v2;
	_ =	sdelay $0x1  }
0x1e5: {  	v9 =	vadd.f32 v9, v10;
	_ =	sdelay $0x1  }
0x1e6: {  	v10 =	vperm.xlane v9, v3;
	_ =	sdelay $0x1  }
0x1e7: {  	v9 =	vadd.f32 v9, v10;
	_ =	sdelay $0x1  }
0x1e8: {  	v9 =	vmin.f32 v9, $6.000000000e+01  }
0x1e9: {  	v9 =	vmul.f32 $1.442695020e+00, v9;
	_ =	sdelay $0x1  }
0x1ea: {  	(erf) = vpow2.f32 v9;
	_ =	sdelay $0x2  }
0x1eb: {  	v61 =	vld [tilespmem:s30+$0x1E0]  }
0x1ec: {  	v62 =	vld [tilespmem:s30+$0x1F0];
	_ =	sdelay $0x3  }
0x1ed: {  	s26 =	sadd.s32 $0x4, s26;
	v4 =	vadd.f32 v61, v4  }
0x1ee: {  	p0 =	slt.u32 s26, $0x24;
	v5 =	vadd.f32 v62, v5;
	v63 =	vpop (erf)  }
.Ltmp0:
0x1ef: {  	v6 =	vsel vm0, v42, v49;
	v4 =	vmul.f32 v63, v4;
	(pc) =	sbr.rel @p0 .LBB2_3-.Ltmp0, $4  }
0x1f0: {  	v6 =	vsel vm1, v6, v56;
	v5 =	vmul.f32 v63, v5  }
0x1f1: {  	[tilespmem:s31+$0xF0] =	vst v4;
	v4 =	vsel vm2, v6, v63  }
0x1f2: {  	s28 =	sadd.s32 $0x200, s28;
	[tilespmem:s31+$0x100] =	vst v5;
	v4 =	vnsel vm3, $0x0, v4  }
0x1f3: {  	s29 =	sadd.s32 $0x200, s29;
	s30 =	sadd.s32 $0x400, s30;
	[tilespmem:s31+$0x110] =	vst v4;
	s31 =	sadd.s32 $0x240, s31  }
0x1f4: {  	s25 =	sadd.s32 $0x1, s25  }
0x1f5: {  	p0 =	sne.s32 s25, $0xFA  }
.Ltmp1:
0x1f6: {  	_ = 	snop;
	(pc) =	sbr.rel @p0 .LBB2_2-.Ltmp1, $4  }
0x1f7: {  	[spmem:s2] =	stream.indirect.scatter.add.f32 [tilespmem:s23], [sflag:$0x3], $0x90, s16, s18, $0xb8;
	[tilespmem:$0x1C660] =	vst v63  }
0x1f8: {  	_ =	swait.ge [sflag:s14], $0x1680  }
0x1f9: {  	[sflag:s14] =	ssyncset.done $0x0  }
0x1fa: {  	[sflag:s14] =	ssyncadd.s32 $0xFFFFE980  }
0x1fb: {  	s24 =	sadd.s32 $0x1, s24  }
0x1fc: {  	p0 =	sne.s32 s24, s12  }
.Ltmp2:
0x1fd: {  	[bflag:$0x0] =	sbarrier.arrive $0xFFFF;
	(pc) =	sbr.rel @p0 .LBB2_1-.Ltmp2, $4  }
0x1fe: {  	[hbm:s11], [sflag:s9] =	dma.local [spmem:s13], $0x2BF2  }
0x1ff: {  	_ =	swait.ge [sflag:s14], $0x2BF2  }
0x200: {  	[sflag:s14] =	ssyncset.done $0x0  }
0x201: {  	[sflag:s14] =	ssyncadd.s32 $0xFFFFD40E  }
0x202: {  	_ =	sfence.sel $0x180000  }
0x203: {  	[bflag:$0x0] =	sbarrier.arrive $0xFFFF  }
0x204: {  	p0 =	sne.s32 s3, $0x0;
	_ =	strace $0x90000047  }
0x205: {  	s0 =	sadd.s32 @!p0 $0x100000, s0;
	[bflag:$0x2] =	sbarrier.arrive $0xFFFF  }
0x206: {  	[sflag:s0] =	ssyncadd.tile.s32 @!p0 $0x1;
	_ =	shalt  }
.Lfunc_end2:
_tile_overlayer_lowered:
.L_overlay_start_2:
0x207: {  	(tag) =	ssettag $0x2  }
0x208: {  	s0 =	rddreg [dreg:$0x0];
	s2 =	stileid.u32  }
0x209: {  	s1 =	rddreg [dreg:$0x1];
	p0 =	sne.s32 s2, $0x0  }
0x20a: {  	s3 =	rddreg [dreg:$0x2];
	[bflag:$0x3] =	sbarrier.arrive $0xFFFF;
	s2 =	simm.s32 @!p0 $0x1C03  }
0x20b: {  	[timem:s3], [sflag:s2] =	dma.local @!p0 [hbm:s0], s1  }
0x20c: {  	s0 =	simm.s32 @!p0 $0x3  }
0x20d: {  	_ =	swait.ge @!p0 [sflag:s0], s1  }
0x20e: {  	s1 =	ssub.s32 @!p0 $0x0, s1;
	[sflag:s0] =	ssyncset.done @!p0 $0x0  }
0x20f: {  	[sflag:s0] =	ssyncadd.s32 @!p0 s1  }
0x210: {  	[bflag:$0x3] =	sbarrier.arrive $0xFFFF  }
0x211: {  	_ =	shalt  }

</sc_bundles>
